<compile_context>
chip_gen: v7x
topology: tpu7x:2x2x1
jax: 0.10.2.dev20260603
libtpu: 0.0.44.dev20260713+nightly
codegen_flags: <defaults>
</compile_context>

<pallas_src>
import functools

import jax
import jax.numpy as jnp
from jax import lax
from jax.experimental import pallas as pl
from jax.experimental.pallas import tpu as pltpu
from jax.experimental.pallas import tpu_sc as plsc

_L = 16
_BB = 128


@functools.lru_cache(maxsize=None)
def _make_gather(n_b, n_s, v_rows, d):
    dp = d
    nbb = n_b // _BB
    n_sblk = n_s // 8
    info = plsc.get_sparse_core_info()
    nc, ns = info.num_cores, info.num_subcores
    assert nc * ns == nbb
    db = d // 8

    mesh = plsc.VectorSubcoreMesh(core_axis_name="c", subcore_axis_name="s")

    @functools.partial(
        pl.kernel,
        mesh=mesh,
        compiler_params=pltpu.CompilerParams(
            use_tc_tiling_on_sc=False, needs_layout_passes=False),
        out_type=jax.ShapeDtypeStruct((n_s, db, nbb, 8, _BB), jnp.float32),
        scratch_types=[
            pltpu.VMEM((n_sblk, 8, _BB), jnp.int32),
            pltpu.VMEM((_BB, 2 * d), jnp.float32),
            pltpu.VMEM((_BB, 2 * d), jnp.float32),
            pltpu.VMEM((db, 8, _BB + 1), jnp.float32),
            pltpu.VMEM((db, 8, _BB + 1), jnp.float32),
            pltpu.SemaphoreType.DMA((2,)),
            pltpu.SemaphoreType.DMA((2,)),
        ],
    )
    def gather(table_hbm, idx_hbm, out_hbm, idx_v,
               g0a, g0b, ta, tb, gsem, ssem):
        w = lax.axis_index("s") * nc + lax.axis_index("c")
        g0 = (g0a, g0b)
        tv = (ta, tb)

        pltpu.sync_copy(idx_hbm.at[:, w], idx_v)

        def idx_row(s):
            return idx_v.at[s // 8, s % 8]

        def fire_gather(s, b):
            pltpu.async_copy(table_hbm.at[idx_row(s)], g0[b], gsem.at[b])

        def wait_gather(s, b):
            pltpu.make_async_copy(
                table_hbm.at[idx_row(s)], g0[b], gsem.at[b]).wait()

        def fire_store(s, b):
            pltpu.async_copy(
                tv[b].at[:, :, : _BB], out_hbm.at[s, :, w], ssem.at[b])

        def wait_store(s, b):
            pltpu.make_async_copy(
                tv[b].at[:, :, : _BB], out_hbm.at[s, :, w], ssem.at[b]).wait()

        lanes = lax.iota(jnp.int32, _L)

        dvecs = [((lanes + d0) // 8, (lanes + d0) % 8) for d0 in range(0, d, _L)]

        def transpose(b):
            def group(g, tokv):
                tok0 = g * 4
                tvs = [tokv + t for t in range(4)]
                vecs = [
                    g0[b][tok0 + t, pl.ds(q * _L, _L)]
                    for t in range(4)
                    for q in range(len(dvecs))
                ]
                i = 0
                for t in range(4):
                    for dbv, div in dvecs:
                        plsc.store_scatter(tv[b], [dbv, div, tvs[t]], vecs[i])
                        i += 1
                return tokv + 4

            lax.fori_loop(0, _BB // 4, group, jnp.zeros((_L,), jnp.int32))

        fire_gather(0, 0)
        fire_gather(1, 1)

        wait_gather(0, 0)
        transpose(0)
        fire_store(0, 0)
        fire_gather(2, 0)
        wait_gather(1, 1)
        transpose(1)
        fire_store(1, 1)
        fire_gather(3, 1)

        def step(s, b, last):
            wait_gather(s, b)
            wait_store(s - 2, b)
            transpose(b)
            fire_store(s, b)
            if not last:
                fire_gather(s + 2, b)

        def body(k, carry):
            step(2 * k + 2, 0, False)
            step(2 * k + 3, 1, False)
            return carry

        lax.fori_loop(0, (n_s - 4) // 2, body, 0)

        step(n_s - 2, 0, True)
        step(n_s - 1, 1, True)
        wait_store(n_s - 2, 0)
        wait_store(n_s - 1, 1)

    return gather


def kernel(x, table):
    b, s = x.shape
    v, d = table.shape
    x4 = x.T.reshape(s // 8, 8, b // _BB, _BB).transpose(0, 2, 1, 3)
    tablep = jnp.pad(table, ((0, 0), (0, d)))
    out5 = _make_gather(b, s, v, d)(tablep, x4)
    out = out5.transpose(2, 4, 0, 1, 3).reshape(b, s, d)
    return out

# --- scband reference (transcript-rebuilt; emitter-appended) ---
"""Pipeline reference for scband-encoder-pre-net-49890340110758 (READ-ONLY COPY).

The authoritative reference and input builder live on the scoring server;
editing this copy changes nothing except your own understanding.
"""

import jax, jax.numpy as jnp
import numpy as np

N_VOCAB = 1000000
EMBED_DIM = 64
BLANK_ID = 0
BATCH = 4096
SEQ = 200


def setup_inputs(seed: int = 0) -> dict:
    key = jax.random.key(seed)
    k_idx, k_tab = jax.random.split(key)
    x = jax.random.randint(k_idx, (BATCH, SEQ), 0, N_VOCAB, dtype=jnp.int32)
    # nn.Embedding weight: N(0,1) init, padding_idx row zeroed
    table = jax.random.normal(k_tab, (N_VOCAB, EMBED_DIM), dtype=jnp.float32)
    table = table.at[BLANK_ID].set(0.0)
    return {"x": x, "table": table}


def reference(x, table):
    # EncoderPreNet.forward: token embedding lookup (gather rows of the table)
    return jnp.take(table, x, axis=0)

if __name__ == "__main__":
    import jax
    _d = setup_inputs()
    print(jax.jit(kernel)(*tuple(_d.values())))

</pallas_src>

<mosaic_0001>
#map = affine_map<(d0, d1) -> (0, 0)>
#map1 = affine_map<(d0, d1) -> (0, 0, 0, 0)>
#map2 = affine_map<(d0, d1) -> (0, 0, 0, 0, 0)>
module attributes {stable_mosaic.version = 14 : i64} {
  func.func @gather(%arg0: i32, %arg1: i32, %arg2: memref<1000000x128xf32, #tpu.memory_space<hbm>>, %arg3: memref<25x32x8x128xi32, #tpu.memory_space<hbm>>, %arg4: memref<200x8x32x8x128xf32, #tpu.memory_space<hbm>>, %arg5: memref<25x8x128xi32, #tpu.memory_space<vmem>>, %arg6: memref<128x128xf32, #tpu.memory_space<vmem>>, %arg7: memref<128x128xf32, #tpu.memory_space<vmem>>, %arg8: memref<8x8x129xf32, #tpu.memory_space<vmem>>, %arg9: memref<8x8x129xf32, #tpu.memory_space<vmem>>, %arg10: memref<2x!tpu.dma_semaphore, #tpu.memory_space<semaphore_mem>>, %arg11: memref<2x!tpu.dma_semaphore, #tpu.memory_space<semaphore_mem>>) attributes {dimension_semantics = [#tpu.dimension_semantics<core_parallel>, #tpu.dimension_semantics<subcore_parallel>], iteration_bounds = array<i64: 2, 16>, scalar_prefetch = 0 : i64, scratch_operands = 7 : i64, tpu.core_type = #tpu.core_type<sc_vector_subcore>, window_params = [{transform_indices = #map}, {transform_indices = #map1}, {transform_indices = #map2}]} {
    %mul3A = arith.constant 2 : i32
    %mul3A_0 = arith.muli %arg1, %mul3A : i32
    %add3A = arith.addi %mul3A_0, %arg0 : i32
    "tpu.region"() ({
      %run_scoped3A = tpu.sem_alloc : memref<!tpu.dma_semaphore, #tpu.memory_space<semaphore_mem>>
      %dma_start3A_525 = arith.constant 0 : i32
      %dma_start3A_526 = arith.constant 0 : i32
      %dma_start3A_527 = arith.constant 0 : i32
      %dma_start3A_528 = tpu.memref_slice %arg3[%dma_start3A_525, %add3A, %dma_start3A_526, %dma_start3A_527] : memref<25x32x8x128xi32, #tpu.memory_space<hbm>> -> memref<25x1x8x128xi32, #tpu.memory_space<hbm>>
      %dma_start3A_529 = tpu.memref_squeeze %dma_start3A_528 : memref<25x1x8x128xi32, #tpu.memory_space<hbm>> -> memref<25x8x128xi32, #tpu.memory_space<hbm>>
      %dma_start3A_530 = arith.constant 0 : i32
      %dma_start3A_531 = arith.constant 0 : i32
      %dma_start3A_532 = arith.constant 0 : i32
      %dma_start3A_533 = tpu.memref_slice %arg3[%dma_start3A_530, %add3A, %dma_start3A_531, %dma_start3A_532] : memref<25x32x8x128xi32, #tpu.memory_space<hbm>> -> memref<25x1x8x128xi32, #tpu.memory_space<hbm>>
      %dma_start3A_534 = tpu.memref_squeeze %dma_start3A_533 : memref<25x1x8x128xi32, #tpu.memory_space<hbm>> -> memref<25x8x128xi32, #tpu.memory_space<hbm>>
      tpu.enqueue_dma source(%dma_start3A_534 : memref<25x8x128xi32, #tpu.memory_space<hbm>>) target(%arg5 : memref<25x8x128xi32, #tpu.memory_space<vmem>>) target_semaphore(%run_scoped3A : memref<!tpu.dma_semaphore, #tpu.memory_space<semaphore_mem>>)
      %dma_wait3A_535 = arith.constant 0 : i32
      %dma_wait3A_536 = arith.constant 0 : i32
      %dma_wait3A_537 = arith.constant 0 : i32
      %dma_wait3A_538 = tpu.memref_slice %arg3[%dma_wait3A_535, %add3A, %dma_wait3A_536, %dma_wait3A_537] : memref<25x32x8x128xi32, #tpu.memory_space<hbm>> -> memref<25x1x8x128xi32, #tpu.memory_space<hbm>>
      %dma_wait3A_539 = tpu.memref_squeeze %dma_wait3A_538 : memref<25x1x8x128xi32, #tpu.memory_space<hbm>> -> memref<25x8x128xi32, #tpu.memory_space<hbm>>
      %dma_wait3A_540 = arith.constant 0 : i32
      %dma_wait3A_541 = arith.constant 0 : i32
      %dma_wait3A_542 = arith.constant 0 : i32
      %dma_wait3A_543 = tpu.memref_slice %arg3[%dma_wait3A_540, %add3A, %dma_wait3A_541, %dma_wait3A_542] : memref<25x32x8x128xi32, #tpu.memory_space<hbm>> -> memref<25x1x8x128xi32, #tpu.memory_space<hbm>>
      %dma_wait3A_544 = tpu.memref_squeeze %dma_wait3A_543 : memref<25x1x8x128xi32, #tpu.memory_space<hbm>> -> memref<25x8x128xi32, #tpu.memory_space<hbm>>
      tpu.wait_dma2 semaphore(%run_scoped3A : memref<!tpu.dma_semaphore, #tpu.memory_space<semaphore_mem>>) src(%dma_wait3A_544 : memref<25x8x128xi32, #tpu.memory_space<hbm>>) dst(%arg5 : memref<25x8x128xi32, #tpu.memory_space<vmem>>)
      tpu.yield
    }) : () -> ()
    %iota3A = tpu.iota {dimensions = array<i32: 0>} : vector<16xi32>
    %add3A_1 = arith.constant 0 : i32
    %add3A_2 = vector.broadcast %add3A_1 : i32 to vector<16xi32>
    %add3A_3 = arith.addi %iota3A, %add3A_2 : vector<16xi32>
    %jit3A = arith.constant 8 : i32
    %div3A = vector.broadcast %jit3A : i32 to vector<16xi32>
    %div3A_4 = arith.divsi %add3A_3, %div3A : vector<16xi32>
    %sign3A = arith.constant 0 : i32
    %sign3A_5 = vector.broadcast %sign3A : i32 to vector<16xi32>
    %sign3A_6 = arith.cmpi sgt, %add3A_3, %sign3A_5 : vector<16xi32>
    %sign3A_7 = arith.extui %sign3A_6 : vector<16xi1> to vector<16xi32>
    %sign3A_8 = arith.constant 0 : i32
    %sign3A_9 = vector.broadcast %sign3A_8 : i32 to vector<16xi32>
    %sign3A_10 = arith.cmpi slt, %add3A_3, %sign3A_9 : vector<16xi32>
    %sign3A_11 = arith.extui %sign3A_10 : vector<16xi1> to vector<16xi32>
    %sign3A_12 = arith.subi %sign3A_7, %sign3A_11 : vector<16xi32>
    %sign3A_13 = arith.constant 0 : i32
    %sign3A_14 = arith.cmpi sgt, %jit3A, %sign3A_13 : i32
    %sign3A_15 = arith.extui %sign3A_14 : i1 to i32
    %sign3A_16 = arith.constant 0 : i32
    %sign3A_17 = arith.cmpi slt, %jit3A, %sign3A_16 : i32
    %sign3A_18 = arith.extui %sign3A_17 : i1 to i32
    %sign3A_19 = arith.subi %sign3A_15, %sign3A_18 : i32
    %ne3A = vector.broadcast %sign3A_19 : i32 to vector<16xi32>
    %ne3A_20 = arith.cmpi ne, %sign3A_12, %ne3A : vector<16xi32>
    %rem3A = vector.broadcast %jit3A : i32 to vector<16xi32>
    %rem3A_21 = arith.remsi %add3A_3, %rem3A : vector<16xi32>
    %ne3A_22 = arith.constant 0 : i32
    %ne3A_23 = vector.broadcast %ne3A_22 : i32 to vector<16xi32>
    %ne3A_24 = arith.cmpi ne, %rem3A_21, %ne3A_23 : vector<16xi32>
    %and3A = arith.andi %ne3A_20, %ne3A_24 : vector<16xi1>
    %sub3A = arith.constant 1 : i32
    %sub3A_25 = vector.broadcast %sub3A : i32 to vector<16xi32>
    %sub3A_26 = arith.subi %div3A_4, %sub3A_25 : vector<16xi32>
    %select_n3A = arith.select %and3A, %sub3A_26, %div3A_4 : vector<16xi1>, vector<16xi32>
    %add3A_27 = arith.constant 0 : i32
    %add3A_28 = vector.broadcast %add3A_27 : i32 to vector<16xi32>
    %add3A_29 = arith.addi %iota3A, %add3A_28 : vector<16xi32>
    %jit3A_30 = arith.constant 8 : i32
    %eq3A = arith.constant 0 : i32
    %eq3A_31 = arith.cmpi eq, %jit3A_30, %eq3A : i32
    %jit3A_32 = arith.constant 1 : i32
    %select_n3A_33 = arith.select %eq3A_31, %jit3A_32, %jit3A_30 : i32
    %rem3A_34 = vector.broadcast %select_n3A_33 : i32 to vector<16xi32>
    %rem3A_35 = arith.remsi %add3A_29, %rem3A_34 : vector<16xi32>
    %ne3A_36 = arith.constant 0 : i32
    %ne3A_37 = vector.broadcast %ne3A_36 : i32 to vector<16xi32>
    %ne3A_38 = arith.cmpi ne, %rem3A_35, %ne3A_37 : vector<16xi32>
    %lt3A = arith.constant 0 : i32
    %lt3A_39 = vector.broadcast %lt3A : i32 to vector<16xi32>
    %lt3A_40 = arith.cmpi slt, %rem3A_35, %lt3A_39 : vector<16xi32>
    %lt3A_41 = arith.constant 0 : i32
    %lt3A_42 = arith.cmpi slt, %select_n3A_33, %lt3A_41 : i32
    %ne3A_43 = vector.broadcast %lt3A_42 : i1 to vector<16xi1>
    %ne3A_44 = vector.broadcast %ne3A_43 : vector<16xi1> to vector<16xi1>
    %ne3A_45 = arith.xori %lt3A_40, %ne3A_44 : vector<16xi1>
    %and3A_46 = arith.andi %ne3A_45, %ne3A_38 : vector<16xi1>
    %add3A_47 = vector.broadcast %select_n3A_33 : i32 to vector<16xi32>
    %add3A_48 = arith.addi %rem3A_35, %add3A_47 : vector<16xi32>
    %select_n3A_49 = arith.select %and3A_46, %add3A_48, %rem3A_35 : vector<16xi1>, vector<16xi32>
    %add3A_50 = arith.constant 16 : i32
    %add3A_51 = vector.broadcast %add3A_50 : i32 to vector<16xi32>
    %add3A_52 = arith.addi %iota3A, %add3A_51 : vector<16xi32>
    %jit3A_53 = arith.constant 8 : i32
    %div3A_54 = vector.broadcast %jit3A_53 : i32 to vector<16xi32>
    %div3A_55 = arith.divsi %add3A_52, %div3A_54 : vector<16xi32>
    %sign3A_56 = arith.constant 0 : i32
    %sign3A_57 = vector.broadcast %sign3A_56 : i32 to vector<16xi32>
    %sign3A_58 = arith.cmpi sgt, %add3A_52, %sign3A_57 : vector<16xi32>
    %sign3A_59 = arith.extui %sign3A_58 : vector<16xi1> to vector<16xi32>
    %sign3A_60 = arith.constant 0 : i32
    %sign3A_61 = vector.broadcast %sign3A_60 : i32 to vector<16xi32>
    %sign3A_62 = arith.cmpi slt, %add3A_52, %sign3A_61 : vector<16xi32>
    %sign3A_63 = arith.extui %sign3A_62 : vector<16xi1> to vector<16xi32>
    %sign3A_64 = arith.subi %sign3A_59, %sign3A_63 : vector<16xi32>
    %sign3A_65 = arith.constant 0 : i32
    %sign3A_66 = arith.cmpi sgt, %jit3A_53, %sign3A_65 : i32
    %sign3A_67 = arith.extui %sign3A_66 : i1 to i32
    %sign3A_68 = arith.constant 0 : i32
    %sign3A_69 = arith.cmpi slt, %jit3A_53, %sign3A_68 : i32
    %sign3A_70 = arith.extui %sign3A_69 : i1 to i32
    %sign3A_71 = arith.subi %sign3A_67, %sign3A_70 : i32
    %ne3A_72 = vector.broadcast %sign3A_71 : i32 to vector<16xi32>
    %ne3A_73 = arith.cmpi ne, %sign3A_64, %ne3A_72 : vector<16xi32>
    %rem3A_74 = vector.broadcast %jit3A_53 : i32 to vector<16xi32>
    %rem3A_75 = arith.remsi %add3A_52, %rem3A_74 : vector<16xi32>
    %ne3A_76 = arith.constant 0 : i32
    %ne3A_77 = vector.broadcast %ne3A_76 : i32 to vector<16xi32>
    %ne3A_78 = arith.cmpi ne, %rem3A_75, %ne3A_77 : vector<16xi32>
    %and3A_79 = arith.andi %ne3A_73, %ne3A_78 : vector<16xi1>
    %sub3A_80 = arith.constant 1 : i32
    %sub3A_81 = vector.broadcast %sub3A_80 : i32 to vector<16xi32>
    %sub3A_82 = arith.subi %div3A_55, %sub3A_81 : vector<16xi32>
    %select_n3A_83 = arith.select %and3A_79, %sub3A_82, %div3A_55 : vector<16xi1>, vector<16xi32>
    %add3A_84 = arith.constant 16 : i32
    %add3A_85 = vector.broadcast %add3A_84 : i32 to vector<16xi32>
    %add3A_86 = arith.addi %iota3A, %add3A_85 : vector<16xi32>
    %jit3A_87 = arith.constant 8 : i32
    %eq3A_88 = arith.constant 0 : i32
    %eq3A_89 = arith.cmpi eq, %jit3A_87, %eq3A_88 : i32
    %jit3A_90 = arith.constant 1 : i32
    %select_n3A_91 = arith.select %eq3A_89, %jit3A_90, %jit3A_87 : i32
    %rem3A_92 = vector.broadcast %select_n3A_91 : i32 to vector<16xi32>
    %rem3A_93 = arith.remsi %add3A_86, %rem3A_92 : vector<16xi32>
    %ne3A_94 = arith.constant 0 : i32
    %ne3A_95 = vector.broadcast %ne3A_94 : i32 to vector<16xi32>
    %ne3A_96 = arith.cmpi ne, %rem3A_93, %ne3A_95 : vector<16xi32>
    %lt3A_97 = arith.constant 0 : i32
    %lt3A_98 = vector.broadcast %lt3A_97 : i32 to vector<16xi32>
    %lt3A_99 = arith.cmpi slt, %rem3A_93, %lt3A_98 : vector<16xi32>
    %lt3A_100 = arith.constant 0 : i32
    %lt3A_101 = arith.cmpi slt, %select_n3A_91, %lt3A_100 : i32
    %ne3A_102 = vector.broadcast %lt3A_101 : i1 to vector<16xi1>
    %ne3A_103 = vector.broadcast %ne3A_102 : vector<16xi1> to vector<16xi1>
    %ne3A_104 = arith.xori %lt3A_99, %ne3A_103 : vector<16xi1>
    %and3A_105 = arith.andi %ne3A_104, %ne3A_96 : vector<16xi1>
    %add3A_106 = vector.broadcast %select_n3A_91 : i32 to vector<16xi32>
    %add3A_107 = arith.addi %rem3A_93, %add3A_106 : vector<16xi32>
    %select_n3A_108 = arith.select %and3A_105, %add3A_107, %rem3A_93 : vector<16xi1>, vector<16xi32>
    %add3A_109 = arith.constant 32 : i32
    %add3A_110 = vector.broadcast %add3A_109 : i32 to vector<16xi32>
    %add3A_111 = arith.addi %iota3A, %add3A_110 : vector<16xi32>
    %jit3A_112 = arith.constant 8 : i32
    %div3A_113 = vector.broadcast %jit3A_112 : i32 to vector<16xi32>
    %div3A_114 = arith.divsi %add3A_111, %div3A_113 : vector<16xi32>
    %sign3A_115 = arith.constant 0 : i32
    %sign3A_116 = vector.broadcast %sign3A_115 : i32 to vector<16xi32>
    %sign3A_117 = arith.cmpi sgt, %add3A_111, %sign3A_116 : vector<16xi32>
    %sign3A_118 = arith.extui %sign3A_117 : vector<16xi1> to vector<16xi32>
    %sign3A_119 = arith.constant 0 : i32
    %sign3A_120 = vector.broadcast %sign3A_119 : i32 to vector<16xi32>
    %sign3A_121 = arith.cmpi slt, %add3A_111, %sign3A_120 : vector<16xi32>
    %sign3A_122 = arith.extui %sign3A_121 : vector<16xi1> to vector<16xi32>
    %sign3A_123 = arith.subi %sign3A_118, %sign3A_122 : vector<16xi32>
    %sign3A_124 = arith.constant 0 : i32
    %sign3A_125 = arith.cmpi sgt, %jit3A_112, %sign3A_124 : i32
    %sign3A_126 = arith.extui %sign3A_125 : i1 to i32
    %sign3A_127 = arith.constant 0 : i32
    %sign3A_128 = arith.cmpi slt, %jit3A_112, %sign3A_127 : i32
    %sign3A_129 = arith.extui %sign3A_128 : i1 to i32
    %sign3A_130 = arith.subi %sign3A_126, %sign3A_129 : i32
    %ne3A_131 = vector.broadcast %sign3A_130 : i32 to vector<16xi32>
    %ne3A_132 = arith.cmpi ne, %sign3A_123, %ne3A_131 : vector<16xi32>
    %rem3A_133 = vector.broadcast %jit3A_112 : i32 to vector<16xi32>
    %rem3A_134 = arith.remsi %add3A_111, %rem3A_133 : vector<16xi32>
    %ne3A_135 = arith.constant 0 : i32
    %ne3A_136 = vector.broadcast %ne3A_135 : i32 to vector<16xi32>
    %ne3A_137 = arith.cmpi ne, %rem3A_134, %ne3A_136 : vector<16xi32>
    %and3A_138 = arith.andi %ne3A_132, %ne3A_137 : vector<16xi1>
    %sub3A_139 = arith.constant 1 : i32
    %sub3A_140 = vector.broadcast %sub3A_139 : i32 to vector<16xi32>
    %sub3A_141 = arith.subi %div3A_114, %sub3A_140 : vector<16xi32>
    %select_n3A_142 = arith.select %and3A_138, %sub3A_141, %div3A_114 : vector<16xi1>, vector<16xi32>
    %add3A_143 = arith.constant 32 : i32
    %add3A_144 = vector.broadcast %add3A_143 : i32 to vector<16xi32>
    %add3A_145 = arith.addi %iota3A, %add3A_144 : vector<16xi32>
    %jit3A_146 = arith.constant 8 : i32
    %eq3A_147 = arith.constant 0 : i32
    %eq3A_148 = arith.cmpi eq, %jit3A_146, %eq3A_147 : i32
    %jit3A_149 = arith.constant 1 : i32
    %select_n3A_150 = arith.select %eq3A_148, %jit3A_149, %jit3A_146 : i32
    %rem3A_151 = vector.broadcast %select_n3A_150 : i32 to vector<16xi32>
    %rem3A_152 = arith.remsi %add3A_145, %rem3A_151 : vector<16xi32>
    %ne3A_153 = arith.constant 0 : i32
    %ne3A_154 = vector.broadcast %ne3A_153 : i32 to vector<16xi32>
    %ne3A_155 = arith.cmpi ne, %rem3A_152, %ne3A_154 : vector<16xi32>
    %lt3A_156 = arith.constant 0 : i32
    %lt3A_157 = vector.broadcast %lt3A_156 : i32 to vector<16xi32>
    %lt3A_158 = arith.cmpi slt, %rem3A_152, %lt3A_157 : vector<16xi32>
    %lt3A_159 = arith.constant 0 : i32
    %lt3A_160 = arith.cmpi slt, %select_n3A_150, %lt3A_159 : i32
    %ne3A_161 = vector.broadcast %lt3A_160 : i1 to vector<16xi1>
    %ne3A_162 = vector.broadcast %ne3A_161 : vector<16xi1> to vector<16xi1>
    %ne3A_163 = arith.xori %lt3A_158, %ne3A_162 : vector<16xi1>
    %and3A_164 = arith.andi %ne3A_163, %ne3A_155 : vector<16xi1>
    %add3A_165 = vector.broadcast %select_n3A_150 : i32 to vector<16xi32>
    %add3A_166 = arith.addi %rem3A_152, %add3A_165 : vector<16xi32>
    %select_n3A_167 = arith.select %and3A_164, %add3A_166, %rem3A_152 : vector<16xi1>, vector<16xi32>
    %add3A_168 = arith.constant 48 : i32
    %add3A_169 = vector.broadcast %add3A_168 : i32 to vector<16xi32>
    %add3A_170 = arith.addi %iota3A, %add3A_169 : vector<16xi32>
    %jit3A_171 = arith.constant 8 : i32
    %div3A_172 = vector.broadcast %jit3A_171 : i32 to vector<16xi32>
    %div3A_173 = arith.divsi %add3A_170, %div3A_172 : vector<16xi32>
    %sign3A_174 = arith.constant 0 : i32
    %sign3A_175 = vector.broadcast %sign3A_174 : i32 to vector<16xi32>
    %sign3A_176 = arith.cmpi sgt, %add3A_170, %sign3A_175 : vector<16xi32>
    %sign3A_177 = arith.extui %sign3A_176 : vector<16xi1> to vector<16xi32>
    %sign3A_178 = arith.constant 0 : i32
    %sign3A_179 = vector.broadcast %sign3A_178 : i32 to vector<16xi32>
    %sign3A_180 = arith.cmpi slt, %add3A_170, %sign3A_179 : vector<16xi32>
    %sign3A_181 = arith.extui %sign3A_180 : vector<16xi1> to vector<16xi32>
    %sign3A_182 = arith.subi %sign3A_177, %sign3A_181 : vector<16xi32>
    %sign3A_183 = arith.constant 0 : i32
    %sign3A_184 = arith.cmpi sgt, %jit3A_171, %sign3A_183 : i32
    %sign3A_185 = arith.extui %sign3A_184 : i1 to i32
    %sign3A_186 = arith.constant 0 : i32
    %sign3A_187 = arith.cmpi slt, %jit3A_171, %sign3A_186 : i32
    %sign3A_188 = arith.extui %sign3A_187 : i1 to i32
    %sign3A_189 = arith.subi %sign3A_185, %sign3A_188 : i32
    %ne3A_190 = vector.broadcast %sign3A_189 : i32 to vector<16xi32>
    %ne3A_191 = arith.cmpi ne, %sign3A_182, %ne3A_190 : vector<16xi32>
    %rem3A_192 = vector.broadcast %jit3A_171 : i32 to vector<16xi32>
    %rem3A_193 = arith.remsi %add3A_170, %rem3A_192 : vector<16xi32>
    %ne3A_194 = arith.constant 0 : i32
    %ne3A_195 = vector.broadcast %ne3A_194 : i32 to vector<16xi32>
    %ne3A_196 = arith.cmpi ne, %rem3A_193, %ne3A_195 : vector<16xi32>
    %and3A_197 = arith.andi %ne3A_191, %ne3A_196 : vector<16xi1>
    %sub3A_198 = arith.constant 1 : i32
    %sub3A_199 = vector.broadcast %sub3A_198 : i32 to vector<16xi32>
    %sub3A_200 = arith.subi %div3A_173, %sub3A_199 : vector<16xi32>
    %select_n3A_201 = arith.select %and3A_197, %sub3A_200, %div3A_173 : vector<16xi1>, vector<16xi32>
    %add3A_202 = arith.constant 48 : i32
    %add3A_203 = vector.broadcast %add3A_202 : i32 to vector<16xi32>
    %add3A_204 = arith.addi %iota3A, %add3A_203 : vector<16xi32>
    %jit3A_205 = arith.constant 8 : i32
    %eq3A_206 = arith.constant 0 : i32
    %eq3A_207 = arith.cmpi eq, %jit3A_205, %eq3A_206 : i32
    %jit3A_208 = arith.constant 1 : i32
    %select_n3A_209 = arith.select %eq3A_207, %jit3A_208, %jit3A_205 : i32
    %rem3A_210 = vector.broadcast %select_n3A_209 : i32 to vector<16xi32>
    %rem3A_211 = arith.remsi %add3A_204, %rem3A_210 : vector<16xi32>
    %ne3A_212 = arith.constant 0 : i32
    %ne3A_213 = vector.broadcast %ne3A_212 : i32 to vector<16xi32>
    %ne3A_214 = arith.cmpi ne, %rem3A_211, %ne3A_213 : vector<16xi32>
    %lt3A_215 = arith.constant 0 : i32
    %lt3A_216 = vector.broadcast %lt3A_215 : i32 to vector<16xi32>
    %lt3A_217 = arith.cmpi slt, %rem3A_211, %lt3A_216 : vector<16xi32>
    %lt3A_218 = arith.constant 0 : i32
    %lt3A_219 = arith.cmpi slt, %select_n3A_209, %lt3A_218 : i32
    %ne3A_220 = vector.broadcast %lt3A_219 : i1 to vector<16xi1>
    %ne3A_221 = vector.broadcast %ne3A_220 : vector<16xi1> to vector<16xi1>
    %ne3A_222 = arith.xori %lt3A_217, %ne3A_221 : vector<16xi1>
    %and3A_223 = arith.andi %ne3A_222, %ne3A_214 : vector<16xi1>
    %add3A_224 = vector.broadcast %select_n3A_209 : i32 to vector<16xi32>
    %add3A_225 = arith.addi %rem3A_211, %add3A_224 : vector<16xi32>
    %select_n3A_226 = arith.select %and3A_223, %add3A_225, %rem3A_211 : vector<16xi1>, vector<16xi32>
    %dma_start3A = arith.constant 0 : i32
    %dma_start3A_227 = arith.constant 0 : i32
    %dma_start3A_228 = arith.constant 0 : i32
    %dma_start3A_229 = arith.constant 0 : i32
    %dma_start3A_230 = tpu.memref_slice %arg5[%dma_start3A, %dma_start3A_227, %dma_start3A_229] : memref<25x8x128xi32, #tpu.memory_space<vmem>> -> memref<1x1x128xi32, #tpu.memory_space<vmem>>
    %dma_start3A_231 = tpu.memref_squeeze %dma_start3A_230 : memref<1x1x128xi32, #tpu.memory_space<vmem>> -> memref<128xi32, #tpu.memory_space<vmem>>
    %dma_start3A_232 = arith.constant 0 : i32
    %dma_start3A_233 = arith.constant 0 : i32
    %dma_start3A_234 = tpu.memref_slice %arg2[%dma_start3A_232, %dma_start3A_233] : memref<1000000x128xf32, #tpu.memory_space<hbm>> -> memref<1000000x128xf32, #tpu.memory_space<hbm>>
    %dma_start3A_235 = tpu.memref_slice %arg10[%dma_start3A_228] : memref<2x!tpu.dma_semaphore, #tpu.memory_space<semaphore_mem>> -> memref<1x!tpu.dma_semaphore, #tpu.memory_space<semaphore_mem>>
    %dma_start3A_236 = tpu.memref_squeeze %dma_start3A_235 : memref<1x!tpu.dma_semaphore, #tpu.memory_space<semaphore_mem>> -> memref<!tpu.dma_semaphore, #tpu.memory_space<semaphore_mem>>
    tpu.enqueue_indirect_dma source(%dma_start3A_234 : memref<1000000x128xf32, #tpu.memory_space<hbm>>) target(%arg6 : memref<128x128xf32, #tpu.memory_space<vmem>>) offsets(%dma_start3A_231 : memref<128xi32, #tpu.memory_space<vmem>>) semaphore(%dma_start3A_236 : memref<!tpu.dma_semaphore, #tpu.memory_space<semaphore_mem>>)
    %dma_start3A_237 = arith.constant 0 : i32
    %dma_start3A_238 = arith.constant 1 : i32
    %dma_start3A_239 = arith.constant 1 : i32
    %dma_start3A_240 = arith.constant 0 : i32
    %dma_start3A_241 = tpu.memref_slice %arg5[%dma_start3A_237, %dma_start3A_238, %dma_start3A_240] : memref<25x8x128xi32, #tpu.memory_space<vmem>> -> memref<1x1x128xi32, #tpu.memory_space<vmem>>
    %dma_start3A_242 = tpu.memref_squeeze %dma_start3A_241 : memref<1x1x128xi32, #tpu.memory_space<vmem>> -> memref<128xi32, #tpu.memory_space<vmem>>
    %dma_start3A_243 = arith.constant 0 : i32
    %dma_start3A_244 = arith.constant 0 : i32
    %dma_start3A_245 = tpu.memref_slice %arg2[%dma_start3A_243, %dma_start3A_244] : memref<1000000x128xf32, #tpu.memory_space<hbm>> -> memref<1000000x128xf32, #tpu.memory_space<hbm>>
    %dma_start3A_246 = tpu.memref_slice %arg10[%dma_start3A_239] : memref<2x!tpu.dma_semaphore, #tpu.memory_space<semaphore_mem>> -> memref<1x!tpu.dma_semaphore, #tpu.memory_space<semaphore_mem>>
    %dma_start3A_247 = tpu.memref_squeeze %dma_start3A_246 : memref<1x!tpu.dma_semaphore, #tpu.memory_space<semaphore_mem>> -> memref<!tpu.dma_semaphore, #tpu.memory_space<semaphore_mem>>
    tpu.enqueue_indirect_dma source(%dma_start3A_245 : memref<1000000x128xf32, #tpu.memory_space<hbm>>) target(%arg7 : memref<128x128xf32, #tpu.memory_space<vmem>>) offsets(%dma_start3A_242 : memref<128xi32, #tpu.memory_space<vmem>>) semaphore(%dma_start3A_247 : memref<!tpu.dma_semaphore, #tpu.memory_space<semaphore_mem>>)
    %dma_wait3A = arith.constant 0 : i32
    %dma_wait3A_248 = arith.constant 0 : i32
    %dma_wait3A_249 = arith.constant 0 : i32
    %dma_wait3A_250 = arith.constant 0 : i32
    %dma_wait3A_251 = tpu.memref_slice %arg5[%dma_wait3A, %dma_wait3A_248, %dma_wait3A_250] : memref<25x8x128xi32, #tpu.memory_space<vmem>> -> memref<1x1x128xi32, #tpu.memory_space<vmem>>
    %dma_wait3A_252 = tpu.memref_squeeze %dma_wait3A_251 : memref<1x1x128xi32, #tpu.memory_space<vmem>> -> memref<128xi32, #tpu.memory_space<vmem>>
    %dma_wait3A_253 = arith.constant 0 : i32
    %dma_wait3A_254 = arith.constant 0 : i32
    %dma_wait3A_255 = tpu.memref_slice %arg2[%dma_wait3A_253, %dma_wait3A_254] : memref<1000000x128xf32, #tpu.memory_space<hbm>> -> memref<1000000x128xf32, #tpu.memory_space<hbm>>
    %dma_wait3A_256 = tpu.memref_slice %arg10[%dma_wait3A_249] : memref<2x!tpu.dma_semaphore, #tpu.memory_space<semaphore_mem>> -> memref<1x!tpu.dma_semaphore, #tpu.memory_space<semaphore_mem>>
    %dma_wait3A_257 = tpu.memref_squeeze %dma_wait3A_256 : memref<1x!tpu.dma_semaphore, #tpu.memory_space<semaphore_mem>> -> memref<!tpu.dma_semaphore, #tpu.memory_space<semaphore_mem>>
    tpu.wait_indirect_dma semaphore(%dma_wait3A_257 : memref<!tpu.dma_semaphore, #tpu.memory_space<semaphore_mem>>) src(%dma_wait3A_255 : memref<1000000x128xf32, #tpu.memory_space<hbm>>) dst(%arg6 : memref<128x128xf32, #tpu.memory_space<vmem>>)
    %broadcast_in_dim3A = arith.constant 0 : i32
    %broadcast_in_dim3A_258 = vector.broadcast %broadcast_in_dim3A : i32 to vector<16xi32>
    %scan3A = arith.constant 0 : i32
    %scan3A_259 = arith.constant 32 : i32
    %scan3A_260 = arith.addi %scan3A, %scan3A_259 : i32
    %scan3A_261 = arith.constant 1 : i32
    %scan3A_262 = scf.for %scan3A_525 = %scan3A to %scan3A_260 step %scan3A_261 iter_args(%scan3A_526 = %broadcast_in_dim3A_258) -> (vector<16xi32>)  : i32 {
      %mul3A_527 = arith.constant 4 : i32
      %mul3A_528 = arith.muli %scan3A_525, %mul3A_527 : i32
      %add3A_529 = arith.constant 0 : i32
      %add3A_530 = vector.broadcast %add3A_529 : i32 to vector<16xi32>
      %add3A_531 = arith.addi %scan3A_526, %add3A_530 : vector<16xi32>
      %add3A_532 = arith.constant 1 : i32
      %add3A_533 = vector.broadcast %add3A_532 : i32 to vector<16xi32>
      %add3A_534 = arith.addi %scan3A_526, %add3A_533 : vector<16xi32>
      %add3A_535 = arith.constant 2 : i32
      %add3A_536 = vector.broadcast %add3A_535 : i32 to vector<16xi32>
      %add3A_537 = arith.addi %scan3A_526, %add3A_536 : vector<16xi32>
      %add3A_538 = arith.constant 3 : i32
      %add3A_539 = vector.broadcast %add3A_538 : i32 to vector<16xi32>
      %add3A_540 = arith.addi %scan3A_526, %add3A_539 : vector<16xi32>
      %add3A_541 = arith.constant 0 : i32
      %add3A_542 = arith.addi %mul3A_528, %add3A_541 : i32
      %get3A = arith.index_cast %add3A_542 : i32 to index
      %get3A_543 = arith.constant 0 : index
      %get3A_544 = tpu.vector_load %arg6[%get3A, %get3A_543] {strides = array<i32>} : memref<128x128xf32, #tpu.memory_space<vmem>>, vector<16xf32>,
      %add3A_545 = arith.constant 0 : i32
      %add3A_546 = arith.addi %mul3A_528, %add3A_545 : i32
      %get3A_547 = arith.index_cast %add3A_546 : i32 to index
      %get3A_548 = arith.constant 16 : index
      %get3A_549 = tpu.vector_load %arg6[%get3A_547, %get3A_548] {strides = array<i32>} : memref<128x128xf32, #tpu.memory_space<vmem>>, vector<16xf32>,
      %add3A_550 = arith.constant 0 : i32
      %add3A_551 = arith.addi %mul3A_528, %add3A_550 : i32
      %get3A_552 = arith.index_cast %add3A_551 : i32 to index
      %get3A_553 = arith.constant 32 : index
      %get3A_554 = tpu.vector_load %arg6[%get3A_552, %get3A_553] {strides = array<i32>} : memref<128x128xf32, #tpu.memory_space<vmem>>, vector<16xf32>,
      %add3A_555 = arith.constant 0 : i32
      %add3A_556 = arith.addi %mul3A_528, %add3A_555 : i32
      %get3A_557 = arith.index_cast %add3A_556 : i32 to index
      %get3A_558 = arith.constant 48 : index
      %get3A_559 = tpu.vector_load %arg6[%get3A_557, %get3A_558] {strides = array<i32>} : memref<128x128xf32, #tpu.memory_space<vmem>>, vector<16xf32>,
      %add3A_560 = arith.constant 1 : i32
      %add3A_561 = arith.addi %mul3A_528, %add3A_560 : i32
      %get3A_562 = arith.index_cast %add3A_561 : i32 to index
      %get3A_563 = arith.constant 0 : index
      %get3A_564 = tpu.vector_load %arg6[%get3A_562, %get3A_563] {strides = array<i32>} : memref<128x128xf32, #tpu.memory_space<vmem>>, vector<16xf32>,
      %add3A_565 = arith.constant 1 : i32
      %add3A_566 = arith.addi %mul3A_528, %add3A_565 : i32
      %get3A_567 = arith.index_cast %add3A_566 : i32 to index
      %get3A_568 = arith.constant 16 : index
      %get3A_569 = tpu.vector_load %arg6[%get3A_567, %get3A_568] {strides = array<i32>} : memref<128x128xf32, #tpu.memory_space<vmem>>, vector<16xf32>,
      %add3A_570 = arith.constant 1 : i32
      %add3A_571 = arith.addi %mul3A_528, %add3A_570 : i32
      %get3A_572 = arith.index_cast %add3A_571 : i32 to index
      %get3A_573 = arith.constant 32 : index
      %get3A_574 = tpu.vector_load %arg6[%get3A_572, %get3A_573] {strides = array<i32>} : memref<128x128xf32, #tpu.memory_space<vmem>>, vector<16xf32>,
      %add3A_575 = arith.constant 1 : i32
      %add3A_576 = arith.addi %mul3A_528, %add3A_575 : i32
      %get3A_577 = arith.index_cast %add3A_576 : i32 to index
      %get3A_578 = arith.constant 48 : index
      %get3A_579 = tpu.vector_load %arg6[%get3A_577, %get3A_578] {strides = array<i32>} : memref<128x128xf32, #tpu.memory_space<vmem>>, vector<16xf32>,
      %add3A_580 = arith.constant 2 : i32
      %add3A_581 = arith.addi %mul3A_528, %add3A_580 : i32
      %get3A_582 = arith.index_cast %add3A_581 : i32 to index
      %get3A_583 = arith.constant 0 : index
      %get3A_584 = tpu.vector_load %arg6[%get3A_582, %get3A_583] {strides = array<i32>} : memref<128x128xf32, #tpu.memory_space<vmem>>, vector<16xf32>,
      %add3A_585 = arith.constant 2 : i32
      %add3A_586 = arith.addi %mul3A_528, %add3A_585 : i32
      %get3A_587 = arith.index_cast %add3A_586 : i32 to index
      %get3A_588 = arith.constant 16 : index
      %get3A_589 = tpu.vector_load %arg6[%get3A_587, %get3A_588] {strides = array<i32>} : memref<128x128xf32, #tpu.memory_space<vmem>>, vector<16xf32>,
      %add3A_590 = arith.constant 2 : i32
      %add3A_591 = arith.addi %mul3A_528, %add3A_590 : i32
      %get3A_592 = arith.index_cast %add3A_591 : i32 to index
      %get3A_593 = arith.constant 32 : index
      %get3A_594 = tpu.vector_load %arg6[%get3A_592, %get3A_593] {strides = array<i32>} : memref<128x128xf32, #tpu.memory_space<vmem>>, vector<16xf32>,
      %add3A_595 = arith.constant 2 : i32
      %add3A_596 = arith.addi %mul3A_528, %add3A_595 : i32
      %get3A_597 = arith.index_cast %add3A_596 : i32 to index
      %get3A_598 = arith.constant 48 : index
      %get3A_599 = tpu.vector_load %arg6[%get3A_597, %get3A_598] {strides = array<i32>} : memref<128x128xf32, #tpu.memory_space<vmem>>, vector<16xf32>,
      %add3A_600 = arith.constant 3 : i32
      %add3A_601 = arith.addi %mul3A_528, %add3A_600 : i32
      %get3A_602 = arith.index_cast %add3A_601 : i32 to index
      %get3A_603 = arith.constant 0 : index
      %get3A_604 = tpu.vector_load %arg6[%get3A_602, %get3A_603] {strides = array<i32>} : memref<128x128xf32, #tpu.memory_space<vmem>>, vector<16xf32>,
      %add3A_605 = arith.constant 3 : i32
      %add3A_606 = arith.addi %mul3A_528, %add3A_605 : i32
      %get3A_607 = arith.index_cast %add3A_606 : i32 to index
      %get3A_608 = arith.constant 16 : index
      %get3A_609 = tpu.vector_load %arg6[%get3A_607, %get3A_608] {strides = array<i32>} : memref<128x128xf32, #tpu.memory_space<vmem>>, vector<16xf32>,
      %add3A_610 = arith.constant 3 : i32
      %add3A_611 = arith.addi %mul3A_528, %add3A_610 : i32
      %get3A_612 = arith.index_cast %add3A_611 : i32 to index
      %get3A_613 = arith.constant 32 : index
      %get3A_614 = tpu.vector_load %arg6[%get3A_612, %get3A_613] {strides = array<i32>} : memref<128x128xf32, #tpu.memory_space<vmem>>, vector<16xf32>,
      %add3A_615 = arith.constant 3 : i32
      %add3A_616 = arith.addi %mul3A_528, %add3A_615 : i32
      %get3A_617 = arith.index_cast %add3A_616 : i32 to index
      %get3A_618 = arith.constant 48 : index
      %get3A_619 = tpu.vector_load %arg6[%get3A_617, %get3A_618] {strides = array<i32>} : memref<128x128xf32, #tpu.memory_space<vmem>>, vector<16xf32>,
      tpu.vector_store_idx %arg8[%select_n3A, %select_n3A_49, %add3A_531], %get3A_544 : memref<8x8x129xf32, #tpu.memory_space<vmem>>[vector<16xi32>, vector<16xi32>, vector<16xi32>], vector<16xf32>,
      tpu.vector_store_idx %arg8[%select_n3A_83, %select_n3A_108, %add3A_531], %get3A_549 : memref<8x8x129xf32, #tpu.memory_space<vmem>>[vector<16xi32>, vector<16xi32>, vector<16xi32>], vector<16xf32>,
      tpu.vector_store_idx %arg8[%select_n3A_142, %select_n3A_167, %add3A_531], %get3A_554 : memref<8x8x129xf32, #tpu.memory_space<vmem>>[vector<16xi32>, vector<16xi32>, vector<16xi32>], vector<16xf32>,
      tpu.vector_store_idx %arg8[%select_n3A_201, %select_n3A_226, %add3A_531], %get3A_559 : memref<8x8x129xf32, #tpu.memory_space<vmem>>[vector<16xi32>, vector<16xi32>, vector<16xi32>], vector<16xf32>,
      tpu.vector_store_idx %arg8[%select_n3A, %select_n3A_49, %add3A_534], %get3A_564 : memref<8x8x129xf32, #tpu.memory_space<vmem>>[vector<16xi32>, vector<16xi32>, vector<16xi32>], vector<16xf32>,
      tpu.vector_store_idx %arg8[%select_n3A_83, %select_n3A_108, %add3A_534], %get3A_569 : memref<8x8x129xf32, #tpu.memory_space<vmem>>[vector<16xi32>, vector<16xi32>, vector<16xi32>], vector<16xf32>,
      tpu.vector_store_idx %arg8[%select_n3A_142, %select_n3A_167, %add3A_534], %get3A_574 : memref<8x8x129xf32, #tpu.memory_space<vmem>>[vector<16xi32>, vector<16xi32>, vector<16xi32>], vector<16xf32>,
      tpu.vector_store_idx %arg8[%select_n3A_201, %select_n3A_226, %add3A_534], %get3A_579 : memref<8x8x129xf32, #tpu.memory_space<vmem>>[vector<16xi32>, vector<16xi32>, vector<16xi32>], vector<16xf32>,
      tpu.vector_store_idx %arg8[%select_n3A, %select_n3A_49, %add3A_537], %get3A_584 : memref<8x8x129xf32, #tpu.memory_space<vmem>>[vector<16xi32>, vector<16xi32>, vector<16xi32>], vector<16xf32>,
      tpu.vector_store_idx %arg8[%select_n3A_83, %select_n3A_108, %add3A_537], %get3A_589 : memref<8x8x129xf32, #tpu.memory_space<vmem>>[vector<16xi32>, vector<16xi32>, vector<16xi32>], vector<16xf32>,
      tpu.vector_store_idx %arg8[%select_n3A_142, %select_n3A_167, %add3A_537], %get3A_594 : memref<8x8x129xf32, #tpu.memory_space<vmem>>[vector<16xi32>, vector<16xi32>, vector<16xi32>], vector<16xf32>,
      tpu.vector_store_idx %arg8[%select_n3A_201, %select_n3A_226, %add3A_537], %get3A_599 : memref<8x8x129xf32, #tpu.memory_space<vmem>>[vector<16xi32>, vector<16xi32>, vector<16xi32>], vector<16xf32>,
      tpu.vector_store_idx %arg8[%select_n3A, %select_n3A_49, %add3A_540], %get3A_604 : memref<8x8x129xf32, #tpu.memory_space<vmem>>[vector<16xi32>, vector<16xi32>, vector<16xi32>], vector<16xf32>,
      tpu.vector_store_idx %arg8[%select_n3A_83, %select_n3A_108, %add3A_540], %get3A_609 : memref<8x8x129xf32, #tpu.memory_space<vmem>>[vector<16xi32>, vector<16xi32>, vector<16xi32>], vector<16xf32>,
      tpu.vector_store_idx %arg8[%select_n3A_142, %select_n3A_167, %add3A_540], %get3A_614 : memref<8x8x129xf32, #tpu.memory_space<vmem>>[vector<16xi32>, vector<16xi32>, vector<16xi32>], vector<16xf32>,
      tpu.vector_store_idx %arg8[%select_n3A_201, %select_n3A_226, %add3A_540], %get3A_619 : memref<8x8x129xf32, #tpu.memory_space<vmem>>[vector<16xi32>, vector<16xi32>, vector<16xi32>], vector<16xf32>,
      %add3A_620 = arith.constant 4 : i32
      %add3A_621 = vector.broadcast %add3A_620 : i32 to vector<16xi32>
      %add3A_622 = arith.addi %scan3A_526, %add3A_621 : vector<16xi32>
      scf.yield %add3A_622 : vector<16xi32>
    }
    %scan3A_263 = arith.constant 32 : i32
    %dma_start3A_264 = arith.constant 0 : i32
    %dma_start3A_265 = arith.constant 0 : i32
    %dma_start3A_266 = arith.constant 0 : i32
    %dma_start3A_267 = arith.constant 0 : i32
    %dma_start3A_268 = arith.constant 0 : i32
    %dma_start3A_269 = tpu.memref_slice %arg8[%dma_start3A_266, %dma_start3A_267, %dma_start3A_268] : memref<8x8x129xf32, #tpu.memory_space<vmem>> -> memref<8x8x128xf32, #tpu.memory_space<vmem>>
    %dma_start3A_270 = arith.constant 0 : i32
    %dma_start3A_271 = arith.constant 0 : i32
    %dma_start3A_272 = arith.constant 0 : i32
    %dma_start3A_273 = tpu.memref_slice %arg4[%dma_start3A_264, %dma_start3A_270, %add3A, %dma_start3A_271, %dma_start3A_272] : memref<200x8x32x8x128xf32, #tpu.memory_space<hbm>> -> memref<1x8x1x8x128xf32, #tpu.memory_space<hbm>>
    %dma_start3A_274 = tpu.memref_squeeze %dma_start3A_273 : memref<1x8x1x8x128xf32, #tpu.memory_space<hbm>> -> memref<8x8x128xf32, #tpu.memory_space<hbm>>
    %dma_start3A_275 = tpu.memref_slice %arg11[%dma_start3A_265] : memref<2x!tpu.dma_semaphore, #tpu.memory_space<semaphore_mem>> -> memref<1x!tpu.dma_semaphore, #tpu.memory_space<semaphore_mem>>
    %dma_start3A_276 = tpu.memref_squeeze %dma_start3A_275 : memref<1x!tpu.dma_semaphore, #tpu.memory_space<semaphore_mem>> -> memref<!tpu.dma_semaphore, #tpu.memory_space<semaphore_mem>>
    %dma_start3A_277 = arith.constant 0 : i32
    %dma_start3A_278 = arith.constant 0 : i32
    %dma_start3A_279 = arith.constant 0 : i32
    %dma_start3A_280 = tpu.memref_slice %arg4[%dma_start3A_264, %dma_start3A_277, %add3A, %dma_start3A_278, %dma_start3A_279] : memref<200x8x32x8x128xf32, #tpu.memory_space<hbm>> -> memref<1x8x1x8x128xf32, #tpu.memory_space<hbm>>
    %dma_start3A_281 = tpu.memref_squeeze %dma_start3A_280 : memref<1x8x1x8x128xf32, #tpu.memory_space<hbm>> -> memref<8x8x128xf32, #tpu.memory_space<hbm>>
    %dma_start3A_282 = arith.constant 0 : i32
    %dma_start3A_283 = arith.constant 0 : i32
    %dma_start3A_284 = arith.constant 0 : i32
    %dma_start3A_285 = tpu.memref_slice %arg8[%dma_start3A_282, %dma_start3A_283, %dma_start3A_284] : memref<8x8x129xf32, #tpu.memory_space<vmem>> -> memref<8x8x128xf32, #tpu.memory_space<vmem>>
    tpu.enqueue_dma source(%dma_start3A_285 : memref<8x8x128xf32, #tpu.memory_space<vmem>>) target(%dma_start3A_281 : memref<8x8x128xf32, #tpu.memory_space<hbm>>) target_semaphore(%dma_start3A_276 : memref<!tpu.dma_semaphore, #tpu.memory_space<semaphore_mem>>)
    %dma_start3A_286 = arith.constant 0 : i32
    %dma_start3A_287 = arith.constant 2 : i32
    %dma_start3A_288 = arith.constant 0 : i32
    %dma_start3A_289 = arith.constant 0 : i32
    %dma_start3A_290 = tpu.memref_slice %arg5[%dma_start3A_286, %dma_start3A_287, %dma_start3A_289] : memref<25x8x128xi32, #tpu.memory_space<vmem>> -> memref<1x1x128xi32, #tpu.memory_space<vmem>>
    %dma_start3A_291 = tpu.memref_squeeze %dma_start3A_290 : memref<1x1x128xi32, #tpu.memory_space<vmem>> -> memref<128xi32, #tpu.memory_space<vmem>>
    %dma_start3A_292 = arith.constant 0 : i32
    %dma_start3A_293 = arith.constant 0 : i32
    %dma_start3A_294 = tpu.memref_slice %arg2[%dma_start3A_292, %dma_start3A_293] : memref<1000000x128xf32, #tpu.memory_space<hbm>> -> memref<1000000x128xf32, #tpu.memory_space<hbm>>
    %dma_start3A_295 = tpu.memref_slice %arg10[%dma_start3A_288] : memref<2x!tpu.dma_semaphore, #tpu.memory_space<semaphore_mem>> -> memref<1x!tpu.dma_semaphore, #tpu.memory_space<semaphore_mem>>
    %dma_start3A_296 = tpu.memref_squeeze %dma_start3A_295 : memref<1x!tpu.dma_semaphore, #tpu.memory_space<semaphore_mem>> -> memref<!tpu.dma_semaphore, #tpu.memory_space<semaphore_mem>>
    tpu.enqueue_indirect_dma source(%dma_start3A_294 : memref<1000000x128xf32, #tpu.memory_space<hbm>>) target(%arg6 : memref<128x128xf32, #tpu.memory_space<vmem>>) offsets(%dma_start3A_291 : memref<128xi32, #tpu.memory_space<vmem>>) semaphore(%dma_start3A_296 : memref<!tpu.dma_semaphore, #tpu.memory_space<semaphore_mem>>)
    %dma_wait3A_297 = arith.constant 0 : i32
    %dma_wait3A_298 = arith.constant 1 : i32
    %dma_wait3A_299 = arith.constant 1 : i32
    %dma_wait3A_300 = arith.constant 0 : i32
    %dma_wait3A_301 = tpu.memref_slice %arg5[%dma_wait3A_297, %dma_wait3A_298, %dma_wait3A_300] : memref<25x8x128xi32, #tpu.memory_space<vmem>> -> memref<1x1x128xi32, #tpu.memory_space<vmem>>
    %dma_wait3A_302 = tpu.memref_squeeze %dma_wait3A_301 : memref<1x1x128xi32, #tpu.memory_space<vmem>> -> memref<128xi32, #tpu.memory_space<vmem>>
    %dma_wait3A_303 = arith.constant 0 : i32
    %dma_wait3A_304 = arith.constant 0 : i32
    %dma_wait3A_305 = tpu.memref_slice %arg2[%dma_wait3A_303, %dma_wait3A_304] : memref<1000000x128xf32, #tpu.memory_space<hbm>> -> memref<1000000x128xf32, #tpu.memory_space<hbm>>
    %dma_wait3A_306 = tpu.memref_slice %arg10[%dma_wait3A_299] : memref<2x!tpu.dma_semaphore, #tpu.memory_space<semaphore_mem>> -> memref<1x!tpu.dma_semaphore, #tpu.memory_space<semaphore_mem>>
    %dma_wait3A_307 = tpu.memref_squeeze %dma_wait3A_306 : memref<1x!tpu.dma_semaphore, #tpu.memory_space<semaphore_mem>> -> memref<!tpu.dma_semaphore, #tpu.memory_space<semaphore_mem>>
    tpu.wait_indirect_dma semaphore(%dma_wait3A_307 : memref<!tpu.dma_semaphore, #tpu.memory_space<semaphore_mem>>) src(%dma_wait3A_305 : memref<1000000x128xf32, #tpu.memory_space<hbm>>) dst(%arg7 : memref<128x128xf32, #tpu.memory_space<vmem>>)
    %broadcast_in_dim3A_308 = arith.constant 0 : i32
    %broadcast_in_dim3A_309 = vector.broadcast %broadcast_in_dim3A_308 : i32 to vector<16xi32>
    %scan3A_310 = arith.constant 0 : i32
    %scan3A_311 = arith.constant 32 : i32
    %scan3A_312 = arith.addi %scan3A_310, %scan3A_311 : i32
    %scan3A_313 = arith.constant 1 : i32
    %scan3A_314 = scf.for %scan3A_525 = %scan3A_310 to %scan3A_312 step %scan3A_313 iter_args(%scan3A_526 = %broadcast_in_dim3A_309) -> (vector<16xi32>)  : i32 {
      %mul3A_527 = arith.constant 4 : i32
      %mul3A_528 = arith.muli %scan3A_525, %mul3A_527 : i32
      %add3A_529 = arith.constant 0 : i32
      %add3A_530 = vector.broadcast %add3A_529 : i32 to vector<16xi32>
      %add3A_531 = arith.addi %scan3A_526, %add3A_530 : vector<16xi32>
      %add3A_532 = arith.constant 1 : i32
      %add3A_533 = vector.broadcast %add3A_532 : i32 to vector<16xi32>
      %add3A_534 = arith.addi %scan3A_526, %add3A_533 : vector<16xi32>
      %add3A_535 = arith.constant 2 : i32
      %add3A_536 = vector.broadcast %add3A_535 : i32 to vector<16xi32>
      %add3A_537 = arith.addi %scan3A_526, %add3A_536 : vector<16xi32>
      %add3A_538 = arith.constant 3 : i32
      %add3A_539 = vector.broadcast %add3A_538 : i32 to vector<16xi32>
      %add3A_540 = arith.addi %scan3A_526, %add3A_539 : vector<16xi32>
      %add3A_541 = arith.constant 0 : i32
      %add3A_542 = arith.addi %mul3A_528, %add3A_541 : i32
      %get3A = arith.index_cast %add3A_542 : i32 to index
      %get3A_543 = arith.constant 0 : index
      %get3A_544 = tpu.vector_load %arg7[%get3A, %get3A_543] {strides = array<i32>} : memref<128x128xf32, #tpu.memory_space<vmem>>, vector<16xf32>,
      %add3A_545 = arith.constant 0 : i32
      %add3A_546 = arith.addi %mul3A_528, %add3A_545 : i32
      %get3A_547 = arith.index_cast %add3A_546 : i32 to index
      %get3A_548 = arith.constant 16 : index
      %get3A_549 = tpu.vector_load %arg7[%get3A_547, %get3A_548] {strides = array<i32>} : memref<128x128xf32, #tpu.memory_space<vmem>>, vector<16xf32>,
      %add3A_550 = arith.constant 0 : i32
      %add3A_551 = arith.addi %mul3A_528, %add3A_550 : i32
      %get3A_552 = arith.index_cast %add3A_551 : i32 to index
      %get3A_553 = arith.constant 32 : index
      %get3A_554 = tpu.vector_load %arg7[%get3A_552, %get3A_553] {strides = array<i32>} : memref<128x128xf32, #tpu.memory_space<vmem>>, vector<16xf32>,
      %add3A_555 = arith.constant 0 : i32
      %add3A_556 = arith.addi %mul3A_528, %add3A_555 : i32
      %get3A_557 = arith.index_cast %add3A_556 : i32 to index
      %get3A_558 = arith.constant 48 : index
      %get3A_559 = tpu.vector_load %arg7[%get3A_557, %get3A_558] {strides = array<i32>} : memref<128x128xf32, #tpu.memory_space<vmem>>, vector<16xf32>,
      %add3A_560 = arith.constant 1 : i32
      %add3A_561 = arith.addi %mul3A_528, %add3A_560 : i32
      %get3A_562 = arith.index_cast %add3A_561 : i32 to index
      %get3A_563 = arith.constant 0 : index
      %get3A_564 = tpu.vector_load %arg7[%get3A_562, %get3A_563] {strides = array<i32>} : memref<128x128xf32, #tpu.memory_space<vmem>>, vector<16xf32>,
      %add3A_565 = arith.constant 1 : i32
      %add3A_566 = arith.addi %mul3A_528, %add3A_565 : i32
      %get3A_567 = arith.index_cast %add3A_566 : i32 to index
      %get3A_568 = arith.constant 16 : index
      %get3A_569 = tpu.vector_load %arg7[%get3A_567, %get3A_568] {strides = array<i32>} : memref<128x128xf32, #tpu.memory_space<vmem>>, vector<16xf32>,
      %add3A_570 = arith.constant 1 : i32
      %add3A_571 = arith.addi %mul3A_528, %add3A_570 : i32
      %get3A_572 = arith.index_cast %add3A_571 : i32 to index
      %get3A_573 = arith.constant 32 : index
      %get3A_574 = tpu.vector_load %arg7[%get3A_572, %get3A_573] {strides = array<i32>} : memref<128x128xf32, #tpu.memory_space<vmem>>, vector<16xf32>,
      %add3A_575 = arith.constant 1 : i32
      %add3A_576 = arith.addi %mul3A_528, %add3A_575 : i32
      %get3A_577 = arith.index_cast %add3A_576 : i32 to index
      %get3A_578 = arith.constant 48 : index
      %get3A_579 = tpu.vector_load %arg7[%get3A_577, %get3A_578] {strides = array<i32>} : memref<128x128xf32, #tpu.memory_space<vmem>>, vector<16xf32>,
      %add3A_580 = arith.constant 2 : i32
      %add3A_581 = arith.addi %mul3A_528, %add3A_580 : i32
      %get3A_582 = arith.index_cast %add3A_581 : i32 to index
      %get3A_583 = arith.constant 0 : index
      %get3A_584 = tpu.vector_load %arg7[%get3A_582, %get3A_583] {strides = array<i32>} : memref<128x128xf32, #tpu.memory_space<vmem>>, vector<16xf32>,
      %add3A_585 = arith.constant 2 : i32
      %add3A_586 = arith.addi %mul3A_528, %add3A_585 : i32
      %get3A_587 = arith.index_cast %add3A_586 : i32 to index
      %get3A_588 = arith.constant 16 : index
      %get3A_589 = tpu.vector_load %arg7[%get3A_587, %get3A_588] {strides = array<i32>} : memref<128x128xf32, #tpu.memory_space<vmem>>, vector<16xf32>,
      %add3A_590 = arith.constant 2 : i32
      %add3A_591 = arith.addi %mul3A_528, %add3A_590 : i32
      %get3A_592 = arith.index_cast %add3A_591 : i32 to index
      %get3A_593 = arith.constant 32 : index
      %get3A_594 = tpu.vector_load %arg7[%get3A_592, %get3A_593] {strides = array<i32>} : memref<128x128xf32, #tpu.memory_space<vmem>>, vector<16xf32>,
      %add3A_595 = arith.constant 2 : i32
      %add3A_596 = arith.addi %mul3A_528, %add3A_595 : i32
      %get3A_597 = arith.index_cast %add3A_596 : i32 to index
      %get3A_598 = arith.constant 48 : index
      %get3A_599 = tpu.vector_load %arg7[%get3A_597, %get3A_598] {strides = array<i32>} : memref<128x128xf32, #tpu.memory_space<vmem>>, vector<16xf32>,
      %add3A_600 = arith.constant 3 : i32
      %add3A_601 = arith.addi %mul3A_528, %add3A_600 : i32
      %get3A_602 = arith.index_cast %add3A_601 : i32 to index
      %get3A_603 = arith.constant 0 : index
      %get3A_604 = tpu.vector_load %arg7[%get3A_602, %get3A_603] {strides = array<i32>} : memref<128x128xf32, #tpu.memory_space<vmem>>, vector<16xf32>,
      %add3A_605 = arith.constant 3 : i32
      %add3A_606 = arith.addi %mul3A_528, %add3A_605 : i32
      %get3A_607 = arith.index_cast %add3A_606 : i32 to index
      %get3A_608 = arith.constant 16 : index
      %get3A_609 = tpu.vector_load %arg7[%get3A_607, %get3A_608] {strides = array<i32>} : memref<128x128xf32, #tpu.memory_space<vmem>>, vector<16xf32>,
      %add3A_610 = arith.constant 3 : i32
      %add3A_611 = arith.addi %mul3A_528, %add3A_610 : i32
      %get3A_612 = arith.index_cast %add3A_611 : i32 to index
      %get3A_613 = arith.constant 32 : index
      %get3A_614 = tpu.vector_load %arg7[%get3A_612, %get3A_613] {strides = array<i32>} : memref<128x128xf32, #tpu.memory_space<vmem>>, vector<16xf32>,
      %add3A_615 = arith.constant 3 : i32
      %add3A_616 = arith.addi %mul3A_528, %add3A_615 : i32
      %get3A_617 = arith.index_cast %add3A_616 : i32 to index
      %get3A_618 = arith.constant 48 : index
      %get3A_619 = tpu.vector_load %arg7[%get3A_617, %get3A_618] {strides = array<i32>} : memref<128x128xf32, #tpu.memory_space<vmem>>, vector<16xf32>,
      tpu.vector_store_idx %arg9[%select_n3A, %select_n3A_49, %add3A_531], %get3A_544 : memref<8x8x129xf32, #tpu.memory_space<vmem>>[vector<16xi32>, vector<16xi32>, vector<16xi32>], vector<16xf32>,
      tpu.vector_store_idx %arg9[%select_n3A_83, %select_n3A_108, %add3A_531], %get3A_549 : memref<8x8x129xf32, #tpu.memory_space<vmem>>[vector<16xi32>, vector<16xi32>, vector<16xi32>], vector<16xf32>,
      tpu.vector_store_idx %arg9[%select_n3A_142, %select_n3A_167, %add3A_531], %get3A_554 : memref<8x8x129xf32, #tpu.memory_space<vmem>>[vector<16xi32>, vector<16xi32>, vector<16xi32>], vector<16xf32>,
      tpu.vector_store_idx %arg9[%select_n3A_201, %select_n3A_226, %add3A_531], %get3A_559 : memref<8x8x129xf32, #tpu.memory_space<vmem>>[vector<16xi32>, vector<16xi32>, vector<16xi32>], vector<16xf32>,
      tpu.vector_store_idx %arg9[%select_n3A, %select_n3A_49, %add3A_534], %get3A_564 : memref<8x8x129xf32, #tpu.memory_space<vmem>>[vector<16xi32>, vector<16xi32>, vector<16xi32>], vector<16xf32>,
      tpu.vector_store_idx %arg9[%select_n3A_83, %select_n3A_108, %add3A_534], %get3A_569 : memref<8x8x129xf32, #tpu.memory_space<vmem>>[vector<16xi32>, vector<16xi32>, vector<16xi32>], vector<16xf32>,
      tpu.vector_store_idx %arg9[%select_n3A_142, %select_n3A_167, %add3A_534], %get3A_574 : memref<8x8x129xf32, #tpu.memory_space<vmem>>[vector<16xi32>, vector<16xi32>, vector<16xi32>], vector<16xf32>,
      tpu.vector_store_idx %arg9[%select_n3A_201, %select_n3A_226, %add3A_534], %get3A_579 : memref<8x8x129xf32, #tpu.memory_space<vmem>>[vector<16xi32>, vector<16xi32>, vector<16xi32>], vector<16xf32>,
      tpu.vector_store_idx %arg9[%select_n3A, %select_n3A_49, %add3A_537], %get3A_584 : memref<8x8x129xf32, #tpu.memory_space<vmem>>[vector<16xi32>, vector<16xi32>, vector<16xi32>], vector<16xf32>,
      tpu.vector_store_idx %arg9[%select_n3A_83, %select_n3A_108, %add3A_537], %get3A_589 : memref<8x8x129xf32, #tpu.memory_space<vmem>>[vector<16xi32>, vector<16xi32>, vector<16xi32>], vector<16xf32>,
      tpu.vector_store_idx %arg9[%select_n3A_142, %select_n3A_167, %add3A_537], %get3A_594 : memref<8x8x129xf32, #tpu.memory_space<vmem>>[vector<16xi32>, vector<16xi32>, vector<16xi32>], vector<16xf32>,
      tpu.vector_store_idx %arg9[%select_n3A_201, %select_n3A_226, %add3A_537], %get3A_599 : memref<8x8x129xf32, #tpu.memory_space<vmem>>[vector<16xi32>, vector<16xi32>, vector<16xi32>], vector<16xf32>,
      tpu.vector_store_idx %arg9[%select_n3A, %select_n3A_49, %add3A_540], %get3A_604 : memref<8x8x129xf32, #tpu.memory_space<vmem>>[vector<16xi32>, vector<16xi32>, vector<16xi32>], vector<16xf32>,
      tpu.vector_store_idx %arg9[%select_n3A_83, %select_n3A_108, %add3A_540], %get3A_609 : memref<8x8x129xf32, #tpu.memory_space<vmem>>[vector<16xi32>, vector<16xi32>, vector<16xi32>], vector<16xf32>,
      tpu.vector_store_idx %arg9[%select_n3A_142, %select_n3A_167, %add3A_540], %get3A_614 : memref<8x8x129xf32, #tpu.memory_space<vmem>>[vector<16xi32>, vector<16xi32>, vector<16xi32>], vector<16xf32>,
      tpu.vector_store_idx %arg9[%select_n3A_201, %select_n3A_226, %add3A_540], %get3A_619 : memref<8x8x129xf32, #tpu.memory_space<vmem>>[vector<16xi32>, vector<16xi32>, vector<16xi32>], vector<16xf32>,
      %add3A_620 = arith.constant 4 : i32
      %add3A_621 = vector.broadcast %add3A_620 : i32 to vector<16xi32>
      %add3A_622 = arith.addi %scan3A_526, %add3A_621 : vector<16xi32>
      scf.yield %add3A_622 : vector<16xi32>
    }
    %scan3A_315 = arith.constant 32 : i32
    %dma_start3A_316 = arith.constant 1 : i32
    %dma_start3A_317 = arith.constant 1 : i32
    %dma_start3A_318 = arith.constant 0 : i32
    %dma_start3A_319 = arith.constant 0 : i32
    %dma_start3A_320 = arith.constant 0 : i32
    %dma_start3A_321 = tpu.memref_slice %arg9[%dma_start3A_318, %dma_start3A_319, %dma_start3A_320] : memref<8x8x129xf32, #tpu.memory_space<vmem>> -> memref<8x8x128xf32, #tpu.memory_space<vmem>>
    %dma_start3A_322 = arith.constant 0 : i32
    %dma_start3A_323 = arith.constant 0 : i32
    %dma_start3A_324 = arith.constant 0 : i32
    %dma_start3A_325 = tpu.memref_slice %arg4[%dma_start3A_316, %dma_start3A_322, %add3A, %dma_start3A_323, %dma_start3A_324] : memref<200x8x32x8x128xf32, #tpu.memory_space<hbm>> -> memref<1x8x1x8x128xf32, #tpu.memory_space<hbm>>
    %dma_start3A_326 = tpu.memref_squeeze %dma_start3A_325 : memref<1x8x1x8x128xf32, #tpu.memory_space<hbm>> -> memref<8x8x128xf32, #tpu.memory_space<hbm>>
    %dma_start3A_327 = tpu.memref_slice %arg11[%dma_start3A_317] : memref<2x!tpu.dma_semaphore, #tpu.memory_space<semaphore_mem>> -> memref<1x!tpu.dma_semaphore, #tpu.memory_space<semaphore_mem>>
    %dma_start3A_328 = tpu.memref_squeeze %dma_start3A_327 : memref<1x!tpu.dma_semaphore, #tpu.memory_space<semaphore_mem>> -> memref<!tpu.dma_semaphore, #tpu.memory_space<semaphore_mem>>
    %dma_start3A_329 = arith.constant 0 : i32
    %dma_start3A_330 = arith.constant 0 : i32
    %dma_start3A_331 = arith.constant 0 : i32
    %dma_start3A_332 = tpu.memref_slice %arg4[%dma_start3A_316, %dma_start3A_329, %add3A, %dma_start3A_330, %dma_start3A_331] : memref<200x8x32x8x128xf32, #tpu.memory_space<hbm>> -> memref<1x8x1x8x128xf32, #tpu.memory_space<hbm>>
    %dma_start3A_333 = tpu.memref_squeeze %dma_start3A_332 : memref<1x8x1x8x128xf32, #tpu.memory_space<hbm>> -> memref<8x8x128xf32, #tpu.memory_space<hbm>>
    %dma_start3A_334 = arith.constant 0 : i32
    %dma_start3A_335 = arith.constant 0 : i32
    %dma_start3A_336 = arith.constant 0 : i32
    %dma_start3A_337 = tpu.memref_slice %arg9[%dma_start3A_334, %dma_start3A_335, %dma_start3A_336] : memref<8x8x129xf32, #tpu.memory_space<vmem>> -> memref<8x8x128xf32, #tpu.memory_space<vmem>>
    tpu.enqueue_dma source(%dma_start3A_337 : memref<8x8x128xf32, #tpu.memory_space<vmem>>) target(%dma_start3A_333 : memref<8x8x128xf32, #tpu.memory_space<hbm>>) target_semaphore(%dma_start3A_328 : memref<!tpu.dma_semaphore, #tpu.memory_space<semaphore_mem>>)
    %dma_start3A_338 = arith.constant 0 : i32
    %dma_start3A_339 = arith.constant 3 : i32
    %dma_start3A_340 = arith.constant 1 : i32
    %dma_start3A_341 = arith.constant 0 : i32
    %dma_start3A_342 = tpu.memref_slice %arg5[%dma_start3A_338, %dma_start3A_339, %dma_start3A_341] : memref<25x8x128xi32, #tpu.memory_space<vmem>> -> memref<1x1x128xi32, #tpu.memory_space<vmem>>
    %dma_start3A_343 = tpu.memref_squeeze %dma_start3A_342 : memref<1x1x128xi32, #tpu.memory_space<vmem>> -> memref<128xi32, #tpu.memory_space<vmem>>
    %dma_start3A_344 = arith.constant 0 : i32
    %dma_start3A_345 = arith.constant 0 : i32
    %dma_start3A_346 = tpu.memref_slice %arg2[%dma_start3A_344, %dma_start3A_345] : memref<1000000x128xf32, #tpu.memory_space<hbm>> -> memref<1000000x128xf32, #tpu.memory_space<hbm>>
    %dma_start3A_347 = tpu.memref_slice %arg10[%dma_start3A_340] : memref<2x!tpu.dma_semaphore, #tpu.memory_space<semaphore_mem>> -> memref<1x!tpu.dma_semaphore, #tpu.memory_space<semaphore_mem>>
    %dma_start3A_348 = tpu.memref_squeeze %dma_start3A_347 : memref<1x!tpu.dma_semaphore, #tpu.memory_space<semaphore_mem>> -> memref<!tpu.dma_semaphore, #tpu.memory_space<semaphore_mem>>
    tpu.enqueue_indirect_dma source(%dma_start3A_346 : memref<1000000x128xf32, #tpu.memory_space<hbm>>) target(%arg7 : memref<128x128xf32, #tpu.memory_space<vmem>>) offsets(%dma_start3A_343 : memref<128xi32, #tpu.memory_space<vmem>>) semaphore(%dma_start3A_348 : memref<!tpu.dma_semaphore, #tpu.memory_space<semaphore_mem>>)
    %scan3A_349 = arith.constant 0 : i32
    %scan3A_350 = arith.constant 0 : i32
    %scan3A_351 = arith.constant 98 : i32
    %scan3A_352 = arith.addi %scan3A_350, %scan3A_351 : i32
    %scan3A_353 = arith.constant 1 : i32
    scf.for %scan3A_525 = %scan3A_350 to %scan3A_352 step %scan3A_353  : i32 {
      %mul3A_526 = arith.constant 2 : i32
      %mul3A_527 = arith.muli %mul3A_526, %scan3A_525 : i32
      %add3A_528 = arith.constant 2 : i32
      %add3A_529 = arith.addi %mul3A_527, %add3A_528 : i32
      %jit3A_530 = arith.constant 8 : i32
      %div3A_531 = arith.divsi %add3A_529, %jit3A_530 : i32
      %sign3A_532 = arith.constant 0 : i32
      %sign3A_533 = arith.cmpi sgt, %add3A_529, %sign3A_532 : i32
      %sign3A_534 = arith.extui %sign3A_533 : i1 to i32
      %sign3A_535 = arith.constant 0 : i32
      %sign3A_536 = arith.cmpi slt, %add3A_529, %sign3A_535 : i32
      %sign3A_537 = arith.extui %sign3A_536 : i1 to i32
      %sign3A_538 = arith.subi %sign3A_534, %sign3A_537 : i32
      %sign3A_539 = arith.constant 0 : i32
      %sign3A_540 = arith.cmpi sgt, %jit3A_530, %sign3A_539 : i32
      %sign3A_541 = arith.extui %sign3A_540 : i1 to i32
      %sign3A_542 = arith.constant 0 : i32
      %sign3A_543 = arith.cmpi slt, %jit3A_530, %sign3A_542 : i32
      %sign3A_544 = arith.extui %sign3A_543 : i1 to i32
      %sign3A_545 = arith.subi %sign3A_541, %sign3A_544 : i32
      %ne3A_546 = arith.cmpi ne, %sign3A_538, %sign3A_545 : i32
      %rem3A_547 = arith.remsi %add3A_529, %jit3A_530 : i32
      %ne3A_548 = arith.constant 0 : i32
      %ne3A_549 = arith.cmpi ne, %rem3A_547, %ne3A_548 : i32
      %and3A_550 = arith.andi %ne3A_546, %ne3A_549 : i1
      %sub3A_551 = arith.constant 1 : i32
      %sub3A_552 = arith.subi %div3A_531, %sub3A_551 : i32
      %select_n3A_553 = arith.select %and3A_550, %sub3A_552, %div3A_531 : i32
      %jit3A_554 = arith.constant 8 : i32
      %eq3A_555 = arith.constant 0 : i32
      %eq3A_556 = arith.cmpi eq, %jit3A_554, %eq3A_555 : i32
      %jit3A_557 = arith.constant 1 : i32
      %select_n3A_558 = arith.select %eq3A_556, %jit3A_557, %jit3A_554 : i32
      %rem3A_559 = arith.remsi %add3A_529, %select_n3A_558 : i32
      %ne3A_560 = arith.constant 0 : i32
      %ne3A_561 = arith.cmpi ne, %rem3A_559, %ne3A_560 : i32
      %lt3A_562 = arith.constant 0 : i32
      %lt3A_563 = arith.cmpi slt, %rem3A_559, %lt3A_562 : i32
      %lt3A_564 = arith.constant 0 : i32
      %lt3A_565 = arith.cmpi slt, %select_n3A_558, %lt3A_564 : i32
      %ne3A_566 = arith.xori %lt3A_563, %lt3A_565 : i1
      %and3A_567 = arith.andi %ne3A_566, %ne3A_561 : i1
      %add3A_568 = arith.addi %rem3A_559, %select_n3A_558 : i32
      %select_n3A_569 = arith.select %and3A_567, %add3A_568, %rem3A_559 : i32
      %dma_wait3A_570 = arith.constant 0 : i32
      %dma_wait3A_571 = arith.constant 0 : i32
      %dma_wait3A_572 = tpu.memref_slice %arg5[%select_n3A_553, %select_n3A_569, %dma_wait3A_571] : memref<25x8x128xi32, #tpu.memory_space<vmem>> -> memref<1x1x128xi32, #tpu.memory_space<vmem>>
      %dma_wait3A_573 = tpu.memref_squeeze %dma_wait3A_572 : memref<1x1x128xi32, #tpu.memory_space<vmem>> -> memref<128xi32, #tpu.memory_space<vmem>>
      %dma_wait3A_574 = arith.constant 0 : i32
      %dma_wait3A_575 = arith.constant 0 : i32
      %dma_wait3A_576 = tpu.memref_slice %arg2[%dma_wait3A_574, %dma_wait3A_575] : memref<1000000x128xf32, #tpu.memory_space<hbm>> -> memref<1000000x128xf32, #tpu.memory_space<hbm>>
      %dma_wait3A_577 = tpu.memref_slice %arg10[%dma_wait3A_570] : memref<2x!tpu.dma_semaphore, #tpu.memory_space<semaphore_mem>> -> memref<1x!tpu.dma_semaphore, #tpu.memory_space<semaphore_mem>>
      %dma_wait3A_578 = tpu.memref_squeeze %dma_wait3A_577 : memref<1x!tpu.dma_semaphore, #tpu.memory_space<semaphore_mem>> -> memref<!tpu.dma_semaphore, #tpu.memory_space<semaphore_mem>>
      tpu.wait_indirect_dma semaphore(%dma_wait3A_578 : memref<!tpu.dma_semaphore, #tpu.memory_space<semaphore_mem>>) src(%dma_wait3A_576 : memref<1000000x128xf32, #tpu.memory_space<hbm>>) dst(%arg6 : memref<128x128xf32, #tpu.memory_space<vmem>>)
      %sub3A_579 = arith.constant 2 : i32
      %sub3A_580 = arith.subi %add3A_529, %sub3A_579 : i32
      %dma_wait3A_581 = arith.constant 0 : i32
      %dma_wait3A_582 = arith.constant 0 : i32
      %dma_wait3A_583 = arith.constant 0 : i32
      %dma_wait3A_584 = arith.constant 0 : i32
      %dma_wait3A_585 = tpu.memref_slice %arg8[%dma_wait3A_582, %dma_wait3A_583, %dma_wait3A_584] : memref<8x8x129xf32, #tpu.memory_space<vmem>> -> memref<8x8x128xf32, #tpu.memory_space<vmem>>
      %dma_wait3A_586 = arith.constant 0 : i32
      %dma_wait3A_587 = arith.constant 0 : i32
      %dma_wait3A_588 = arith.constant 0 : i32
      %dma_wait3A_589 = tpu.memref_slice %arg4[%sub3A_580, %dma_wait3A_586, %add3A, %dma_wait3A_587, %dma_wait3A_588] : memref<200x8x32x8x128xf32, #tpu.memory_space<hbm>> -> memref<1x8x1x8x128xf32, #tpu.memory_space<hbm>>
      %dma_wait3A_590 = tpu.memref_squeeze %dma_wait3A_589 : memref<1x8x1x8x128xf32, #tpu.memory_space<hbm>> -> memref<8x8x128xf32, #tpu.memory_space<hbm>>
      %dma_wait3A_591 = tpu.memref_slice %arg11[%dma_wait3A_581] : memref<2x!tpu.dma_semaphore, #tpu.memory_space<semaphore_mem>> -> memref<1x!tpu.dma_semaphore, #tpu.memory_space<semaphore_mem>>
      %dma_wait3A_592 = tpu.memref_squeeze %dma_wait3A_591 : memref<1x!tpu.dma_semaphore, #tpu.memory_space<semaphore_mem>> -> memref<!tpu.dma_semaphore, #tpu.memory_space<semaphore_mem>>
      %dma_wait3A_593 = arith.constant 0 : i32
      %dma_wait3A_594 = arith.constant 0 : i32
      %dma_wait3A_595 = arith.constant 0 : i32
      %dma_wait3A_596 = tpu.memref_slice %arg4[%sub3A_580, %dma_wait3A_593, %add3A, %dma_wait3A_594, %dma_wait3A_595] : memref<200x8x32x8x128xf32, #tpu.memory_space<hbm>> -> memref<1x8x1x8x128xf32, #tpu.memory_space<hbm>>
      %dma_wait3A_597 = tpu.memref_squeeze %dma_wait3A_596 : memref<1x8x1x8x128xf32, #tpu.memory_space<hbm>> -> memref<8x8x128xf32, #tpu.memory_space<hbm>>
      %dma_wait3A_598 = arith.constant 0 : i32
      %dma_wait3A_599 = arith.constant 0 : i32
      %dma_wait3A_600 = arith.constant 0 : i32
      %dma_wait3A_601 = tpu.memref_slice %arg8[%dma_wait3A_598, %dma_wait3A_599, %dma_wait3A_600] : memref<8x8x129xf32, #tpu.memory_space<vmem>> -> memref<8x8x128xf32, #tpu.memory_space<vmem>>
      tpu.wait_dma2 semaphore(%dma_wait3A_592 : memref<!tpu.dma_semaphore, #tpu.memory_space<semaphore_mem>>) src(%dma_wait3A_601 : memref<8x8x128xf32, #tpu.memory_space<vmem>>) dst(%dma_wait3A_597 : memref<8x8x128xf32, #tpu.memory_space<hbm>>)
      %broadcast_in_dim3A_602 = arith.constant 0 : i32
      %broadcast_in_dim3A_603 = vector.broadcast %broadcast_in_dim3A_602 : i32 to vector<16xi32>
      %scan3A_604 = arith.constant 0 : i32
      %scan3A_605 = arith.constant 32 : i32
      %scan3A_606 = arith.addi %scan3A_604, %scan3A_605 : i32
      %scan3A_607 = arith.constant 1 : i32
      %scan3A_608 = scf.for %scan3A_838 = %scan3A_604 to %scan3A_606 step %scan3A_607 iter_args(%scan3A_839 = %broadcast_in_dim3A_603) -> (vector<16xi32>)  : i32 {
        %mul3A_840 = arith.constant 4 : i32
        %mul3A_841 = arith.muli %scan3A_838, %mul3A_840 : i32
        %add3A_842 = arith.constant 0 : i32
        %add3A_843 = vector.broadcast %add3A_842 : i32 to vector<16xi32>
        %add3A_844 = arith.addi %scan3A_839, %add3A_843 : vector<16xi32>
        %add3A_845 = arith.constant 1 : i32
        %add3A_846 = vector.broadcast %add3A_845 : i32 to vector<16xi32>
        %add3A_847 = arith.addi %scan3A_839, %add3A_846 : vector<16xi32>
        %add3A_848 = arith.constant 2 : i32
        %add3A_849 = vector.broadcast %add3A_848 : i32 to vector<16xi32>
        %add3A_850 = arith.addi %scan3A_839, %add3A_849 : vector<16xi32>
        %add3A_851 = arith.constant 3 : i32
        %add3A_852 = vector.broadcast %add3A_851 : i32 to vector<16xi32>
        %add3A_853 = arith.addi %scan3A_839, %add3A_852 : vector<16xi32>
        %add3A_854 = arith.constant 0 : i32
        %add3A_855 = arith.addi %mul3A_841, %add3A_854 : i32
        %get3A = arith.index_cast %add3A_855 : i32 to index
        %get3A_856 = arith.constant 0 : index
        %get3A_857 = tpu.vector_load %arg6[%get3A, %get3A_856] {strides = array<i32>} : memref<128x128xf32, #tpu.memory_space<vmem>>, vector<16xf32>,
        %add3A_858 = arith.constant 0 : i32
        %add3A_859 = arith.addi %mul3A_841, %add3A_858 : i32
        %get3A_860 = arith.index_cast %add3A_859 : i32 to index
        %get3A_861 = arith.constant 16 : index
        %get3A_862 = tpu.vector_load %arg6[%get3A_860, %get3A_861] {strides = array<i32>} : memref<128x128xf32, #tpu.memory_space<vmem>>, vector<16xf32>,
        %add3A_863 = arith.constant 0 : i32
        %add3A_864 = arith.addi %mul3A_841, %add3A_863 : i32
        %get3A_865 = arith.index_cast %add3A_864 : i32 to index
        %get3A_866 = arith.constant 32 : index
        %get3A_867 = tpu.vector_load %arg6[%get3A_865, %get3A_866] {strides = array<i32>} : memref<128x128xf32, #tpu.memory_space<vmem>>, vector<16xf32>,
        %add3A_868 = arith.constant 0 : i32
        %add3A_869 = arith.addi %mul3A_841, %add3A_868 : i32
        %get3A_870 = arith.index_cast %add3A_869 : i32 to index
        %get3A_871 = arith.constant 48 : index
        %get3A_872 = tpu.vector_load %arg6[%get3A_870, %get3A_871] {strides = array<i32>} : memref<128x128xf32, #tpu.memory_space<vmem>>, vector<16xf32>,
        %add3A_873 = arith.constant 1 : i32
        %add3A_874 = arith.addi %mul3A_841, %add3A_873 : i32
        %get3A_875 = arith.index_cast %add3A_874 : i32 to index
        %get3A_876 = arith.constant 0 : index
        %get3A_877 = tpu.vector_load %arg6[%get3A_875, %get3A_876] {strides = array<i32>} : memref<128x128xf32, #tpu.memory_space<vmem>>, vector<16xf32>,
        %add3A_878 = arith.constant 1 : i32
        %add3A_879 = arith.addi %mul3A_841, %add3A_878 : i32
        %get3A_880 = arith.index_cast %add3A_879 : i32 to index
        %get3A_881 = arith.constant 16 : index
        %get3A_882 = tpu.vector_load %arg6[%get3A_880, %get3A_881] {strides = array<i32>} : memref<128x128xf32, #tpu.memory_space<vmem>>, vector<16xf32>,
        %add3A_883 = arith.constant 1 : i32
        %add3A_884 = arith.addi %mul3A_841, %add3A_883 : i32
        %get3A_885 = arith.index_cast %add3A_884 : i32 to index
        %get3A_886 = arith.constant 32 : index
        %get3A_887 = tpu.vector_load %arg6[%get3A_885, %get3A_886] {strides = array<i32>} : memref<128x128xf32, #tpu.memory_space<vmem>>, vector<16xf32>,
        %add3A_888 = arith.constant 1 : i32
        %add3A_889 = arith.addi %mul3A_841, %add3A_888 : i32
        %get3A_890 = arith.index_cast %add3A_889 : i32 to index
        %get3A_891 = arith.constant 48 : index
        %get3A_892 = tpu.vector_load %arg6[%get3A_890, %get3A_891] {strides = array<i32>} : memref<128x128xf32, #tpu.memory_space<vmem>>, vector<16xf32>,
        %add3A_893 = arith.constant 2 : i32
        %add3A_894 = arith.addi %mul3A_841, %add3A_893 : i32
        %get3A_895 = arith.index_cast %add3A_894 : i32 to index
        %get3A_896 = arith.constant 0 : index
        %get3A_897 = tpu.vector_load %arg6[%get3A_895, %get3A_896] {strides = array<i32>} : memref<128x128xf32, #tpu.memory_space<vmem>>, vector<16xf32>,
        %add3A_898 = arith.constant 2 : i32
        %add3A_899 = arith.addi %mul3A_841, %add3A_898 : i32
        %get3A_900 = arith.index_cast %add3A_899 : i32 to index
        %get3A_901 = arith.constant 16 : index
        %get3A_902 = tpu.vector_load %arg6[%get3A_900, %get3A_901] {strides = array<i32>} : memref<128x128xf32, #tpu.memory_space<vmem>>, vector<16xf32>,
        %add3A_903 = arith.constant 2 : i32
        %add3A_904 = arith.addi %mul3A_841, %add3A_903 : i32
        %get3A_905 = arith.index_cast %add3A_904 : i32 to index
        %get3A_906 = arith.constant 32 : index
        %get3A_907 = tpu.vector_load %arg6[%get3A_905, %get3A_906] {strides = array<i32>} : memref<128x128xf32, #tpu.memory_space<vmem>>, vector<16xf32>,
        %add3A_908 = arith.constant 2 : i32
        %add3A_909 = arith.addi %mul3A_841, %add3A_908 : i32
        %get3A_910 = arith.index_cast %add3A_909 : i32 to index
        %get3A_911 = arith.constant 48 : index
        %get3A_912 = tpu.vector_load %arg6[%get3A_910, %get3A_911] {strides = array<i32>} : memref<128x128xf32, #tpu.memory_space<vmem>>, vector<16xf32>,
        %add3A_913 = arith.constant 3 : i32
        %add3A_914 = arith.addi %mul3A_841, %add3A_913 : i32
        %get3A_915 = arith.index_cast %add3A_914 : i32 to index
        %get3A_916 = arith.constant 0 : index
        %get3A_917 = tpu.vector_load %arg6[%get3A_915, %get3A_916] {strides = array<i32>} : memref<128x128xf32, #tpu.memory_space<vmem>>, vector<16xf32>,
        %add3A_918 = arith.constant 3 : i32
        %add3A_919 = arith.addi %mul3A_841, %add3A_918 : i32
        %get3A_920 = arith.index_cast %add3A_919 : i32 to index
        %get3A_921 = arith.constant 16 : index
        %get3A_922 = tpu.vector_load %arg6[%get3A_920, %get3A_921] {strides = array<i32>} : memref<128x128xf32, #tpu.memory_space<vmem>>, vector<16xf32>,
        %add3A_923 = arith.constant 3 : i32
        %add3A_924 = arith.addi %mul3A_841, %add3A_923 : i32
        %get3A_925 = arith.index_cast %add3A_924 : i32 to index
        %get3A_926 = arith.constant 32 : index
        %get3A_927 = tpu.vector_load %arg6[%get3A_925, %get3A_926] {strides = array<i32>} : memref<128x128xf32, #tpu.memory_space<vmem>>, vector<16xf32>,
        %add3A_928 = arith.constant 3 : i32
        %add3A_929 = arith.addi %mul3A_841, %add3A_928 : i32
        %get3A_930 = arith.index_cast %add3A_929 : i32 to index
        %get3A_931 = arith.constant 48 : index
        %get3A_932 = tpu.vector_load %arg6[%get3A_930, %get3A_931] {strides = array<i32>} : memref<128x128xf32, #tpu.memory_space<vmem>>, vector<16xf32>,
        tpu.vector_store_idx %arg8[%select_n3A, %select_n3A_49, %add3A_844], %get3A_857 : memref<8x8x129xf32, #tpu.memory_space<vmem>>[vector<16xi32>, vector<16xi32>, vector<16xi32>], vector<16xf32>,
        tpu.vector_store_idx %arg8[%select_n3A_83, %select_n3A_108, %add3A_844], %get3A_862 : memref<8x8x129xf32, #tpu.memory_space<vmem>>[vector<16xi32>, vector<16xi32>, vector<16xi32>], vector<16xf32>,
        tpu.vector_store_idx %arg8[%select_n3A_142, %select_n3A_167, %add3A_844], %get3A_867 : memref<8x8x129xf32, #tpu.memory_space<vmem>>[vector<16xi32>, vector<16xi32>, vector<16xi32>], vector<16xf32>,
        tpu.vector_store_idx %arg8[%select_n3A_201, %select_n3A_226, %add3A_844], %get3A_872 : memref<8x8x129xf32, #tpu.memory_space<vmem>>[vector<16xi32>, vector<16xi32>, vector<16xi32>], vector<16xf32>,
        tpu.vector_store_idx %arg8[%select_n3A, %select_n3A_49, %add3A_847], %get3A_877 : memref<8x8x129xf32, #tpu.memory_space<vmem>>[vector<16xi32>, vector<16xi32>, vector<16xi32>], vector<16xf32>,
        tpu.vector_store_idx %arg8[%select_n3A_83, %select_n3A_108, %add3A_847], %get3A_882 : memref<8x8x129xf32, #tpu.memory_space<vmem>>[vector<16xi32>, vector<16xi32>, vector<16xi32>], vector<16xf32>,
        tpu.vector_store_idx %arg8[%select_n3A_142, %select_n3A_167, %add3A_847], %get3A_887 : memref<8x8x129xf32, #tpu.memory_space<vmem>>[vector<16xi32>, vector<16xi32>, vector<16xi32>], vector<16xf32>,
        tpu.vector_store_idx %arg8[%select_n3A_201, %select_n3A_226, %add3A_847], %get3A_892 : memref<8x8x129xf32, #tpu.memory_space<vmem>>[vector<16xi32>, vector<16xi32>, vector<16xi32>], vector<16xf32>,
        tpu.vector_store_idx %arg8[%select_n3A, %select_n3A_49, %add3A_850], %get3A_897 : memref<8x8x129xf32, #tpu.memory_space<vmem>>[vector<16xi32>, vector<16xi32>, vector<16xi32>], vector<16xf32>,
        tpu.vector_store_idx %arg8[%select_n3A_83, %select_n3A_108, %add3A_850], %get3A_902 : memref<8x8x129xf32, #tpu.memory_space<vmem>>[vector<16xi32>, vector<16xi32>, vector<16xi32>], vector<16xf32>,
        tpu.vector_store_idx %arg8[%select_n3A_142, %select_n3A_167, %add3A_850], %get3A_907 : memref<8x8x129xf32, #tpu.memory_space<vmem>>[vector<16xi32>, vector<16xi32>, vector<16xi32>], vector<16xf32>,
        tpu.vector_store_idx %arg8[%select_n3A_201, %select_n3A_226, %add3A_850], %get3A_912 : memref<8x8x129xf32, #tpu.memory_space<vmem>>[vector<16xi32>, vector<16xi32>, vector<16xi32>], vector<16xf32>,
        tpu.vector_store_idx %arg8[%select_n3A, %select_n3A_49, %add3A_853], %get3A_917 : memref<8x8x129xf32, #tpu.memory_space<vmem>>[vector<16xi32>, vector<16xi32>, vector<16xi32>], vector<16xf32>,
        tpu.vector_store_idx %arg8[%select_n3A_83, %select_n3A_108, %add3A_853], %get3A_922 : memref<8x8x129xf32, #tpu.memory_space<vmem>>[vector<16xi32>, vector<16xi32>, vector<16xi32>], vector<16xf32>,
        tpu.vector_store_idx %arg8[%select_n3A_142, %select_n3A_167, %add3A_853], %get3A_927 : memref<8x8x129xf32, #tpu.memory_space<vmem>>[vector<16xi32>, vector<16xi32>, vector<16xi32>], vector<16xf32>,
        tpu.vector_store_idx %arg8[%select_n3A_201, %select_n3A_226, %add3A_853], %get3A_932 : memref<8x8x129xf32, #tpu.memory_space<vmem>>[vector<16xi32>, vector<16xi32>, vector<16xi32>], vector<16xf32>,
        %add3A_933 = arith.constant 4 : i32
        %add3A_934 = vector.broadcast %add3A_933 : i32 to vector<16xi32>
        %add3A_935 = arith.addi %scan3A_839, %add3A_934 : vector<16xi32>
        scf.yield %add3A_935 : vector<16xi32>
      }
      %scan3A_609 = arith.constant 32 : i32
      %dma_start3A_610 = arith.constant 0 : i32
      %dma_start3A_611 = arith.constant 0 : i32
      %dma_start3A_612 = arith.constant 0 : i32
      %dma_start3A_613 = arith.constant 0 : i32
      %dma_start3A_614 = tpu.memref_slice %arg8[%dma_start3A_611, %dma_start3A_612, %dma_start3A_613] : memref<8x8x129xf32, #tpu.memory_space<vmem>> -> memref<8x8x128xf32, #tpu.memory_space<vmem>>
      %dma_start3A_615 = arith.constant 0 : i32
      %dma_start3A_616 = arith.constant 0 : i32
      %dma_start3A_617 = arith.constant 0 : i32
      %dma_start3A_618 = tpu.memref_slice %arg4[%add3A_529, %dma_start3A_615, %add3A, %dma_start3A_616, %dma_start3A_617] : memref<200x8x32x8x128xf32, #tpu.memory_space<hbm>> -> memref<1x8x1x8x128xf32, #tpu.memory_space<hbm>>
      %dma_start3A_619 = tpu.memref_squeeze %dma_start3A_618 : memref<1x8x1x8x128xf32, #tpu.memory_space<hbm>> -> memref<8x8x128xf32, #tpu.memory_space<hbm>>
      %dma_start3A_620 = tpu.memref_slice %arg11[%dma_start3A_610] : memref<2x!tpu.dma_semaphore, #tpu.memory_space<semaphore_mem>> -> memref<1x!tpu.dma_semaphore, #tpu.memory_space<semaphore_mem>>
      %dma_start3A_621 = tpu.memref_squeeze %dma_start3A_620 : memref<1x!tpu.dma_semaphore, #tpu.memory_space<semaphore_mem>> -> memref<!tpu.dma_semaphore, #tpu.memory_space<semaphore_mem>>
      %dma_start3A_622 = arith.constant 0 : i32
      %dma_start3A_623 = arith.constant 0 : i32
      %dma_start3A_624 = arith.constant 0 : i32
      %dma_start3A_625 = tpu.memref_slice %arg4[%add3A_529, %dma_start3A_622, %add3A, %dma_start3A_623, %dma_start3A_624] : memref<200x8x32x8x128xf32, #tpu.memory_space<hbm>> -> memref<1x8x1x8x128xf32, #tpu.memory_space<hbm>>
      %dma_start3A_626 = tpu.memref_squeeze %dma_start3A_625 : memref<1x8x1x8x128xf32, #tpu.memory_space<hbm>> -> memref<8x8x128xf32, #tpu.memory_space<hbm>>
      %dma_start3A_627 = arith.constant 0 : i32
      %dma_start3A_628 = arith.constant 0 : i32
      %dma_start3A_629 = arith.constant 0 : i32
      %dma_start3A_630 = tpu.memref_slice %arg8[%dma_start3A_627, %dma_start3A_628, %dma_start3A_629] : memref<8x8x129xf32, #tpu.memory_space<vmem>> -> memref<8x8x128xf32, #tpu.memory_space<vmem>>
      tpu.enqueue_dma source(%dma_start3A_630 : memref<8x8x128xf32, #tpu.memory_space<vmem>>) target(%dma_start3A_626 : memref<8x8x128xf32, #tpu.memory_space<hbm>>) target_semaphore(%dma_start3A_621 : memref<!tpu.dma_semaphore, #tpu.memory_space<semaphore_mem>>)
      %add3A_631 = arith.constant 2 : i32
      %add3A_632 = arith.addi %add3A_529, %add3A_631 : i32
      %jit3A_633 = arith.constant 8 : i32
      %div3A_634 = arith.divsi %add3A_632, %jit3A_633 : i32
      %sign3A_635 = arith.constant 0 : i32
      %sign3A_636 = arith.cmpi sgt, %add3A_632, %sign3A_635 : i32
      %sign3A_637 = arith.extui %sign3A_636 : i1 to i32
      %sign3A_638 = arith.constant 0 : i32
      %sign3A_639 = arith.cmpi slt, %add3A_632, %sign3A_638 : i32
      %sign3A_640 = arith.extui %sign3A_639 : i1 to i32
      %sign3A_641 = arith.subi %sign3A_637, %sign3A_640 : i32
      %sign3A_642 = arith.constant 0 : i32
      %sign3A_643 = arith.cmpi sgt, %jit3A_633, %sign3A_642 : i32
      %sign3A_644 = arith.extui %sign3A_643 : i1 to i32
      %sign3A_645 = arith.constant 0 : i32
      %sign3A_646 = arith.cmpi slt, %jit3A_633, %sign3A_645 : i32
      %sign3A_647 = arith.extui %sign3A_646 : i1 to i32
      %sign3A_648 = arith.subi %sign3A_644, %sign3A_647 : i32
      %ne3A_649 = arith.cmpi ne, %sign3A_641, %sign3A_648 : i32
      %rem3A_650 = arith.remsi %add3A_632, %jit3A_633 : i32
      %ne3A_651 = arith.constant 0 : i32
      %ne3A_652 = arith.cmpi ne, %rem3A_650, %ne3A_651 : i32
      %and3A_653 = arith.andi %ne3A_649, %ne3A_652 : i1
      %sub3A_654 = arith.constant 1 : i32
      %sub3A_655 = arith.subi %div3A_634, %sub3A_654 : i32
      %select_n3A_656 = arith.select %and3A_653, %sub3A_655, %div3A_634 : i32
      %jit3A_657 = arith.constant 8 : i32
      %eq3A_658 = arith.constant 0 : i32
      %eq3A_659 = arith.cmpi eq, %jit3A_657, %eq3A_658 : i32
      %jit3A_660 = arith.constant 1 : i32
      %select_n3A_661 = arith.select %eq3A_659, %jit3A_660, %jit3A_657 : i32
      %rem3A_662 = arith.remsi %add3A_632, %select_n3A_661 : i32
      %ne3A_663 = arith.constant 0 : i32
      %ne3A_664 = arith.cmpi ne, %rem3A_662, %ne3A_663 : i32
      %lt3A_665 = arith.constant 0 : i32
      %lt3A_666 = arith.cmpi slt, %rem3A_662, %lt3A_665 : i32
      %lt3A_667 = arith.constant 0 : i32
      %lt3A_668 = arith.cmpi slt, %select_n3A_661, %lt3A_667 : i32
      %ne3A_669 = arith.xori %lt3A_666, %lt3A_668 : i1
      %and3A_670 = arith.andi %ne3A_669, %ne3A_664 : i1
      %add3A_671 = arith.addi %rem3A_662, %select_n3A_661 : i32
      %select_n3A_672 = arith.select %and3A_670, %add3A_671, %rem3A_662 : i32
      %dma_start3A_673 = arith.constant 0 : i32
      %dma_start3A_674 = arith.constant 0 : i32
      %dma_start3A_675 = tpu.memref_slice %arg5[%select_n3A_656, %select_n3A_672, %dma_start3A_674] : memref<25x8x128xi32, #tpu.memory_space<vmem>> -> memref<1x1x128xi32, #tpu.memory_space<vmem>>
      %dma_start3A_676 = tpu.memref_squeeze %dma_start3A_675 : memref<1x1x128xi32, #tpu.memory_space<vmem>> -> memref<128xi32, #tpu.memory_space<vmem>>
      %dma_start3A_677 = arith.constant 0 : i32
      %dma_start3A_678 = arith.constant 0 : i32
      %dma_start3A_679 = tpu.memref_slice %arg2[%dma_start3A_677, %dma_start3A_678] : memref<1000000x128xf32, #tpu.memory_space<hbm>> -> memref<1000000x128xf32, #tpu.memory_space<hbm>>
      %dma_start3A_680 = tpu.memref_slice %arg10[%dma_start3A_673] : memref<2x!tpu.dma_semaphore, #tpu.memory_space<semaphore_mem>> -> memref<1x!tpu.dma_semaphore, #tpu.memory_space<semaphore_mem>>
      %dma_start3A_681 = tpu.memref_squeeze %dma_start3A_680 : memref<1x!tpu.dma_semaphore, #tpu.memory_space<semaphore_mem>> -> memref<!tpu.dma_semaphore, #tpu.memory_space<semaphore_mem>>
      tpu.enqueue_indirect_dma source(%dma_start3A_679 : memref<1000000x128xf32, #tpu.memory_space<hbm>>) target(%arg6 : memref<128x128xf32, #tpu.memory_space<vmem>>) offsets(%dma_start3A_676 : memref<128xi32, #tpu.memory_space<vmem>>) semaphore(%dma_start3A_681 : memref<!tpu.dma_semaphore, #tpu.memory_space<semaphore_mem>>)
      %mul3A_682 = arith.constant 2 : i32
      %mul3A_683 = arith.muli %mul3A_682, %scan3A_525 : i32
      %add3A_684 = arith.constant 3 : i32
      %add3A_685 = arith.addi %mul3A_683, %add3A_684 : i32
      %jit3A_686 = arith.constant 8 : i32
      %div3A_687 = arith.divsi %add3A_685, %jit3A_686 : i32
      %sign3A_688 = arith.constant 0 : i32
      %sign3A_689 = arith.cmpi sgt, %add3A_685, %sign3A_688 : i32
      %sign3A_690 = arith.extui %sign3A_689 : i1 to i32
      %sign3A_691 = arith.constant 0 : i32
      %sign3A_692 = arith.cmpi slt, %add3A_685, %sign3A_691 : i32
      %sign3A_693 = arith.extui %sign3A_692 : i1 to i32
      %sign3A_694 = arith.subi %sign3A_690, %sign3A_693 : i32
      %sign3A_695 = arith.constant 0 : i32
      %sign3A_696 = arith.cmpi sgt, %jit3A_686, %sign3A_695 : i32
      %sign3A_697 = arith.extui %sign3A_696 : i1 to i32
      %sign3A_698 = arith.constant 0 : i32
      %sign3A_699 = arith.cmpi slt, %jit3A_686, %sign3A_698 : i32
      %sign3A_700 = arith.extui %sign3A_699 : i1 to i32
      %sign3A_701 = arith.subi %sign3A_697, %sign3A_700 : i32
      %ne3A_702 = arith.cmpi ne, %sign3A_694, %sign3A_701 : i32
      %rem3A_703 = arith.remsi %add3A_685, %jit3A_686 : i32
      %ne3A_704 = arith.constant 0 : i32
      %ne3A_705 = arith.cmpi ne, %rem3A_703, %ne3A_704 : i32
      %and3A_706 = arith.andi %ne3A_702, %ne3A_705 : i1
      %sub3A_707 = arith.constant 1 : i32
      %sub3A_708 = arith.subi %div3A_687, %sub3A_707 : i32
      %select_n3A_709 = arith.select %and3A_706, %sub3A_708, %div3A_687 : i32
      %jit3A_710 = arith.constant 8 : i32
      %eq3A_711 = arith.constant 0 : i32
      %eq3A_712 = arith.cmpi eq, %jit3A_710, %eq3A_711 : i32
      %jit3A_713 = arith.constant 1 : i32
      %select_n3A_714 = arith.select %eq3A_712, %jit3A_713, %jit3A_710 : i32
      %rem3A_715 = arith.remsi %add3A_685, %select_n3A_714 : i32
      %ne3A_716 = arith.constant 0 : i32
      %ne3A_717 = arith.cmpi ne, %rem3A_715, %ne3A_716 : i32
      %lt3A_718 = arith.constant 0 : i32
      %lt3A_719 = arith.cmpi slt, %rem3A_715, %lt3A_718 : i32
      %lt3A_720 = arith.constant 0 : i32
      %lt3A_721 = arith.cmpi slt, %select_n3A_714, %lt3A_720 : i32
      %ne3A_722 = arith.xori %lt3A_719, %lt3A_721 : i1
      %and3A_723 = arith.andi %ne3A_722, %ne3A_717 : i1
      %add3A_724 = arith.addi %rem3A_715, %select_n3A_714 : i32
      %select_n3A_725 = arith.select %and3A_723, %add3A_724, %rem3A_715 : i32
      %dma_wait3A_726 = arith.constant 1 : i32
      %dma_wait3A_727 = arith.constant 0 : i32
      %dma_wait3A_728 = tpu.memref_slice %arg5[%select_n3A_709, %select_n3A_725, %dma_wait3A_727] : memref<25x8x128xi32, #tpu.memory_space<vmem>> -> memref<1x1x128xi32, #tpu.memory_space<vmem>>
      %dma_wait3A_729 = tpu.memref_squeeze %dma_wait3A_728 : memref<1x1x128xi32, #tpu.memory_space<vmem>> -> memref<128xi32, #tpu.memory_space<vmem>>
      %dma_wait3A_730 = arith.constant 0 : i32
      %dma_wait3A_731 = arith.constant 0 : i32
      %dma_wait3A_732 = tpu.memref_slice %arg2[%dma_wait3A_730, %dma_wait3A_731] : memref<1000000x128xf32, #tpu.memory_space<hbm>> -> memref<1000000x128xf32, #tpu.memory_space<hbm>>
      %dma_wait3A_733 = tpu.memref_slice %arg10[%dma_wait3A_726] : memref<2x!tpu.dma_semaphore, #tpu.memory_space<semaphore_mem>> -> memref<1x!tpu.dma_semaphore, #tpu.memory_space<semaphore_mem>>
      %dma_wait3A_734 = tpu.memref_squeeze %dma_wait3A_733 : memref<1x!tpu.dma_semaphore, #tpu.memory_space<semaphore_mem>> -> memref<!tpu.dma_semaphore, #tpu.memory_space<semaphore_mem>>
      tpu.wait_indirect_dma semaphore(%dma_wait3A_734 : memref<!tpu.dma_semaphore, #tpu.memory_space<semaphore_mem>>) src(%dma_wait3A_732 : memref<1000000x128xf32, #tpu.memory_space<hbm>>) dst(%arg7 : memref<128x128xf32, #tpu.memory_space<vmem>>)
      %sub3A_735 = arith.constant 2 : i32
      %sub3A_736 = arith.subi %add3A_685, %sub3A_735 : i32
      %dma_wait3A_737 = arith.constant 1 : i32
      %dma_wait3A_738 = arith.constant 0 : i32
      %dma_wait3A_739 = arith.constant 0 : i32
      %dma_wait3A_740 = arith.constant 0 : i32
      %dma_wait3A_741 = tpu.memref_slice %arg9[%dma_wait3A_738, %dma_wait3A_739, %dma_wait3A_740] : memref<8x8x129xf32, #tpu.memory_space<vmem>> -> memref<8x8x128xf32, #tpu.memory_space<vmem>>
      %dma_wait3A_742 = arith.constant 0 : i32
      %dma_wait3A_743 = arith.constant 0 : i32
      %dma_wait3A_744 = arith.constant 0 : i32
      %dma_wait3A_745 = tpu.memref_slice %arg4[%sub3A_736, %dma_wait3A_742, %add3A, %dma_wait3A_743, %dma_wait3A_744] : memref<200x8x32x8x128xf32, #tpu.memory_space<hbm>> -> memref<1x8x1x8x128xf32, #tpu.memory_space<hbm>>
      %dma_wait3A_746 = tpu.memref_squeeze %dma_wait3A_745 : memref<1x8x1x8x128xf32, #tpu.memory_space<hbm>> -> memref<8x8x128xf32, #tpu.memory_space<hbm>>
      %dma_wait3A_747 = tpu.memref_slice %arg11[%dma_wait3A_737] : memref<2x!tpu.dma_semaphore, #tpu.memory_space<semaphore_mem>> -> memref<1x!tpu.dma_semaphore, #tpu.memory_space<semaphore_mem>>
      %dma_wait3A_748 = tpu.memref_squeeze %dma_wait3A_747 : memref<1x!tpu.dma_semaphore, #tpu.memory_space<semaphore_mem>> -> memref<!tpu.dma_semaphore, #tpu.memory_space<semaphore_mem>>
      %dma_wait3A_749 = arith.constant 0 : i32
      %dma_wait3A_750 = arith.constant 0 : i32
      %dma_wait3A_751 = arith.constant 0 : i32
      %dma_wait3A_752 = tpu.memref_slice %arg4[%sub3A_736, %dma_wait3A_749, %add3A, %dma_wait3A_750, %dma_wait3A_751] : memref<200x8x32x8x128xf32, #tpu.memory_space<hbm>> -> memref<1x8x1x8x128xf32, #tpu.memory_space<hbm>>
      %dma_wait3A_753 = tpu.memref_squeeze %dma_wait3A_752 : memref<1x8x1x8x128xf32, #tpu.memory_space<hbm>> -> memref<8x8x128xf32, #tpu.memory_space<hbm>>
      %dma_wait3A_754 = arith.constant 0 : i32
      %dma_wait3A_755 = arith.constant 0 : i32
      %dma_wait3A_756 = arith.constant 0 : i32
      %dma_wait3A_757 = tpu.memref_slice %arg9[%dma_wait3A_754, %dma_wait3A_755, %dma_wait3A_756] : memref<8x8x129xf32, #tpu.memory_space<vmem>> -> memref<8x8x128xf32, #tpu.memory_space<vmem>>
      tpu.wait_dma2 semaphore(%dma_wait3A_748 : memref<!tpu.dma_semaphore, #tpu.memory_space<semaphore_mem>>) src(%dma_wait3A_757 : memref<8x8x128xf32, #tpu.memory_space<vmem>>) dst(%dma_wait3A_753 : memref<8x8x128xf32, #tpu.memory_space<hbm>>)
      %broadcast_in_dim3A_758 = arith.constant 0 : i32
      %broadcast_in_dim3A_759 = vector.broadcast %broadcast_in_dim3A_758 : i32 to vector<16xi32>
      %scan3A_760 = arith.constant 0 : i32
      %scan3A_761 = arith.constant 32 : i32
      %scan3A_762 = arith.addi %scan3A_760, %scan3A_761 : i32
      %scan3A_763 = arith.constant 1 : i32
      %scan3A_764 = scf.for %scan3A_838 = %scan3A_760 to %scan3A_762 step %scan3A_763 iter_args(%scan3A_839 = %broadcast_in_dim3A_759) -> (vector<16xi32>)  : i32 {
        %mul3A_840 = arith.constant 4 : i32
        %mul3A_841 = arith.muli %scan3A_838, %mul3A_840 : i32
        %add3A_842 = arith.constant 0 : i32
        %add3A_843 = vector.broadcast %add3A_842 : i32 to vector<16xi32>
        %add3A_844 = arith.addi %scan3A_839, %add3A_843 : vector<16xi32>
        %add3A_845 = arith.constant 1 : i32
        %add3A_846 = vector.broadcast %add3A_845 : i32 to vector<16xi32>
        %add3A_847 = arith.addi %scan3A_839, %add3A_846 : vector<16xi32>
        %add3A_848 = arith.constant 2 : i32
        %add3A_849 = vector.broadcast %add3A_848 : i32 to vector<16xi32>
        %add3A_850 = arith.addi %scan3A_839, %add3A_849 : vector<16xi32>
        %add3A_851 = arith.constant 3 : i32
        %add3A_852 = vector.broadcast %add3A_851 : i32 to vector<16xi32>
        %add3A_853 = arith.addi %scan3A_839, %add3A_852 : vector<16xi32>
        %add3A_854 = arith.constant 0 : i32
        %add3A_855 = arith.addi %mul3A_841, %add3A_854 : i32
        %get3A = arith.index_cast %add3A_855 : i32 to index
        %get3A_856 = arith.constant 0 : index
        %get3A_857 = tpu.vector_load %arg7[%get3A, %get3A_856] {strides = array<i32>} : memref<128x128xf32, #tpu.memory_space<vmem>>, vector<16xf32>,
        %add3A_858 = arith.constant 0 : i32
        %add3A_859 = arith.addi %mul3A_841, %add3A_858 : i32
        %get3A_860 = arith.index_cast %add3A_859 : i32 to index
        %get3A_861 = arith.constant 16 : index
        %get3A_862 = tpu.vector_load %arg7[%get3A_860, %get3A_861] {strides = array<i32>} : memref<128x128xf32, #tpu.memory_space<vmem>>, vector<16xf32>,
        %add3A_863 = arith.constant 0 : i32
        %add3A_864 = arith.addi %mul3A_841, %add3A_863 : i32
        %get3A_865 = arith.index_cast %add3A_864 : i32 to index
        %get3A_866 = arith.constant 32 : index
        %get3A_867 = tpu.vector_load %arg7[%get3A_865, %get3A_866] {strides = array<i32>} : memref<128x128xf32, #tpu.memory_space<vmem>>, vector<16xf32>,
        %add3A_868 = arith.constant 0 : i32
        %add3A_869 = arith.addi %mul3A_841, %add3A_868 : i32
        %get3A_870 = arith.index_cast %add3A_869 : i32 to index
        %get3A_871 = arith.constant 48 : index
        %get3A_872 = tpu.vector_load %arg7[%get3A_870, %get3A_871] {strides = array<i32>} : memref<128x128xf32, #tpu.memory_space<vmem>>, vector<16xf32>,
        %add3A_873 = arith.constant 1 : i32
        %add3A_874 = arith.addi %mul3A_841, %add3A_873 : i32
        %get3A_875 = arith.index_cast %add3A_874 : i32 to index
        %get3A_876 = arith.constant 0 : index
        %get3A_877 = tpu.vector_load %arg7[%get3A_875, %get3A_876] {strides = array<i32>} : memref<128x128xf32, #tpu.memory_space<vmem>>, vector<16xf32>,
        %add3A_878 = arith.constant 1 : i32
        %add3A_879 = arith.addi %mul3A_841, %add3A_878 : i32
        %get3A_880 = arith.index_cast %add3A_879 : i32 to index
        %get3A_881 = arith.constant 16 : index
        %get3A_882 = tpu.vector_load %arg7[%get3A_880, %get3A_881] {strides = array<i32>} : memref<128x128xf32, #tpu.memory_space<vmem>>, vector<16xf32>,
        %add3A_883 = arith.constant 1 : i32
        %add3A_884 = arith.addi %mul3A_841, %add3A_883 : i32
        %get3A_885 = arith.index_cast %add3A_884 : i32 to index
        %get3A_886 = arith.constant 32 : index
        %get3A_887 = tpu.vector_load %arg7[%get3A_885, %get3A_886] {strides = array<i32>} : memref<128x128xf32, #tpu.memory_space<vmem>>, vector<16xf32>,
        %add3A_888 = arith.constant 1 : i32
        %add3A_889 = arith.addi %mul3A_841, %add3A_888 : i32
        %get3A_890 = arith.index_cast %add3A_889 : i32 to index
        %get3A_891 = arith.constant 48 : index
        %get3A_892 = tpu.vector_load %arg7[%get3A_890, %get3A_891] {strides = array<i32>} : memref<128x128xf32, #tpu.memory_space<vmem>>, vector<16xf32>,
        %add3A_893 = arith.constant 2 : i32
        %add3A_894 = arith.addi %mul3A_841, %add3A_893 : i32
        %get3A_895 = arith.index_cast %add3A_894 : i32 to index
        %get3A_896 = arith.constant 0 : index
        %get3A_897 = tpu.vector_load %arg7[%get3A_895, %get3A_896] {strides = array<i32>} : memref<128x128xf32, #tpu.memory_space<vmem>>, vector<16xf32>,
        %add3A_898 = arith.constant 2 : i32
        %add3A_899 = arith.addi %mul3A_841, %add3A_898 : i32
        %get3A_900 = arith.index_cast %add3A_899 : i32 to index
        %get3A_901 = arith.constant 16 : index
        %get3A_902 = tpu.vector_load %arg7[%get3A_900, %get3A_901] {strides = array<i32>} : memref<128x128xf32, #tpu.memory_space<vmem>>, vector<16xf32>,
        %add3A_903 = arith.constant 2 : i32
        %add3A_904 = arith.addi %mul3A_841, %add3A_903 : i32
        %get3A_905 = arith.index_cast %add3A_904 : i32 to index
        %get3A_906 = arith.constant 32 : index
        %get3A_907 = tpu.vector_load %arg7[%get3A_905, %get3A_906] {strides = array<i32>} : memref<128x128xf32, #tpu.memory_space<vmem>>, vector<16xf32>,
        %add3A_908 = arith.constant 2 : i32
        %add3A_909 = arith.addi %mul3A_841, %add3A_908 : i32
        %get3A_910 = arith.index_cast %add3A_909 : i32 to index
        %get3A_911 = arith.constant 48 : index
        %get3A_912 = tpu.vector_load %arg7[%get3A_910, %get3A_911] {strides = array<i32>} : memref<128x128xf32, #tpu.memory_space<vmem>>, vector<16xf32>,
        %add3A_913 = arith.constant 3 : i32
        %add3A_914 = arith.addi %mul3A_841, %add3A_913 : i32
        %get3A_915 = arith.index_cast %add3A_914 : i32 to index
        %get3A_916 = arith.constant 0 : index
        %get3A_917 = tpu.vector_load %arg7[%get3A_915, %get3A_916] {strides = array<i32>} : memref<128x128xf32, #tpu.memory_space<vmem>>, vector<16xf32>,
        %add3A_918 = arith.constant 3 : i32
        %add3A_919 = arith.addi %mul3A_841, %add3A_918 : i32
        %get3A_920 = arith.index_cast %add3A_919 : i32 to index
        %get3A_921 = arith.constant 16 : index
        %get3A_922 = tpu.vector_load %arg7[%get3A_920, %get3A_921] {strides = array<i32>} : memref<128x128xf32, #tpu.memory_space<vmem>>, vector<16xf32>,
        %add3A_923 = arith.constant 3 : i32
        %add3A_924 = arith.addi %mul3A_841, %add3A_923 : i32
        %get3A_925 = arith.index_cast %add3A_924 : i32 to index
        %get3A_926 = arith.constant 32 : index
        %get3A_927 = tpu.vector_load %arg7[%get3A_925, %get3A_926] {strides = array<i32>} : memref<128x128xf32, #tpu.memory_space<vmem>>, vector<16xf32>,
        %add3A_928 = arith.constant 3 : i32
        %add3A_929 = arith.addi %mul3A_841, %add3A_928 : i32
        %get3A_930 = arith.index_cast %add3A_929 : i32 to index
        %get3A_931 = arith.constant 48 : index
        %get3A_932 = tpu.vector_load %arg7[%get3A_930, %get3A_931] {strides = array<i32>} : memref<128x128xf32, #tpu.memory_space<vmem>>, vector<16xf32>,
        tpu.vector_store_idx %arg9[%select_n3A, %select_n3A_49, %add3A_844], %get3A_857 : memref<8x8x129xf32, #tpu.memory_space<vmem>>[vector<16xi32>, vector<16xi32>, vector<16xi32>], vector<16xf32>,
        tpu.vector_store_idx %arg9[%select_n3A_83, %select_n3A_108, %add3A_844], %get3A_862 : memref<8x8x129xf32, #tpu.memory_space<vmem>>[vector<16xi32>, vector<16xi32>, vector<16xi32>], vector<16xf32>,
        tpu.vector_store_idx %arg9[%select_n3A_142, %select_n3A_167, %add3A_844], %get3A_867 : memref<8x8x129xf32, #tpu.memory_space<vmem>>[vector<16xi32>, vector<16xi32>, vector<16xi32>], vector<16xf32>,
        tpu.vector_store_idx %arg9[%select_n3A_201, %select_n3A_226, %add3A_844], %get3A_872 : memref<8x8x129xf32, #tpu.memory_space<vmem>>[vector<16xi32>, vector<16xi32>, vector<16xi32>], vector<16xf32>,
        tpu.vector_store_idx %arg9[%select_n3A, %select_n3A_49, %add3A_847], %get3A_877 : memref<8x8x129xf32, #tpu.memory_space<vmem>>[vector<16xi32>, vector<16xi32>, vector<16xi32>], vector<16xf32>,
        tpu.vector_store_idx %arg9[%select_n3A_83, %select_n3A_108, %add3A_847], %get3A_882 : memref<8x8x129xf32, #tpu.memory_space<vmem>>[vector<16xi32>, vector<16xi32>, vector<16xi32>], vector<16xf32>,
        tpu.vector_store_idx %arg9[%select_n3A_142, %select_n3A_167, %add3A_847], %get3A_887 : memref<8x8x129xf32, #tpu.memory_space<vmem>>[vector<16xi32>, vector<16xi32>, vector<16xi32>], vector<16xf32>,
        tpu.vector_store_idx %arg9[%select_n3A_201, %select_n3A_226, %add3A_847], %get3A_892 : memref<8x8x129xf32, #tpu.memory_space<vmem>>[vector<16xi32>, vector<16xi32>, vector<16xi32>], vector<16xf32>,
        tpu.vector_store_idx %arg9[%select_n3A, %select_n3A_49, %add3A_850], %get3A_897 : memref<8x8x129xf32, #tpu.memory_space<vmem>>[vector<16xi32>, vector<16xi32>, vector<16xi32>], vector<16xf32>,
        tpu.vector_store_idx %arg9[%select_n3A_83, %select_n3A_108, %add3A_850], %get3A_902 : memref<8x8x129xf32, #tpu.memory_space<vmem>>[vector<16xi32>, vector<16xi32>, vector<16xi32>], vector<16xf32>,
        tpu.vector_store_idx %arg9[%select_n3A_142, %select_n3A_167, %add3A_850], %get3A_907 : memref<8x8x129xf32, #tpu.memory_space<vmem>>[vector<16xi32>, vector<16xi32>, vector<16xi32>], vector<16xf32>,
        tpu.vector_store_idx %arg9[%select_n3A_201, %select_n3A_226, %add3A_850], %get3A_912 : memref<8x8x129xf32, #tpu.memory_space<vmem>>[vector<16xi32>, vector<16xi32>, vector<16xi32>], vector<16xf32>,
        tpu.vector_store_idx %arg9[%select_n3A, %select_n3A_49, %add3A_853], %get3A_917 : memref<8x8x129xf32, #tpu.memory_space<vmem>>[vector<16xi32>, vector<16xi32>, vector<16xi32>], vector<16xf32>,
        tpu.vector_store_idx %arg9[%select_n3A_83, %select_n3A_108, %add3A_853], %get3A_922 : memref<8x8x129xf32, #tpu.memory_space<vmem>>[vector<16xi32>, vector<16xi32>, vector<16xi32>], vector<16xf32>,
        tpu.vector_store_idx %arg9[%select_n3A_142, %select_n3A_167, %add3A_853], %get3A_927 : memref<8x8x129xf32, #tpu.memory_space<vmem>>[vector<16xi32>, vector<16xi32>, vector<16xi32>], vector<16xf32>,
        tpu.vector_store_idx %arg9[%select_n3A_201, %select_n3A_226, %add3A_853], %get3A_932 : memref<8x8x129xf32, #tpu.memory_space<vmem>>[vector<16xi32>, vector<16xi32>, vector<16xi32>], vector<16xf32>,
        %add3A_933 = arith.constant 4 : i32
        %add3A_934 = vector.broadcast %add3A_933 : i32 to vector<16xi32>
        %add3A_935 = arith.addi %scan3A_839, %add3A_934 : vector<16xi32>
        scf.yield %add3A_935 : vector<16xi32>
      }
      %scan3A_765 = arith.constant 32 : i32
      %dma_start3A_766 = arith.constant 1 : i32
      %dma_start3A_767 = arith.constant 0 : i32
      %dma_start3A_768 = arith.constant 0 : i32
      %dma_start3A_769 = arith.constant 0 : i32
      %dma_start3A_770 = tpu.memref_slice %arg9[%dma_start3A_767, %dma_start3A_768, %dma_start3A_769] : memref<8x8x129xf32, #tpu.memory_space<vmem>> -> memref<8x8x128xf32, #tpu.memory_space<vmem>>
      %dma_start3A_771 = arith.constant 0 : i32
      %dma_start3A_772 = arith.constant 0 : i32
      %dma_start3A_773 = arith.constant 0 : i32
      %dma_start3A_774 = tpu.memref_slice %arg4[%add3A_685, %dma_start3A_771, %add3A, %dma_start3A_772, %dma_start3A_773] : memref<200x8x32x8x128xf32, #tpu.memory_space<hbm>> -> memref<1x8x1x8x128xf32, #tpu.memory_space<hbm>>
      %dma_start3A_775 = tpu.memref_squeeze %dma_start3A_774 : memref<1x8x1x8x128xf32, #tpu.memory_space<hbm>> -> memref<8x8x128xf32, #tpu.memory_space<hbm>>
      %dma_start3A_776 = tpu.memref_slice %arg11[%dma_start3A_766] : memref<2x!tpu.dma_semaphore, #tpu.memory_space<semaphore_mem>> -> memref<1x!tpu.dma_semaphore, #tpu.memory_space<semaphore_mem>>
      %dma_start3A_777 = tpu.memref_squeeze %dma_start3A_776 : memref<1x!tpu.dma_semaphore, #tpu.memory_space<semaphore_mem>> -> memref<!tpu.dma_semaphore, #tpu.memory_space<semaphore_mem>>
      %dma_start3A_778 = arith.constant 0 : i32
      %dma_start3A_779 = arith.constant 0 : i32
      %dma_start3A_780 = arith.constant 0 : i32
      %dma_start3A_781 = tpu.memref_slice %arg4[%add3A_685, %dma_start3A_778, %add3A, %dma_start3A_779, %dma_start3A_780] : memref<200x8x32x8x128xf32, #tpu.memory_space<hbm>> -> memref<1x8x1x8x128xf32, #tpu.memory_space<hbm>>
      %dma_start3A_782 = tpu.memref_squeeze %dma_start3A_781 : memref<1x8x1x8x128xf32, #tpu.memory_space<hbm>> -> memref<8x8x128xf32, #tpu.memory_space<hbm>>
      %dma_start3A_783 = arith.constant 0 : i32
      %dma_start3A_784 = arith.constant 0 : i32
      %dma_start3A_785 = arith.constant 0 : i32
      %dma_start3A_786 = tpu.memref_slice %arg9[%dma_start3A_783, %dma_start3A_784, %dma_start3A_785] : memref<8x8x129xf32, #tpu.memory_space<vmem>> -> memref<8x8x128xf32, #tpu.memory_space<vmem>>
      tpu.enqueue_dma source(%dma_start3A_786 : memref<8x8x128xf32, #tpu.memory_space<vmem>>) target(%dma_start3A_782 : memref<8x8x128xf32, #tpu.memory_space<hbm>>) target_semaphore(%dma_start3A_777 : memref<!tpu.dma_semaphore, #tpu.memory_space<semaphore_mem>>)
      %add3A_787 = arith.constant 2 : i32
      %add3A_788 = arith.addi %add3A_685, %add3A_787 : i32
      %jit3A_789 = arith.constant 8 : i32
      %div3A_790 = arith.divsi %add3A_788, %jit3A_789 : i32
      %sign3A_791 = arith.constant 0 : i32
      %sign3A_792 = arith.cmpi sgt, %add3A_788, %sign3A_791 : i32
      %sign3A_793 = arith.extui %sign3A_792 : i1 to i32
      %sign3A_794 = arith.constant 0 : i32
      %sign3A_795 = arith.cmpi slt, %add3A_788, %sign3A_794 : i32
      %sign3A_796 = arith.extui %sign3A_795 : i1 to i32
      %sign3A_797 = arith.subi %sign3A_793, %sign3A_796 : i32
      %sign3A_798 = arith.constant 0 : i32
      %sign3A_799 = arith.cmpi sgt, %jit3A_789, %sign3A_798 : i32
      %sign3A_800 = arith.extui %sign3A_799 : i1 to i32
      %sign3A_801 = arith.constant 0 : i32
      %sign3A_802 = arith.cmpi slt, %jit3A_789, %sign3A_801 : i32
      %sign3A_803 = arith.extui %sign3A_802 : i1 to i32
      %sign3A_804 = arith.subi %sign3A_800, %sign3A_803 : i32
      %ne3A_805 = arith.cmpi ne, %sign3A_797, %sign3A_804 : i32
      %rem3A_806 = arith.remsi %add3A_788, %jit3A_789 : i32
      %ne3A_807 = arith.constant 0 : i32
      %ne3A_808 = arith.cmpi ne, %rem3A_806, %ne3A_807 : i32
      %and3A_809 = arith.andi %ne3A_805, %ne3A_808 : i1
      %sub3A_810 = arith.constant 1 : i32
      %sub3A_811 = arith.subi %div3A_790, %sub3A_810 : i32
      %select_n3A_812 = arith.select %and3A_809, %sub3A_811, %div3A_790 : i32
      %jit3A_813 = arith.constant 8 : i32
      %eq3A_814 = arith.constant 0 : i32
      %eq3A_815 = arith.cmpi eq, %jit3A_813, %eq3A_814 : i32
      %jit3A_816 = arith.constant 1 : i32
      %select_n3A_817 = arith.select %eq3A_815, %jit3A_816, %jit3A_813 : i32
      %rem3A_818 = arith.remsi %add3A_788, %select_n3A_817 : i32
      %ne3A_819 = arith.constant 0 : i32
      %ne3A_820 = arith.cmpi ne, %rem3A_818, %ne3A_819 : i32
      %lt3A_821 = arith.constant 0 : i32
      %lt3A_822 = arith.cmpi slt, %rem3A_818, %lt3A_821 : i32
      %lt3A_823 = arith.constant 0 : i32
      %lt3A_824 = arith.cmpi slt, %select_n3A_817, %lt3A_823 : i32
      %ne3A_825 = arith.xori %lt3A_822, %lt3A_824 : i1
      %and3A_826 = arith.andi %ne3A_825, %ne3A_820 : i1
      %add3A_827 = arith.addi %rem3A_818, %select_n3A_817 : i32
      %select_n3A_828 = arith.select %and3A_826, %add3A_827, %rem3A_818 : i32
      %dma_start3A_829 = arith.constant 1 : i32
      %dma_start3A_830 = arith.constant 0 : i32
      %dma_start3A_831 = tpu.memref_slice %arg5[%select_n3A_812, %select_n3A_828, %dma_start3A_830] : memref<25x8x128xi32, #tpu.memory_space<vmem>> -> memref<1x1x128xi32, #tpu.memory_space<vmem>>
      %dma_start3A_832 = tpu.memref_squeeze %dma_start3A_831 : memref<1x1x128xi32, #tpu.memory_space<vmem>> -> memref<128xi32, #tpu.memory_space<vmem>>
      %dma_start3A_833 = arith.constant 0 : i32
      %dma_start3A_834 = arith.constant 0 : i32
      %dma_start3A_835 = tpu.memref_slice %arg2[%dma_start3A_833, %dma_start3A_834] : memref<1000000x128xf32, #tpu.memory_space<hbm>> -> memref<1000000x128xf32, #tpu.memory_space<hbm>>
      %dma_start3A_836 = tpu.memref_slice %arg10[%dma_start3A_829] : memref<2x!tpu.dma_semaphore, #tpu.memory_space<semaphore_mem>> -> memref<1x!tpu.dma_semaphore, #tpu.memory_space<semaphore_mem>>
      %dma_start3A_837 = tpu.memref_squeeze %dma_start3A_836 : memref<1x!tpu.dma_semaphore, #tpu.memory_space<semaphore_mem>> -> memref<!tpu.dma_semaphore, #tpu.memory_space<semaphore_mem>>
      tpu.enqueue_indirect_dma source(%dma_start3A_835 : memref<1000000x128xf32, #tpu.memory_space<hbm>>) target(%arg7 : memref<128x128xf32, #tpu.memory_space<vmem>>) offsets(%dma_start3A_832 : memref<128xi32, #tpu.memory_space<vmem>>) semaphore(%dma_start3A_837 : memref<!tpu.dma_semaphore, #tpu.memory_space<semaphore_mem>>)
    }
    %scan3A_354 = arith.constant 98 : i32
    %dma_wait3A_355 = arith.constant 24 : i32
    %dma_wait3A_356 = arith.constant 6 : i32
    %dma_wait3A_357 = arith.constant 0 : i32
    %dma_wait3A_358 = arith.constant 0 : i32
    %dma_wait3A_359 = tpu.memref_slice %arg5[%dma_wait3A_355, %dma_wait3A_356, %dma_wait3A_358] : memref<25x8x128xi32, #tpu.memory_space<vmem>> -> memref<1x1x128xi32, #tpu.memory_space<vmem>>
    %dma_wait3A_360 = tpu.memref_squeeze %dma_wait3A_359 : memref<1x1x128xi32, #tpu.memory_space<vmem>> -> memref<128xi32, #tpu.memory_space<vmem>>
    %dma_wait3A_361 = arith.constant 0 : i32
    %dma_wait3A_362 = arith.constant 0 : i32
    %dma_wait3A_363 = tpu.memref_slice %arg2[%dma_wait3A_361, %dma_wait3A_362] : memref<1000000x128xf32, #tpu.memory_space<hbm>> -> memref<1000000x128xf32, #tpu.memory_space<hbm>>
    %dma_wait3A_364 = tpu.memref_slice %arg10[%dma_wait3A_357] : memref<2x!tpu.dma_semaphore, #tpu.memory_space<semaphore_mem>> -> memref<1x!tpu.dma_semaphore, #tpu.memory_space<semaphore_mem>>
    %dma_wait3A_365 = tpu.memref_squeeze %dma_wait3A_364 : memref<1x!tpu.dma_semaphore, #tpu.memory_space<semaphore_mem>> -> memref<!tpu.dma_semaphore, #tpu.memory_space<semaphore_mem>>
    tpu.wait_indirect_dma semaphore(%dma_wait3A_365 : memref<!tpu.dma_semaphore, #tpu.memory_space<semaphore_mem>>) src(%dma_wait3A_363 : memref<1000000x128xf32, #tpu.memory_space<hbm>>) dst(%arg6 : memref<128x128xf32, #tpu.memory_space<vmem>>)
    %dma_wait3A_366 = arith.constant 196 : i32
    %dma_wait3A_367 = arith.constant 0 : i32
    %dma_wait3A_368 = arith.constant 0 : i32
    %dma_wait3A_369 = arith.constant 0 : i32
    %dma_wait3A_370 = arith.constant 0 : i32
    %dma_wait3A_371 = tpu.memref_slice %arg8[%dma_wait3A_368, %dma_wait3A_369, %dma_wait3A_370] : memref<8x8x129xf32, #tpu.memory_space<vmem>> -> memref<8x8x128xf32, #tpu.memory_space<vmem>>
    %dma_wait3A_372 = arith.constant 0 : i32
    %dma_wait3A_373 = arith.constant 0 : i32
    %dma_wait3A_374 = arith.constant 0 : i32
    %dma_wait3A_375 = tpu.memref_slice %arg4[%dma_wait3A_366, %dma_wait3A_372, %add3A, %dma_wait3A_373, %dma_wait3A_374] : memref<200x8x32x8x128xf32, #tpu.memory_space<hbm>> -> memref<1x8x1x8x128xf32, #tpu.memory_space<hbm>>
    %dma_wait3A_376 = tpu.memref_squeeze %dma_wait3A_375 : memref<1x8x1x8x128xf32, #tpu.memory_space<hbm>> -> memref<8x8x128xf32, #tpu.memory_space<hbm>>
    %dma_wait3A_377 = tpu.memref_slice %arg11[%dma_wait3A_367] : memref<2x!tpu.dma_semaphore, #tpu.memory_space<semaphore_mem>> -> memref<1x!tpu.dma_semaphore, #tpu.memory_space<semaphore_mem>>
    %dma_wait3A_378 = tpu.memref_squeeze %dma_wait3A_377 : memref<1x!tpu.dma_semaphore, #tpu.memory_space<semaphore_mem>> -> memref<!tpu.dma_semaphore, #tpu.memory_space<semaphore_mem>>
    %dma_wait3A_379 = arith.constant 0 : i32
    %dma_wait3A_380 = arith.constant 0 : i32
    %dma_wait3A_381 = arith.constant 0 : i32
    %dma_wait3A_382 = tpu.memref_slice %arg4[%dma_wait3A_366, %dma_wait3A_379, %add3A, %dma_wait3A_380, %dma_wait3A_381] : memref<200x8x32x8x128xf32, #tpu.memory_space<hbm>> -> memref<1x8x1x8x128xf32, #tpu.memory_space<hbm>>
    %dma_wait3A_383 = tpu.memref_squeeze %dma_wait3A_382 : memref<1x8x1x8x128xf32, #tpu.memory_space<hbm>> -> memref<8x8x128xf32, #tpu.memory_space<hbm>>
    %dma_wait3A_384 = arith.constant 0 : i32
    %dma_wait3A_385 = arith.constant 0 : i32
    %dma_wait3A_386 = arith.constant 0 : i32
    %dma_wait3A_387 = tpu.memref_slice %arg8[%dma_wait3A_384, %dma_wait3A_385, %dma_wait3A_386] : memref<8x8x129xf32, #tpu.memory_space<vmem>> -> memref<8x8x128xf32, #tpu.memory_space<vmem>>
    tpu.wait_dma2 semaphore(%dma_wait3A_378 : memref<!tpu.dma_semaphore, #tpu.memory_space<semaphore_mem>>) src(%dma_wait3A_387 : memref<8x8x128xf32, #tpu.memory_space<vmem>>) dst(%dma_wait3A_383 : memref<8x8x128xf32, #tpu.memory_space<hbm>>)
    %broadcast_in_dim3A_388 = arith.constant 0 : i32
    %broadcast_in_dim3A_389 = vector.broadcast %broadcast_in_dim3A_388 : i32 to vector<16xi32>
    %scan3A_390 = arith.constant 0 : i32
    %scan3A_391 = arith.constant 32 : i32
    %scan3A_392 = arith.addi %scan3A_390, %scan3A_391 : i32
    %scan3A_393 = arith.constant 1 : i32
    %scan3A_394 = scf.for %scan3A_525 = %scan3A_390 to %scan3A_392 step %scan3A_393 iter_args(%scan3A_526 = %broadcast_in_dim3A_389) -> (vector<16xi32>)  : i32 {
      %mul3A_527 = arith.constant 4 : i32
      %mul3A_528 = arith.muli %scan3A_525, %mul3A_527 : i32
      %add3A_529 = arith.constant 0 : i32
      %add3A_530 = vector.broadcast %add3A_529 : i32 to vector<16xi32>
      %add3A_531 = arith.addi %scan3A_526, %add3A_530 : vector<16xi32>
      %add3A_532 = arith.constant 1 : i32
      %add3A_533 = vector.broadcast %add3A_532 : i32 to vector<16xi32>
      %add3A_534 = arith.addi %scan3A_526, %add3A_533 : vector<16xi32>
      %add3A_535 = arith.constant 2 : i32
      %add3A_536 = vector.broadcast %add3A_535 : i32 to vector<16xi32>
      %add3A_537 = arith.addi %scan3A_526, %add3A_536 : vector<16xi32>
      %add3A_538 = arith.constant 3 : i32
      %add3A_539 = vector.broadcast %add3A_538 : i32 to vector<16xi32>
      %add3A_540 = arith.addi %scan3A_526, %add3A_539 : vector<16xi32>
      %add3A_541 = arith.constant 0 : i32
      %add3A_542 = arith.addi %mul3A_528, %add3A_541 : i32
      %get3A = arith.index_cast %add3A_542 : i32 to index
      %get3A_543 = arith.constant 0 : index
      %get3A_544 = tpu.vector_load %arg6[%get3A, %get3A_543] {strides = array<i32>} : memref<128x128xf32, #tpu.memory_space<vmem>>, vector<16xf32>,
      %add3A_545 = arith.constant 0 : i32
      %add3A_546 = arith.addi %mul3A_528, %add3A_545 : i32
      %get3A_547 = arith.index_cast %add3A_546 : i32 to index
      %get3A_548 = arith.constant 16 : index
      %get3A_549 = tpu.vector_load %arg6[%get3A_547, %get3A_548] {strides = array<i32>} : memref<128x128xf32, #tpu.memory_space<vmem>>, vector<16xf32>,
      %add3A_550 = arith.constant 0 : i32
      %add3A_551 = arith.addi %mul3A_528, %add3A_550 : i32
      %get3A_552 = arith.index_cast %add3A_551 : i32 to index
      %get3A_553 = arith.constant 32 : index
      %get3A_554 = tpu.vector_load %arg6[%get3A_552, %get3A_553] {strides = array<i32>} : memref<128x128xf32, #tpu.memory_space<vmem>>, vector<16xf32>,
      %add3A_555 = arith.constant 0 : i32
      %add3A_556 = arith.addi %mul3A_528, %add3A_555 : i32
      %get3A_557 = arith.index_cast %add3A_556 : i32 to index
      %get3A_558 = arith.constant 48 : index
      %get3A_559 = tpu.vector_load %arg6[%get3A_557, %get3A_558] {strides = array<i32>} : memref<128x128xf32, #tpu.memory_space<vmem>>, vector<16xf32>,
      %add3A_560 = arith.constant 1 : i32
      %add3A_561 = arith.addi %mul3A_528, %add3A_560 : i32
      %get3A_562 = arith.index_cast %add3A_561 : i32 to index
      %get3A_563 = arith.constant 0 : index
      %get3A_564 = tpu.vector_load %arg6[%get3A_562, %get3A_563] {strides = array<i32>} : memref<128x128xf32, #tpu.memory_space<vmem>>, vector<16xf32>,
      %add3A_565 = arith.constant 1 : i32
      %add3A_566 = arith.addi %mul3A_528, %add3A_565 : i32
      %get3A_567 = arith.index_cast %add3A_566 : i32 to index
      %get3A_568 = arith.constant 16 : index
      %get3A_569 = tpu.vector_load %arg6[%get3A_567, %get3A_568] {strides = array<i32>} : memref<128x128xf32, #tpu.memory_space<vmem>>, vector<16xf32>,
      %add3A_570 = arith.constant 1 : i32
      %add3A_571 = arith.addi %mul3A_528, %add3A_570 : i32
      %get3A_572 = arith.index_cast %add3A_571 : i32 to index
      %get3A_573 = arith.constant 32 : index
      %get3A_574 = tpu.vector_load %arg6[%get3A_572, %get3A_573] {strides = array<i32>} : memref<128x128xf32, #tpu.memory_space<vmem>>, vector<16xf32>,
      %add3A_575 = arith.constant 1 : i32
      %add3A_576 = arith.addi %mul3A_528, %add3A_575 : i32
      %get3A_577 = arith.index_cast %add3A_576 : i32 to index
      %get3A_578 = arith.constant 48 : index
      %get3A_579 = tpu.vector_load %arg6[%get3A_577, %get3A_578] {strides = array<i32>} : memref<128x128xf32, #tpu.memory_space<vmem>>, vector<16xf32>,
      %add3A_580 = arith.constant 2 : i32
      %add3A_581 = arith.addi %mul3A_528, %add3A_580 : i32
      %get3A_582 = arith.index_cast %add3A_581 : i32 to index
      %get3A_583 = arith.constant 0 : index
      %get3A_584 = tpu.vector_load %arg6[%get3A_582, %get3A_583] {strides = array<i32>} : memref<128x128xf32, #tpu.memory_space<vmem>>, vector<16xf32>,
      %add3A_585 = arith.constant 2 : i32
      %add3A_586 = arith.addi %mul3A_528, %add3A_585 : i32
      %get3A_587 = arith.index_cast %add3A_586 : i32 to index
      %get3A_588 = arith.constant 16 : index
      %get3A_589 = tpu.vector_load %arg6[%get3A_587, %get3A_588] {strides = array<i32>} : memref<128x128xf32, #tpu.memory_space<vmem>>, vector<16xf32>,
      %add3A_590 = arith.constant 2 : i32
      %add3A_591 = arith.addi %mul3A_528, %add3A_590 : i32
      %get3A_592 = arith.index_cast %add3A_591 : i32 to index
      %get3A_593 = arith.constant 32 : index
      %get3A_594 = tpu.vector_load %arg6[%get3A_592, %get3A_593] {strides = array<i32>} : memref<128x128xf32, #tpu.memory_space<vmem>>, vector<16xf32>,
      %add3A_595 = arith.constant 2 : i32
      %add3A_596 = arith.addi %mul3A_528, %add3A_595 : i32
      %get3A_597 = arith.index_cast %add3A_596 : i32 to index
      %get3A_598 = arith.constant 48 : index
      %get3A_599 = tpu.vector_load %arg6[%get3A_597, %get3A_598] {strides = array<i32>} : memref<128x128xf32, #tpu.memory_space<vmem>>, vector<16xf32>,
      %add3A_600 = arith.constant 3 : i32
      %add3A_601 = arith.addi %mul3A_528, %add3A_600 : i32
      %get3A_602 = arith.index_cast %add3A_601 : i32 to index
      %get3A_603 = arith.constant 0 : index
      %get3A_604 = tpu.vector_load %arg6[%get3A_602, %get3A_603] {strides = array<i32>} : memref<128x128xf32, #tpu.memory_space<vmem>>, vector<16xf32>,
      %add3A_605 = arith.constant 3 : i32
      %add3A_606 = arith.addi %mul3A_528, %add3A_605 : i32
      %get3A_607 = arith.index_cast %add3A_606 : i32 to index
      %get3A_608 = arith.constant 16 : index
      %get3A_609 = tpu.vector_load %arg6[%get3A_607, %get3A_608] {strides = array<i32>} : memref<128x128xf32, #tpu.memory_space<vmem>>, vector<16xf32>,
      %add3A_610 = arith.constant 3 : i32
      %add3A_611 = arith.addi %mul3A_528, %add3A_610 : i32
      %get3A_612 = arith.index_cast %add3A_611 : i32 to index
      %get3A_613 = arith.constant 32 : index
      %get3A_614 = tpu.vector_load %arg6[%get3A_612, %get3A_613] {strides = array<i32>} : memref<128x128xf32, #tpu.memory_space<vmem>>, vector<16xf32>,
      %add3A_615 = arith.constant 3 : i32
      %add3A_616 = arith.addi %mul3A_528, %add3A_615 : i32
      %get3A_617 = arith.index_cast %add3A_616 : i32 to index
      %get3A_618 = arith.constant 48 : index
      %get3A_619 = tpu.vector_load %arg6[%get3A_617, %get3A_618] {strides = array<i32>} : memref<128x128xf32, #tpu.memory_space<vmem>>, vector<16xf32>,
      tpu.vector_store_idx %arg8[%select_n3A, %select_n3A_49, %add3A_531], %get3A_544 : memref<8x8x129xf32, #tpu.memory_space<vmem>>[vector<16xi32>, vector<16xi32>, vector<16xi32>], vector<16xf32>,
      tpu.vector_store_idx %arg8[%select_n3A_83, %select_n3A_108, %add3A_531], %get3A_549 : memref<8x8x129xf32, #tpu.memory_space<vmem>>[vector<16xi32>, vector<16xi32>, vector<16xi32>], vector<16xf32>,
      tpu.vector_store_idx %arg8[%select_n3A_142, %select_n3A_167, %add3A_531], %get3A_554 : memref<8x8x129xf32, #tpu.memory_space<vmem>>[vector<16xi32>, vector<16xi32>, vector<16xi32>], vector<16xf32>,
      tpu.vector_store_idx %arg8[%select_n3A_201, %select_n3A_226, %add3A_531], %get3A_559 : memref<8x8x129xf32, #tpu.memory_space<vmem>>[vector<16xi32>, vector<16xi32>, vector<16xi32>], vector<16xf32>,
      tpu.vector_store_idx %arg8[%select_n3A, %select_n3A_49, %add3A_534], %get3A_564 : memref<8x8x129xf32, #tpu.memory_space<vmem>>[vector<16xi32>, vector<16xi32>, vector<16xi32>], vector<16xf32>,
      tpu.vector_store_idx %arg8[%select_n3A_83, %select_n3A_108, %add3A_534], %get3A_569 : memref<8x8x129xf32, #tpu.memory_space<vmem>>[vector<16xi32>, vector<16xi32>, vector<16xi32>], vector<16xf32>,
      tpu.vector_store_idx %arg8[%select_n3A_142, %select_n3A_167, %add3A_534], %get3A_574 : memref<8x8x129xf32, #tpu.memory_space<vmem>>[vector<16xi32>, vector<16xi32>, vector<16xi32>], vector<16xf32>,
      tpu.vector_store_idx %arg8[%select_n3A_201, %select_n3A_226, %add3A_534], %get3A_579 : memref<8x8x129xf32, #tpu.memory_space<vmem>>[vector<16xi32>, vector<16xi32>, vector<16xi32>], vector<16xf32>,
      tpu.vector_store_idx %arg8[%select_n3A, %select_n3A_49, %add3A_537], %get3A_584 : memref<8x8x129xf32, #tpu.memory_space<vmem>>[vector<16xi32>, vector<16xi32>, vector<16xi32>], vector<16xf32>,
      tpu.vector_store_idx %arg8[%select_n3A_83, %select_n3A_108, %add3A_537], %get3A_589 : memref<8x8x129xf32, #tpu.memory_space<vmem>>[vector<16xi32>, vector<16xi32>, vector<16xi32>], vector<16xf32>,
      tpu.vector_store_idx %arg8[%select_n3A_142, %select_n3A_167, %add3A_537], %get3A_594 : memref<8x8x129xf32, #tpu.memory_space<vmem>>[vector<16xi32>, vector<16xi32>, vector<16xi32>], vector<16xf32>,
      tpu.vector_store_idx %arg8[%select_n3A_201, %select_n3A_226, %add3A_537], %get3A_599 : memref<8x8x129xf32, #tpu.memory_space<vmem>>[vector<16xi32>, vector<16xi32>, vector<16xi32>], vector<16xf32>,
      tpu.vector_store_idx %arg8[%select_n3A, %select_n3A_49, %add3A_540], %get3A_604 : memref<8x8x129xf32, #tpu.memory_space<vmem>>[vector<16xi32>, vector<16xi32>, vector<16xi32>], vector<16xf32>,
      tpu.vector_store_idx %arg8[%select_n3A_83, %select_n3A_108, %add3A_540], %get3A_609 : memref<8x8x129xf32, #tpu.memory_space<vmem>>[vector<16xi32>, vector<16xi32>, vector<16xi32>], vector<16xf32>,
      tpu.vector_store_idx %arg8[%select_n3A_142, %select_n3A_167, %add3A_540], %get3A_614 : memref<8x8x129xf32, #tpu.memory_space<vmem>>[vector<16xi32>, vector<16xi32>, vector<16xi32>], vector<16xf32>,
      tpu.vector_store_idx %arg8[%select_n3A_201, %select_n3A_226, %add3A_540], %get3A_619 : memref<8x8x129xf32, #tpu.memory_space<vmem>>[vector<16xi32>, vector<16xi32>, vector<16xi32>], vector<16xf32>,
      %add3A_620 = arith.constant 4 : i32
      %add3A_621 = vector.broadcast %add3A_620 : i32 to vector<16xi32>
      %add3A_622 = arith.addi %scan3A_526, %add3A_621 : vector<16xi32>
      scf.yield %add3A_622 : vector<16xi32>
    }
    %scan3A_395 = arith.constant 32 : i32
    %dma_start3A_396 = arith.constant 198 : i32
    %dma_start3A_397 = arith.constant 0 : i32
    %dma_start3A_398 = arith.constant 0 : i32
    %dma_start3A_399 = arith.constant 0 : i32
    %dma_start3A_400 = arith.constant 0 : i32
    %dma_start3A_401 = tpu.memref_slice %arg8[%dma_start3A_398, %dma_start3A_399, %dma_start3A_400] : memref<8x8x129xf32, #tpu.memory_space<vmem>> -> memref<8x8x128xf32, #tpu.memory_space<vmem>>
    %dma_start3A_402 = arith.constant 0 : i32
    %dma_start3A_403 = arith.constant 0 : i32
    %dma_start3A_404 = arith.constant 0 : i32
    %dma_start3A_405 = tpu.memref_slice %arg4[%dma_start3A_396, %dma_start3A_402, %add3A, %dma_start3A_403, %dma_start3A_404] : memref<200x8x32x8x128xf32, #tpu.memory_space<hbm>> -> memref<1x8x1x8x128xf32, #tpu.memory_space<hbm>>
    %dma_start3A_406 = tpu.memref_squeeze %dma_start3A_405 : memref<1x8x1x8x128xf32, #tpu.memory_space<hbm>> -> memref<8x8x128xf32, #tpu.memory_space<hbm>>
    %dma_start3A_407 = tpu.memref_slice %arg11[%dma_start3A_397] : memref<2x!tpu.dma_semaphore, #tpu.memory_space<semaphore_mem>> -> memref<1x!tpu.dma_semaphore, #tpu.memory_space<semaphore_mem>>
    %dma_start3A_408 = tpu.memref_squeeze %dma_start3A_407 : memref<1x!tpu.dma_semaphore, #tpu.memory_space<semaphore_mem>> -> memref<!tpu.dma_semaphore, #tpu.memory_space<semaphore_mem>>
    %dma_start3A_409 = arith.constant 0 : i32
    %dma_start3A_410 = arith.constant 0 : i32
    %dma_start3A_411 = arith.constant 0 : i32
    %dma_start3A_412 = tpu.memref_slice %arg4[%dma_start3A_396, %dma_start3A_409, %add3A, %dma_start3A_410, %dma_start3A_411] : memref<200x8x32x8x128xf32, #tpu.memory_space<hbm>> -> memref<1x8x1x8x128xf32, #tpu.memory_space<hbm>>
    %dma_start3A_413 = tpu.memref_squeeze %dma_start3A_412 : memref<1x8x1x8x128xf32, #tpu.memory_space<hbm>> -> memref<8x8x128xf32, #tpu.memory_space<hbm>>
    %dma_start3A_414 = arith.constant 0 : i32
    %dma_start3A_415 = arith.constant 0 : i32
    %dma_start3A_416 = arith.constant 0 : i32
    %dma_start3A_417 = tpu.memref_slice %arg8[%dma_start3A_414, %dma_start3A_415, %dma_start3A_416] : memref<8x8x129xf32, #tpu.memory_space<vmem>> -> memref<8x8x128xf32, #tpu.memory_space<vmem>>
    tpu.enqueue_dma source(%dma_start3A_417 : memref<8x8x128xf32, #tpu.memory_space<vmem>>) target(%dma_start3A_413 : memref<8x8x128xf32, #tpu.memory_space<hbm>>) target_semaphore(%dma_start3A_408 : memref<!tpu.dma_semaphore, #tpu.memory_space<semaphore_mem>>)
    %dma_wait3A_418 = arith.constant 24 : i32
    %dma_wait3A_419 = arith.constant 7 : i32
    %dma_wait3A_420 = arith.constant 1 : i32
    %dma_wait3A_421 = arith.constant 0 : i32
    %dma_wait3A_422 = tpu.memref_slice %arg5[%dma_wait3A_418, %dma_wait3A_419, %dma_wait3A_421] : memref<25x8x128xi32, #tpu.memory_space<vmem>> -> memref<1x1x128xi32, #tpu.memory_space<vmem>>
    %dma_wait3A_423 = tpu.memref_squeeze %dma_wait3A_422 : memref<1x1x128xi32, #tpu.memory_space<vmem>> -> memref<128xi32, #tpu.memory_space<vmem>>
    %dma_wait3A_424 = arith.constant 0 : i32
    %dma_wait3A_425 = arith.constant 0 : i32
    %dma_wait3A_426 = tpu.memref_slice %arg2[%dma_wait3A_424, %dma_wait3A_425] : memref<1000000x128xf32, #tpu.memory_space<hbm>> -> memref<1000000x128xf32, #tpu.memory_space<hbm>>
    %dma_wait3A_427 = tpu.memref_slice %arg10[%dma_wait3A_420] : memref<2x!tpu.dma_semaphore, #tpu.memory_space<semaphore_mem>> -> memref<1x!tpu.dma_semaphore, #tpu.memory_space<semaphore_mem>>
    %dma_wait3A_428 = tpu.memref_squeeze %dma_wait3A_427 : memref<1x!tpu.dma_semaphore, #tpu.memory_space<semaphore_mem>> -> memref<!tpu.dma_semaphore, #tpu.memory_space<semaphore_mem>>
    tpu.wait_indirect_dma semaphore(%dma_wait3A_428 : memref<!tpu.dma_semaphore, #tpu.memory_space<semaphore_mem>>) src(%dma_wait3A_426 : memref<1000000x128xf32, #tpu.memory_space<hbm>>) dst(%arg7 : memref<128x128xf32, #tpu.memory_space<vmem>>)
    %dma_wait3A_429 = arith.constant 197 : i32
    %dma_wait3A_430 = arith.constant 1 : i32
    %dma_wait3A_431 = arith.constant 0 : i32
    %dma_wait3A_432 = arith.constant 0 : i32
    %dma_wait3A_433 = arith.constant 0 : i32
    %dma_wait3A_434 = tpu.memref_slice %arg9[%dma_wait3A_431, %dma_wait3A_432, %dma_wait3A_433] : memref<8x8x129xf32, #tpu.memory_space<vmem>> -> memref<8x8x128xf32, #tpu.memory_space<vmem>>
    %dma_wait3A_435 = arith.constant 0 : i32
    %dma_wait3A_436 = arith.constant 0 : i32
    %dma_wait3A_437 = arith.constant 0 : i32
    %dma_wait3A_438 = tpu.memref_slice %arg4[%dma_wait3A_429, %dma_wait3A_435, %add3A, %dma_wait3A_436, %dma_wait3A_437] : memref<200x8x32x8x128xf32, #tpu.memory_space<hbm>> -> memref<1x8x1x8x128xf32, #tpu.memory_space<hbm>>
    %dma_wait3A_439 = tpu.memref_squeeze %dma_wait3A_438 : memref<1x8x1x8x128xf32, #tpu.memory_space<hbm>> -> memref<8x8x128xf32, #tpu.memory_space<hbm>>
    %dma_wait3A_440 = tpu.memref_slice %arg11[%dma_wait3A_430] : memref<2x!tpu.dma_semaphore, #tpu.memory_space<semaphore_mem>> -> memref<1x!tpu.dma_semaphore, #tpu.memory_space<semaphore_mem>>
    %dma_wait3A_441 = tpu.memref_squeeze %dma_wait3A_440 : memref<1x!tpu.dma_semaphore, #tpu.memory_space<semaphore_mem>> -> memref<!tpu.dma_semaphore, #tpu.memory_space<semaphore_mem>>
    %dma_wait3A_442 = arith.constant 0 : i32
    %dma_wait3A_443 = arith.constant 0 : i32
    %dma_wait3A_444 = arith.constant 0 : i32
    %dma_wait3A_445 = tpu.memref_slice %arg4[%dma_wait3A_429, %dma_wait3A_442, %add3A, %dma_wait3A_443, %dma_wait3A_444] : memref<200x8x32x8x128xf32, #tpu.memory_space<hbm>> -> memref<1x8x1x8x128xf32, #tpu.memory_space<hbm>>
    %dma_wait3A_446 = tpu.memref_squeeze %dma_wait3A_445 : memref<1x8x1x8x128xf32, #tpu.memory_space<hbm>> -> memref<8x8x128xf32, #tpu.memory_space<hbm>>
    %dma_wait3A_447 = arith.constant 0 : i32
    %dma_wait3A_448 = arith.constant 0 : i32
    %dma_wait3A_449 = arith.constant 0 : i32
    %dma_wait3A_450 = tpu.memref_slice %arg9[%dma_wait3A_447, %dma_wait3A_448, %dma_wait3A_449] : memref<8x8x129xf32, #tpu.memory_space<vmem>> -> memref<8x8x128xf32, #tpu.memory_space<vmem>>
    tpu.wait_dma2 semaphore(%dma_wait3A_441 : memref<!tpu.dma_semaphore, #tpu.memory_space<semaphore_mem>>) src(%dma_wait3A_450 : memref<8x8x128xf32, #tpu.memory_space<vmem>>) dst(%dma_wait3A_446 : memref<8x8x128xf32, #tpu.memory_space<hbm>>)
    %broadcast_in_dim3A_451 = arith.constant 0 : i32
    %broadcast_in_dim3A_452 = vector.broadcast %broadcast_in_dim3A_451 : i32 to vector<16xi32>
    %scan3A_453 = arith.constant 0 : i32
    %scan3A_454 = arith.constant 32 : i32
    %scan3A_455 = arith.addi %scan3A_453, %scan3A_454 : i32
    %scan3A_456 = arith.constant 1 : i32
    %scan3A_457 = scf.for %scan3A_525 = %scan3A_453 to %scan3A_455 step %scan3A_456 iter_args(%scan3A_526 = %broadcast_in_dim3A_452) -> (vector<16xi32>)  : i32 {
      %mul3A_527 = arith.constant 4 : i32
      %mul3A_528 = arith.muli %scan3A_525, %mul3A_527 : i32
      %add3A_529 = arith.constant 0 : i32
      %add3A_530 = vector.broadcast %add3A_529 : i32 to vector<16xi32>
      %add3A_531 = arith.addi %scan3A_526, %add3A_530 : vector<16xi32>
      %add3A_532 = arith.constant 1 : i32
      %add3A_533 = vector.broadcast %add3A_532 : i32 to vector<16xi32>
      %add3A_534 = arith.addi %scan3A_526, %add3A_533 : vector<16xi32>
      %add3A_535 = arith.constant 2 : i32
      %add3A_536 = vector.broadcast %add3A_535 : i32 to vector<16xi32>
      %add3A_537 = arith.addi %scan3A_526, %add3A_536 : vector<16xi32>
      %add3A_538 = arith.constant 3 : i32
      %add3A_539 = vector.broadcast %add3A_538 : i32 to vector<16xi32>
      %add3A_540 = arith.addi %scan3A_526, %add3A_539 : vector<16xi32>
      %add3A_541 = arith.constant 0 : i32
      %add3A_542 = arith.addi %mul3A_528, %add3A_541 : i32
      %get3A = arith.index_cast %add3A_542 : i32 to index
      %get3A_543 = arith.constant 0 : index
      %get3A_544 = tpu.vector_load %arg7[%get3A, %get3A_543] {strides = array<i32>} : memref<128x128xf32, #tpu.memory_space<vmem>>, vector<16xf32>,
      %add3A_545 = arith.constant 0 : i32
      %add3A_546 = arith.addi %mul3A_528, %add3A_545 : i32
      %get3A_547 = arith.index_cast %add3A_546 : i32 to index
      %get3A_548 = arith.constant 16 : index
      %get3A_549 = tpu.vector_load %arg7[%get3A_547, %get3A_548] {strides = array<i32>} : memref<128x128xf32, #tpu.memory_space<vmem>>, vector<16xf32>,
      %add3A_550 = arith.constant 0 : i32
      %add3A_551 = arith.addi %mul3A_528, %add3A_550 : i32
      %get3A_552 = arith.index_cast %add3A_551 : i32 to index
      %get3A_553 = arith.constant 32 : index
      %get3A_554 = tpu.vector_load %arg7[%get3A_552, %get3A_553] {strides = array<i32>} : memref<128x128xf32, #tpu.memory_space<vmem>>, vector<16xf32>,
      %add3A_555 = arith.constant 0 : i32
      %add3A_556 = arith.addi %mul3A_528, %add3A_555 : i32
      %get3A_557 = arith.index_cast %add3A_556 : i32 to index
      %get3A_558 = arith.constant 48 : index
      %get3A_559 = tpu.vector_load %arg7[%get3A_557, %get3A_558] {strides = array<i32>} : memref<128x128xf32, #tpu.memory_space<vmem>>, vector<16xf32>,
      %add3A_560 = arith.constant 1 : i32
      %add3A_561 = arith.addi %mul3A_528, %add3A_560 : i32
      %get3A_562 = arith.index_cast %add3A_561 : i32 to index
      %get3A_563 = arith.constant 0 : index
      %get3A_564 = tpu.vector_load %arg7[%get3A_562, %get3A_563] {strides = array<i32>} : memref<128x128xf32, #tpu.memory_space<vmem>>, vector<16xf32>,
      %add3A_565 = arith.constant 1 : i32
      %add3A_566 = arith.addi %mul3A_528, %add3A_565 : i32
      %get3A_567 = arith.index_cast %add3A_566 : i32 to index
      %get3A_568 = arith.constant 16 : index
      %get3A_569 = tpu.vector_load %arg7[%get3A_567, %get3A_568] {strides = array<i32>} : memref<128x128xf32, #tpu.memory_space<vmem>>, vector<16xf32>,
      %add3A_570 = arith.constant 1 : i32
      %add3A_571 = arith.addi %mul3A_528, %add3A_570 : i32
      %get3A_572 = arith.index_cast %add3A_571 : i32 to index
      %get3A_573 = arith.constant 32 : index
      %get3A_574 = tpu.vector_load %arg7[%get3A_572, %get3A_573] {strides = array<i32>} : memref<128x128xf32, #tpu.memory_space<vmem>>, vector<16xf32>,
      %add3A_575 = arith.constant 1 : i32
      %add3A_576 = arith.addi %mul3A_528, %add3A_575 : i32
      %get3A_577 = arith.index_cast %add3A_576 : i32 to index
      %get3A_578 = arith.constant 48 : index
      %get3A_579 = tpu.vector_load %arg7[%get3A_577, %get3A_578] {strides = array<i32>} : memref<128x128xf32, #tpu.memory_space<vmem>>, vector<16xf32>,
      %add3A_580 = arith.constant 2 : i32
      %add3A_581 = arith.addi %mul3A_528, %add3A_580 : i32
      %get3A_582 = arith.index_cast %add3A_581 : i32 to index
      %get3A_583 = arith.constant 0 : index
      %get3A_584 = tpu.vector_load %arg7[%get3A_582, %get3A_583] {strides = array<i32>} : memref<128x128xf32, #tpu.memory_space<vmem>>, vector<16xf32>,
      %add3A_585 = arith.constant 2 : i32
      %add3A_586 = arith.addi %mul3A_528, %add3A_585 : i32
      %get3A_587 = arith.index_cast %add3A_586 : i32 to index
      %get3A_588 = arith.constant 16 : index
      %get3A_589 = tpu.vector_load %arg7[%get3A_587, %get3A_588] {strides = array<i32>} : memref<128x128xf32, #tpu.memory_space<vmem>>, vector<16xf32>,
      %add3A_590 = arith.constant 2 : i32
      %add3A_591 = arith.addi %mul3A_528, %add3A_590 : i32
      %get3A_592 = arith.index_cast %add3A_591 : i32 to index
      %get3A_593 = arith.constant 32 : index
      %get3A_594 = tpu.vector_load %arg7[%get3A_592, %get3A_593] {strides = array<i32>} : memref<128x128xf32, #tpu.memory_space<vmem>>, vector<16xf32>,
      %add3A_595 = arith.constant 2 : i32
      %add3A_596 = arith.addi %mul3A_528, %add3A_595 : i32
      %get3A_597 = arith.index_cast %add3A_596 : i32 to index
      %get3A_598 = arith.constant 48 : index
      %get3A_599 = tpu.vector_load %arg7[%get3A_597, %get3A_598] {strides = array<i32>} : memref<128x128xf32, #tpu.memory_space<vmem>>, vector<16xf32>,
      %add3A_600 = arith.constant 3 : i32
      %add3A_601 = arith.addi %mul3A_528, %add3A_600 : i32
      %get3A_602 = arith.index_cast %add3A_601 : i32 to index
      %get3A_603 = arith.constant 0 : index
      %get3A_604 = tpu.vector_load %arg7[%get3A_602, %get3A_603] {strides = array<i32>} : memref<128x128xf32, #tpu.memory_space<vmem>>, vector<16xf32>,
      %add3A_605 = arith.constant 3 : i32
      %add3A_606 = arith.addi %mul3A_528, %add3A_605 : i32
      %get3A_607 = arith.index_cast %add3A_606 : i32 to index
      %get3A_608 = arith.constant 16 : index
      %get3A_609 = tpu.vector_load %arg7[%get3A_607, %get3A_608] {strides = array<i32>} : memref<128x128xf32, #tpu.memory_space<vmem>>, vector<16xf32>,
      %add3A_610 = arith.constant 3 : i32
      %add3A_611 = arith.addi %mul3A_528, %add3A_610 : i32
      %get3A_612 = arith.index_cast %add3A_611 : i32 to index
      %get3A_613 = arith.constant 32 : index
      %get3A_614 = tpu.vector_load %arg7[%get3A_612, %get3A_613] {strides = array<i32>} : memref<128x128xf32, #tpu.memory_space<vmem>>, vector<16xf32>,
      %add3A_615 = arith.constant 3 : i32
      %add3A_616 = arith.addi %mul3A_528, %add3A_615 : i32
      %get3A_617 = arith.index_cast %add3A_616 : i32 to index
      %get3A_618 = arith.constant 48 : index
      %get3A_619 = tpu.vector_load %arg7[%get3A_617, %get3A_618] {strides = array<i32>} : memref<128x128xf32, #tpu.memory_space<vmem>>, vector<16xf32>,
      tpu.vector_store_idx %arg9[%select_n3A, %select_n3A_49, %add3A_531], %get3A_544 : memref<8x8x129xf32, #tpu.memory_space<vmem>>[vector<16xi32>, vector<16xi32>, vector<16xi32>], vector<16xf32>,
      tpu.vector_store_idx %arg9[%select_n3A_83, %select_n3A_108, %add3A_531], %get3A_549 : memref<8x8x129xf32, #tpu.memory_space<vmem>>[vector<16xi32>, vector<16xi32>, vector<16xi32>], vector<16xf32>,
      tpu.vector_store_idx %arg9[%select_n3A_142, %select_n3A_167, %add3A_531], %get3A_554 : memref<8x8x129xf32, #tpu.memory_space<vmem>>[vector<16xi32>, vector<16xi32>, vector<16xi32>], vector<16xf32>,
      tpu.vector_store_idx %arg9[%select_n3A_201, %select_n3A_226, %add3A_531], %get3A_559 : memref<8x8x129xf32, #tpu.memory_space<vmem>>[vector<16xi32>, vector<16xi32>, vector<16xi32>], vector<16xf32>,
      tpu.vector_store_idx %arg9[%select_n3A, %select_n3A_49, %add3A_534], %get3A_564 : memref<8x8x129xf32, #tpu.memory_space<vmem>>[vector<16xi32>, vector<16xi32>, vector<16xi32>], vector<16xf32>,
      tpu.vector_store_idx %arg9[%select_n3A_83, %select_n3A_108, %add3A_534], %get3A_569 : memref<8x8x129xf32, #tpu.memory_space<vmem>>[vector<16xi32>, vector<16xi32>, vector<16xi32>], vector<16xf32>,
      tpu.vector_store_idx %arg9[%select_n3A_142, %select_n3A_167, %add3A_534], %get3A_574 : memref<8x8x129xf32, #tpu.memory_space<vmem>>[vector<16xi32>, vector<16xi32>, vector<16xi32>], vector<16xf32>,
      tpu.vector_store_idx %arg9[%select_n3A_201, %select_n3A_226, %add3A_534], %get3A_579 : memref<8x8x129xf32, #tpu.memory_space<vmem>>[vector<16xi32>, vector<16xi32>, vector<16xi32>], vector<16xf32>,
      tpu.vector_store_idx %arg9[%select_n3A, %select_n3A_49, %add3A_537], %get3A_584 : memref<8x8x129xf32, #tpu.memory_space<vmem>>[vector<16xi32>, vector<16xi32>, vector<16xi32>], vector<16xf32>,
      tpu.vector_store_idx %arg9[%select_n3A_83, %select_n3A_108, %add3A_537], %get3A_589 : memref<8x8x129xf32, #tpu.memory_space<vmem>>[vector<16xi32>, vector<16xi32>, vector<16xi32>], vector<16xf32>,
      tpu.vector_store_idx %arg9[%select_n3A_142, %select_n3A_167, %add3A_537], %get3A_594 : memref<8x8x129xf32, #tpu.memory_space<vmem>>[vector<16xi32>, vector<16xi32>, vector<16xi32>], vector<16xf32>,
      tpu.vector_store_idx %arg9[%select_n3A_201, %select_n3A_226, %add3A_537], %get3A_599 : memref<8x8x129xf32, #tpu.memory_space<vmem>>[vector<16xi32>, vector<16xi32>, vector<16xi32>], vector<16xf32>,
      tpu.vector_store_idx %arg9[%select_n3A, %select_n3A_49, %add3A_540], %get3A_604 : memref<8x8x129xf32, #tpu.memory_space<vmem>>[vector<16xi32>, vector<16xi32>, vector<16xi32>], vector<16xf32>,
      tpu.vector_store_idx %arg9[%select_n3A_83, %select_n3A_108, %add3A_540], %get3A_609 : memref<8x8x129xf32, #tpu.memory_space<vmem>>[vector<16xi32>, vector<16xi32>, vector<16xi32>], vector<16xf32>,
      tpu.vector_store_idx %arg9[%select_n3A_142, %select_n3A_167, %add3A_540], %get3A_614 : memref<8x8x129xf32, #tpu.memory_space<vmem>>[vector<16xi32>, vector<16xi32>, vector<16xi32>], vector<16xf32>,
      tpu.vector_store_idx %arg9[%select_n3A_201, %select_n3A_226, %add3A_540], %get3A_619 : memref<8x8x129xf32, #tpu.memory_space<vmem>>[vector<16xi32>, vector<16xi32>, vector<16xi32>], vector<16xf32>,
      %add3A_620 = arith.constant 4 : i32
      %add3A_621 = vector.broadcast %add3A_620 : i32 to vector<16xi32>
      %add3A_622 = arith.addi %scan3A_526, %add3A_621 : vector<16xi32>
      scf.yield %add3A_622 : vector<16xi32>
    }
    %scan3A_458 = arith.constant 32 : i32
    %dma_start3A_459 = arith.constant 199 : i32
    %dma_start3A_460 = arith.constant 1 : i32
    %dma_start3A_461 = arith.constant 0 : i32
    %dma_start3A_462 = arith.constant 0 : i32
    %dma_start3A_463 = arith.constant 0 : i32
    %dma_start3A_464 = tpu.memref_slice %arg9[%dma_start3A_461, %dma_start3A_462, %dma_start3A_463] : memref<8x8x129xf32, #tpu.memory_space<vmem>> -> memref<8x8x128xf32, #tpu.memory_space<vmem>>
    %dma_start3A_465 = arith.constant 0 : i32
    %dma_start3A_466 = arith.constant 0 : i32
    %dma_start3A_467 = arith.constant 0 : i32
    %dma_start3A_468 = tpu.memref_slice %arg4[%dma_start3A_459, %dma_start3A_465, %add3A, %dma_start3A_466, %dma_start3A_467] : memref<200x8x32x8x128xf32, #tpu.memory_space<hbm>> -> memref<1x8x1x8x128xf32, #tpu.memory_space<hbm>>
    %dma_start3A_469 = tpu.memref_squeeze %dma_start3A_468 : memref<1x8x1x8x128xf32, #tpu.memory_space<hbm>> -> memref<8x8x128xf32, #tpu.memory_space<hbm>>
    %dma_start3A_470 = tpu.memref_slice %arg11[%dma_start3A_460] : memref<2x!tpu.dma_semaphore, #tpu.memory_space<semaphore_mem>> -> memref<1x!tpu.dma_semaphore, #tpu.memory_space<semaphore_mem>>
    %dma_start3A_471 = tpu.memref_squeeze %dma_start3A_470 : memref<1x!tpu.dma_semaphore, #tpu.memory_space<semaphore_mem>> -> memref<!tpu.dma_semaphore, #tpu.memory_space<semaphore_mem>>
    %dma_start3A_472 = arith.constant 0 : i32
    %dma_start3A_473 = arith.constant 0 : i32
    %dma_start3A_474 = arith.constant 0 : i32
    %dma_start3A_475 = tpu.memref_slice %arg4[%dma_start3A_459, %dma_start3A_472, %add3A, %dma_start3A_473, %dma_start3A_474] : memref<200x8x32x8x128xf32, #tpu.memory_space<hbm>> -> memref<1x8x1x8x128xf32, #tpu.memory_space<hbm>>
    %dma_start3A_476 = tpu.memref_squeeze %dma_start3A_475 : memref<1x8x1x8x128xf32, #tpu.memory_space<hbm>> -> memref<8x8x128xf32, #tpu.memory_space<hbm>>
    %dma_start3A_477 = arith.constant 0 : i32
    %dma_start3A_478 = arith.constant 0 : i32
    %dma_start3A_479 = arith.constant 0 : i32
    %dma_start3A_480 = tpu.memref_slice %arg9[%dma_start3A_477, %dma_start3A_478, %dma_start3A_479] : memref<8x8x129xf32, #tpu.memory_space<vmem>> -> memref<8x8x128xf32, #tpu.memory_space<vmem>>
    tpu.enqueue_dma source(%dma_start3A_480 : memref<8x8x128xf32, #tpu.memory_space<vmem>>) target(%dma_start3A_476 : memref<8x8x128xf32, #tpu.memory_space<hbm>>) target_semaphore(%dma_start3A_471 : memref<!tpu.dma_semaphore, #tpu.memory_space<semaphore_mem>>)
    %dma_wait3A_481 = arith.constant 198 : i32
    %dma_wait3A_482 = arith.constant 0 : i32
    %dma_wait3A_483 = arith.constant 0 : i32
    %dma_wait3A_484 = arith.constant 0 : i32
    %dma_wait3A_485 = arith.constant 0 : i32
    %dma_wait3A_486 = tpu.memref_slice %arg8[%dma_wait3A_483, %dma_wait3A_484, %dma_wait3A_485] : memref<8x8x129xf32, #tpu.memory_space<vmem>> -> memref<8x8x128xf32, #tpu.memory_space<vmem>>
    %dma_wait3A_487 = arith.constant 0 : i32
    %dma_wait3A_488 = arith.constant 0 : i32
    %dma_wait3A_489 = arith.constant 0 : i32
    %dma_wait3A_490 = tpu.memref_slice %arg4[%dma_wait3A_481, %dma_wait3A_487, %add3A, %dma_wait3A_488, %dma_wait3A_489] : memref<200x8x32x8x128xf32, #tpu.memory_space<hbm>> -> memref<1x8x1x8x128xf32, #tpu.memory_space<hbm>>
    %dma_wait3A_491 = tpu.memref_squeeze %dma_wait3A_490 : memref<1x8x1x8x128xf32, #tpu.memory_space<hbm>> -> memref<8x8x128xf32, #tpu.memory_space<hbm>>
    %dma_wait3A_492 = tpu.memref_slice %arg11[%dma_wait3A_482] : memref<2x!tpu.dma_semaphore, #tpu.memory_space<semaphore_mem>> -> memref<1x!tpu.dma_semaphore, #tpu.memory_space<semaphore_mem>>
    %dma_wait3A_493 = tpu.memref_squeeze %dma_wait3A_492 : memref<1x!tpu.dma_semaphore, #tpu.memory_space<semaphore_mem>> -> memref<!tpu.dma_semaphore, #tpu.memory_space<semaphore_mem>>
    %dma_wait3A_494 = arith.constant 0 : i32
    %dma_wait3A_495 = arith.constant 0 : i32
    %dma_wait3A_496 = arith.constant 0 : i32
    %dma_wait3A_497 = tpu.memref_slice %arg4[%dma_wait3A_481, %dma_wait3A_494, %add3A, %dma_wait3A_495, %dma_wait3A_496] : memref<200x8x32x8x128xf32, #tpu.memory_space<hbm>> -> memref<1x8x1x8x128xf32, #tpu.memory_space<hbm>>
    %dma_wait3A_498 = tpu.memref_squeeze %dma_wait3A_497 : memref<1x8x1x8x128xf32, #tpu.memory_space<hbm>> -> memref<8x8x128xf32, #tpu.memory_space<hbm>>
    %dma_wait3A_499 = arith.constant 0 : i32
    %dma_wait3A_500 = arith.constant 0 : i32
    %dma_wait3A_501 = arith.constant 0 : i32
    %dma_wait3A_502 = tpu.memref_slice %arg8[%dma_wait3A_499, %dma_wait3A_500, %dma_wait3A_501] : memref<8x8x129xf32, #tpu.memory_space<vmem>> -> memref<8x8x128xf32, #tpu.memory_space<vmem>>
    tpu.wait_dma2 semaphore(%dma_wait3A_493 : memref<!tpu.dma_semaphore, #tpu.memory_space<semaphore_mem>>) src(%dma_wait3A_502 : memref<8x8x128xf32, #tpu.memory_space<vmem>>) dst(%dma_wait3A_498 : memref<8x8x128xf32, #tpu.memory_space<hbm>>)
    %dma_wait3A_503 = arith.constant 199 : i32
    %dma_wait3A_504 = arith.constant 1 : i32
    %dma_wait3A_505 = arith.constant 0 : i32
    %dma_wait3A_506 = arith.constant 0 : i32
    %dma_wait3A_507 = arith.constant 0 : i32
    %dma_wait3A_508 = tpu.memref_slice %arg9[%dma_wait3A_505, %dma_wait3A_506, %dma_wait3A_507] : memref<8x8x129xf32, #tpu.memory_space<vmem>> -> memref<8x8x128xf32, #tpu.memory_space<vmem>>
    %dma_wait3A_509 = arith.constant 0 : i32
    %dma_wait3A_510 = arith.constant 0 : i32
    %dma_wait3A_511 = arith.constant 0 : i32
    %dma_wait3A_512 = tpu.memref_slice %arg4[%dma_wait3A_503, %dma_wait3A_509, %add3A, %dma_wait3A_510, %dma_wait3A_511] : memref<200x8x32x8x128xf32, #tpu.memory_space<hbm>> -> memref<1x8x1x8x128xf32, #tpu.memory_space<hbm>>
    %dma_wait3A_513 = tpu.memref_squeeze %dma_wait3A_512 : memref<1x8x1x8x128xf32, #tpu.memory_space<hbm>> -> memref<8x8x128xf32, #tpu.memory_space<hbm>>
    %dma_wait3A_514 = tpu.memref_slice %arg11[%dma_wait3A_504] : memref<2x!tpu.dma_semaphore, #tpu.memory_space<semaphore_mem>> -> memref<1x!tpu.dma_semaphore, #tpu.memory_space<semaphore_mem>>
    %dma_wait3A_515 = tpu.memref_squeeze %dma_wait3A_514 : memref<1x!tpu.dma_semaphore, #tpu.memory_space<semaphore_mem>> -> memref<!tpu.dma_semaphore, #tpu.memory_space<semaphore_mem>>
    %dma_wait3A_516 = arith.constant 0 : i32
    %dma_wait3A_517 = arith.constant 0 : i32
    %dma_wait3A_518 = arith.constant 0 : i32
    %dma_wait3A_519 = tpu.memref_slice %arg4[%dma_wait3A_503, %dma_wait3A_516, %add3A, %dma_wait3A_517, %dma_wait3A_518] : memref<200x8x32x8x128xf32, #tpu.memory_space<hbm>> -> memref<1x8x1x8x128xf32, #tpu.memory_space<hbm>>
    %dma_wait3A_520 = tpu.memref_squeeze %dma_wait3A_519 : memref<1x8x1x8x128xf32, #tpu.memory_space<hbm>> -> memref<8x8x128xf32, #tpu.memory_space<hbm>>
    %dma_wait3A_521 = arith.constant 0 : i32
    %dma_wait3A_522 = arith.constant 0 : i32
    %dma_wait3A_523 = arith.constant 0 : i32
    %dma_wait3A_524 = tpu.memref_slice %arg9[%dma_wait3A_521, %dma_wait3A_522, %dma_wait3A_523] : memref<8x8x129xf32, #tpu.memory_space<vmem>> -> memref<8x8x128xf32, #tpu.memory_space<vmem>>
    tpu.wait_dma2 semaphore(%dma_wait3A_515 : memref<!tpu.dma_semaphore, #tpu.memory_space<semaphore_mem>>) src(%dma_wait3A_524 : memref<8x8x128xf32, #tpu.memory_space<vmem>>) dst(%dma_wait3A_520 : memref<8x8x128xf32, #tpu.memory_space<hbm>>)
    return
  }
}

</mosaic_0001>

<sc_bundles>
// kernel: kernel.3.cloned.1.call-start
scs
__scs_entry_jumppad:
0x0: {  	(pc) =	sbr.rel $0x88, $3  }
0x1: {  	(tag) =	ssettag $0x0;
	lr =	simm.s32 $0x1  }
0x2: {  	[smem:$0x3F9F] =	sst lr;
	_ =	strace $0xD0000000  }
0x3: {  	_ = 	snop  }
0x4: {  	_ = 	snop  }
0x5: {  	_ = 	snop  }
0x6: {  	_ = 	snop  }
0x7: {  	_ = 	snop  }
__scs_overlays_trampoline_lowered:
0x8: {  	[smem:$0x3FAE] =	sst s0  }
0x9: {  	[smem:$0x3FAF] =	sst s1  }
0xa: {  	[smem:$0x3FB0] =	sst s2  }
0xb: {  	[smem:$0x3FB1] =	sst s3  }
0xc: {  	[smem:$0x3FB2] =	sst s4  }
0xd: {  	[smem:$0x3FB3] =	sst s5  }
0xe: {  	[smem:$0x3FB4] =	sst s6  }
0xf: {  	[smem:$0x3FB5] =	sst s7  }
0x10: {  	[smem:$0x3FB6] =	sst s8  }
0x11: {  	[smem:$0x3FB7] =	sst s9;
	s0 =	simm.s32 @!p0 $0x0  }
0x12: {  	s1 =	sld [smem:$0x3F9D];
	s0 =	simm.s32 @p0 $0x1  }
0x13: {  	[smem:$0x3FB8] =	sst s0;
	s0 =	simm.s32 @!p1 $0x0  }
0x14: {  	s2 =	sld [smem:$0x3F9C];
	s0 =	simm.s32 @p1 $0x1  }
0x15: {  	[smem:$0x3FB9] =	sst s0;
	s0 =	simm.s32 @!p2 $0x0  }
0x16: {  	s3 =	sld [smem:$0x3FDB];
	s0 =	simm.s32 @p2 $0x1  }
0x17: {  	s4 =	simm.s32 $0x1BF5;
	[smem:$0x3FBB] =	sst s0  }
0x18: {  	s0 =	sld [smem:$0x3F9E];
	_ =	swait.ge [sflag:s4], $0x0  }
0x19: {  	s7 =	sld [smem:$0x3F9F]  }
0x1a: {  	s8 =	sadd.s32 $0xFFFFE003, lr  }
0x1b: {  	s9 =	sadd.s32 $0xFFFFFEF7, lr;
	s5 =	simm.s32 $0xFFFFFFFF;
	p2 =	slt.u32 s8, $0xFFFFF086  }
0x1c: {  	p1 =	slt.u32 s9, $0xF7A;
	s5 =	simm.s32 @!p2 $0x0  }
0x1d: {  	s5 =	simm.s32 @p1 $0x1;
	p0 =	seq.s32 s7, s2  }
0x1e: {  	s7 =	smul.u32 @!p0 $0xF7A, s2;
	p2 =	seq.s32 @!p0 s5, $0x0  }
0x1f: {  	s9 =	smul.u32 $0xF7A, s1;
	s8 =	simm.s32 @!p0 $0x1BF5;
	p2 =	por !p2, p0  }
0x20: {  	[sflag:s8] =	ssyncset.s32 @!p0 $0xFFFFF086;
	s6 =	sadd.s32 @!p0 s3, s7;
	s7 =	simm.s32 @!p0 $0x108  }
0x21: {  	s3 =	sadd.s32 s3, s9;
	s6 =	sadd.s32 @!p0 $0x88, s6;
	s7 =	simm.s32 @p2 $0x1082  }
0x22: {  	[simem:s7], [sflag:s8] =	dma.local @!p0 [hbm:s6], $0xF7A  }
0x23: {  	s9 =	sor.u32 $0xD0000000, s2;
	s6 =	simm.s32 $0x108;
	_ =	swait.ge @!p0 [sflag:s8], $0x0  }
0x24: {  	s3 =	sadd.s32 $0x88, s3;
	s6 =	simm.s32 @!p1 $0x1082;
	[sflag:s4] =	ssyncset.s32 $0xFFFFF086  }
0x25: {  	[simem:s6], [sflag:s4] =	dma.local [hbm:s3], $0xF7A  }
0x26: {  	[smem:$0x3F9F] =	sst s1;
	(tag) =	ssettag s2;
	_ =	strace s9  }
0x27: {  	s1 =	sld [smem:$0x3FAF]  }
0x28: {  	s2 =	sld [smem:$0x3FB0]  }
0x29: {  	s4 =	sld [smem:$0x3FB2]  }
0x2a: {  	p0 =	seq.s32 s5, $0x0;
	s5 =	sld [smem:$0x3FB3]  }
0x2b: {  	s6 =	sld [smem:$0x3FB4]  }
0x2c: {  	s7 =	sld [smem:$0x3FB5]  }
0x2d: {  	s3 =	simm.s32 $0x108;
	s8 =	sld [smem:$0x3FB6]  }
0x2e: {  	s3 =	simm.s32 @!p0 $0x1082;
	s9 =	sld [smem:$0x3FB7]  }
0x2f: {  	lr =	sadd.s32 s0, s3;
	s0 =	sld [smem:$0x3FAE]  }
0x30: {  	s3 =	sld [smem:$0x3FB1]  }
0x31: {  	[smem:$0x3FBA] =	sst s10  }
0x32: {  	s10 =	sld [smem:$0x3FB8];
	_ =	sdelay $0x3  }
0x33: {  	p0 =	seq.s32 s10, $0x1;
	s10 =	sld [smem:$0x3FBA];
	_ =	sdelay $0x3  }
0x34: {  	[smem:$0x3FBA] =	sst s10  }
0x35: {  	s10 =	sld [smem:$0x3FB9];
	_ =	sdelay $0x3  }
0x36: {  	p1 =	seq.s32 s10, $0x1;
	s10 =	sld [smem:$0x3FBA];
	_ =	sdelay $0x3  }
0x37: {  	[smem:$0x3FBA] =	sst s10  }
0x38: {  	s10 =	sld [smem:$0x3FBB]  }
0x39: {  	_ = 	snop;
	(pc) =	sbr.ind lr, $3  }
0x3a: {  	_ = 	snop  }
0x3b: {  	_ = 	snop  }
0x3c: {  	p2 =	seq.s32 s10, $0x1;
	s10 =	sld [smem:$0x3FBA]  }
0x3d: {  	_ =	shalt  }
0x3e: {  	_ =	shalt  }
0x3f: {  	_ =	shalt  }
0x40: {  	_ =	shalt  }
0x41: {  	_ =	shalt  }
0x42: {  	_ =	shalt  }
0x43: {  	_ =	shalt  }
0x44: {  	_ =	shalt  }
0x45: {  	_ =	shalt  }
0x46: {  	_ =	shalt  }
0x47: {  	_ =	shalt  }
0x48: {  	_ =	shalt  }
0x49: {  	_ =	shalt  }
0x4a: {  	_ =	shalt  }
0x4b: {  	_ =	shalt  }
0x4c: {  	_ =	shalt  }
0x4d: {  	_ =	shalt  }
0x4e: {  	_ =	shalt  }
0x4f: {  	_ =	shalt  }
0x50: {  	_ =	shalt  }
0x51: {  	_ =	shalt  }
0x52: {  	_ =	shalt  }
0x53: {  	_ =	shalt  }
0x54: {  	_ =	shalt  }
0x55: {  	_ =	shalt  }
0x56: {  	_ =	shalt  }
0x57: {  	_ =	shalt  }
0x58: {  	_ =	shalt  }
0x59: {  	_ =	shalt  }
0x5a: {  	_ =	shalt  }
0x5b: {  	_ =	shalt  }
0x5c: {  	_ =	shalt  }
0x5d: {  	_ =	shalt  }
0x5e: {  	_ =	shalt  }
0x5f: {  	_ =	shalt  }
0x60: {  	_ =	shalt  }
0x61: {  	_ =	shalt  }
0x62: {  	_ =	shalt  }
0x63: {  	_ =	shalt  }
0x64: {  	_ =	shalt  }
0x65: {  	_ =	shalt  }
0x66: {  	_ =	shalt  }
0x67: {  	_ =	shalt  }
0x68: {  	_ =	shalt  }
0x69: {  	_ =	shalt  }
0x6a: {  	_ =	shalt  }
0x6b: {  	_ =	shalt  }
0x6c: {  	_ =	shalt  }
0x6d: {  	_ =	shalt  }
0x6e: {  	_ =	shalt  }
0x6f: {  	_ =	shalt  }
0x70: {  	_ =	shalt  }
0x71: {  	_ =	shalt  }
0x72: {  	_ =	shalt  }
0x73: {  	_ =	shalt  }
0x74: {  	_ =	shalt  }
0x75: {  	_ =	shalt  }
0x76: {  	_ =	shalt  }
0x77: {  	_ =	shalt  }
0x78: {  	_ =	shalt  }
0x79: {  	_ =	shalt  }
0x7a: {  	_ =	shalt  }
0x7b: {  	_ =	shalt  }
0x7c: {  	_ =	shalt  }
0x7d: {  	_ =	shalt  }
0x7e: {  	_ =	shalt  }
0x7f: {  	_ =	shalt  }
0x80: {  	_ =	shalt  }
0x81: {  	_ =	shalt  }
0x82: {  	_ =	shalt  }
0x83: {  	_ =	shalt  }
0x84: {  	_ =	shalt  }
0x85: {  	_ =	shalt  }
0x86: {  	_ =	shalt  }
0x87: {  	_ =	shalt  }
.Lfunc_end0:
.L_simem_size_0:
called_computation_lowered:
.L_overlay_start_0:
0x88: {  	s2 =	sld [smem:$0x3FD9]  }
0x89: {  	s3 =	sld [smem:$0x3FFE];
	_ =	sdelay $0x1  }
0x8a: {  	s1 =	srdreg.scid  }
0x8b: {  	s0 =	sand.u32 $0x1, s1  }
0x8c: {  	s17 =	sshll.u32 s0, $0xA;
	s2 =	sadd.s32 s3, s2  }
0x8d: {  	s2 =	sadd.s32 s2, s17  }
0x8e: {  	[smem:$0x3FC6] =	sst s2  }
0x8f: {  	_ = 	snop  }
0x90: {  	s2 =	sld [smem:$0x3FC9]  }
0x91: {  	s18 =	sld [smem:$0x3FD0];
	(tm) =	ssettm $0x1  }
0x92: {  	s4 =	sld [smem:$0x3FFB];
	_ =	sdelay $0x3  }
0x93: {  	_ =	strace s4  }
0x94: {  	s4 =	sld [smem:$0x3FFC];
	_ =	sdelay $0x3  }
0x95: {  	_ =	strace s4  }
0x96: {  	s4 =	sld [smem:$0x3FFD];
	_ =	sdelay $0x3  }
0x97: {  	_ =	strace s4  }
0x98: {  	_ =	strace $0x8FFFFFFF  }
0x99: {  	s19 =	sld [smem:$0x3FDB];
	_ =	sdelay $0x1  }
0x9a: {  	s5 =	simm.s32 $_scs_section_size  }
0x9b: {  	s6 =	simm.s32 $_size__tile_overlayer_lowered;
	s7 =	simm.s32 $_tile_overlayer_lowered  }
0x9c: {  	s22 =	simm.s32 $0x1BFF;
	s21 =	sshll.u32 s7, $0x1;
	s4 =	sadd.s32 s5, s19  }
0x9d: {  	s8 =	simm.s32 $0x0;
	s20 =	sshll.u32 s6, $0x1;
	s6 =	sadd.s32 s21, s4  }
0x9e: {  	[timem:s8], [sflag:s22] =	dma.local [hbm:s6], s20  }
0x9f: {  	_ =	swait.ge [sflag:s22], s20  }
0xa0: {  	s5 =	ssub.s32 $0x0, s20;
	[sflag:s22] =	ssyncset.done $0x0  }
0xa1: {  	[sflag:s22] =	ssyncadd.s32 s5;
	_ =	sdelay $0x1  }
0xa2: {  	s23 =	simm.s32 $0x1B8B  }
0xa3: {  	_ =	swait.ge [sflag:s23], $0x1  }
0xa4: {  	[sflag:s23] =	ssyncset.done $0x0  }
0xa5: {  	s25 =	simm.s32 $0x1B8E;
	s24 =	sld [smem:$0x3FFE];
	[sflag:s23] =	ssyncadd.s32 $0xFFFFFFFF  }
0xa6: {  	s26 =	simm.s32 $execute0_lowered;
	[smem:$0x3FD2] =	sst s25  }
0xa7: {  	s6 =	sshll.u32 s26, $0x1;
	_ =	strace $0x80000046;
	[dreg:$0x1] =	wrdreg $0xFFFFFFFF  }
0xa8: {  	s28 =	simm.s32 $_size_execute0_lowered;
	s4 =	sadd.s32 s4, s6;
	[dreg:$0x0] =	wrdreg $0x0  }
0xa9: {  	s6 =	sshll.u32 s28, $0x1;
	[dreg:$0x2] =	wrdreg s4  }
0xaa: {  	[dreg:$0x3] =	wrdreg s6  }
0xab: {  	[dreg:$0x4] =	wrdreg $0xC0  }
0xac: {  	_ =	task [dreg:s8], $0x5FFFF  }
0xad: {  	[dreg:$0x1] =	wrdreg $0xFFFFFFFF  }
0xae: {  	[dreg:$0x0] =	wrdreg $0x60  }
0xaf: {  	[dreg:$0x2] =	wrdreg s24  }
0xb0: {  	[dreg:$0x3] =	wrdreg s2  }
0xb1: {  	[dreg:$0x4] =	wrdreg s18  }
0xb2: {  	[dreg:$0x5] =	wrdreg $0x9  }
0xb3: {  	_ =	task.clear_ibuf [dreg:s8], $0x6FFFF;
	_ =	strace $0x90000046  }
0xb4: {  	s29 =	simm.s32 $0x9;
	_ =	strace $0x80000048  }
0xb5: {  	_ =	swait.ge [sflag:s29], $0x1  }
0xb6: {  	[sflag:s29] =	ssyncadd.s32 $0xFFFFFFFF  }
0xb7: {  	_ =	strace $0x90000048  }
0xb8: {  	_ =	sfence  }
0xb9: {  	s30 =	sld [smem:$0x0];
	_ =	sdelay $0x2  }
0xba: {  	s31 =	sshll.u32 s1, $0xD;
	s1 =	sshrl.u32 s1, $0x2  }
0xbb: {  	s3 =	sand.u32 $0x4000, s31;
	s1 =	sadd.s32 s1, s30  }
0xbc: {  	s0 =	sor.u32 s3, s0;
	s1 =	sshll.u32 s1, $0x11  }
0xbd: {  	s0 =	sor.u32 s1, s0  }
0xbe: {  	s0 =	sadd.s32 $0x8F2B, s0  }
0xbf: {  	[sflag:s0] =	ssyncadd.remote.s32 $0x1  }
0xc0: {  	_ =	sfence.sel $0xFFFF  }
0xc1: {  	[dreg:$0x0] =	wrdreg $0xFFFFFFFF;
	(pc) =	sbr.abs _section_cstart, $3  }
0xc2: {  	[dreg:$0x1] =	wrdreg $0xFFFFFFFF  }
0xc3: {  	_ =	task.clear_ibuf [dreg:s8], $0x2FFFF;
	_ =	strace $0x9FFFFFFF  }
0xc4: {  	(tm) =	ssettm $0x7FFFFFFF  }
0xc5: {  	_ =	shalt  }
tec
execute0_lowered:
.L_overlay_start_1:
0x0: {  	(tag) =	ssettag $0x1  }
0x1: {  	s0 =	rddreg [dreg:$0x0]  }
0x2: {  	s1 =	rddreg [dreg:$0x1]  }
0x3: {  	s2 =	rddreg [dreg:$0x2];
	s4 =	srdreg.scid  }
0x4: {  	s3 =	simm.s32 $0x0;
	s5 =	stileid.u32;
	s15 =	simm.s32 $0x5  }
0x5: {  	s16 =	simm.s32 $0x80;
	s17 =	simm.s32 $0x6400;
	s18 =	simm.s32 $0xA400  }
0x6: {  	s19 =	simm.s32 $0x1;
	s20 =	simm.s32 $0xE400;
	s22 =	simm.s32 $0x2  }
0x7: {  	s23 =	simm.s32 $0x10600;
	s24 =	simm.s32 $0x180;
	s25 =	simm.s32 $0x3  }
0x8: {  	s26 =	simm.s32 $0x4;
	s28 =	simm.s32 $0x0;
	s4 =	sand.u32 $0x1, s4  }
0x9: {  	[smem:$0x7FF] =	sst s3;
	s5 =	sshll.u32 s5, $0xB;
	s6 =	sshll.u32 s4, $0xA  }
0xa: {  	_ =	strace $0x80000047;
	s7 =	ssub.s32 $0x2, s4;
	s9 =	sor.u32 s6, s5  }
0xb: {  	v0 =	vlaneseq.u32;
	s4 =	sadd.s32 $0xF42800, s0;
	s31 =	sshrl.u32 s7, $0x1;
	s6 =	sshrl.u32 s9, $0x3  }
0xc: {  	v0 =	vmul.u32 $0x88, v0;
	s0 =	ssub.s32 s7, s31;
	s8 =	sor.u32 $0x80000, s9;
	s9 =	sor.u32 $0xC0000, s9  }
0xd: {  	s5 =	sadd.s32 s1, s6;
	s6 =	sadd.s32 s2, s6;
	s12 =	smax.u32 s0, $0x1  }
0xe: {  	v1 =	vadd.s32 $0x880, v0;
	v2 =	vadd.s32 $0x1100, v0;
	v3 =	vadd.s32 $0x1980, v0;
	s7 =	sadd.s32 $0x8000, s6;
	s10 =	sadd.s32 $0x630000, s6;
	s11 =	sadd.s32 $0x638000, s6  }
.LBB2_1:
0xf: {  	s0 =	simm.s32 $0x400;
	s1 =	simm.s32 $0x8000  }
0x10: {  	[tilespmem:s3], [sflag:$0x5] =	stream.strided.gather [hbm4b:s5+s0], $0x6400, s1, s0, $0x38;
	[tilespmem:$0x12800] =	vst v63  }
0x11: {  	_ =	swait.ge [sflag:s15], $0x6400  }
0x12: {  	[sflag:s15] =	ssyncset.done $0x0  }
0x13: {  	[sflag:s15] =	ssyncadd.s32 $0xFFFF9C00  }
0x14: {  	[tilespmem:s17], [sflag:$0x1] =	stream.indirect.gather [hbm4b:s4+s16], $0x80, s3, s16, $0xb8;
	[tilespmem:$0x12800] =	vst v63  }
0x15: {  	_ = 	snop  }
0x16: {  	[tilespmem:s18], [sflag:$0x2] =	stream.indirect.gather [hbm4b:s4+s16], $0x80, s16, s16, $0xb8;
	[tilespmem:$0x12800] =	vst v63  }
0x17: {  	_ =	swait.ge [sflag:s19], $0x4000  }
0x18: {  	[sflag:s19] =	ssyncset.done $0x0  }
0x19: {  	s31 =	simm.s32 $0x0;
	[sflag:s19] =	ssyncadd.s32 $0xFFFFC000  }
0x1a: {  	v4 =	vld [tilespmem:s31+$0x65B0]  }
0x1b: {  	v6 =	vld [tilespmem:s31+$0x6500]  }
0x1c: {  	v12 =	vld [tilespmem:s31+$0x6490]  }
0x1d: {  	v13 =	vld [tilespmem:s31+$0x64B0]  }
0x1e: {  	v7 =	vld [tilespmem:s31+$0x6590]  }
0x1f: {  	v8 =	vld [tilespmem:s31+$0x6580]  }
0x20: {  	v15 =	vld [tilespmem:s31+$0x6520]  }
0x21: {  	v5 =	vimm.s32 $0x0;
	v16 =	vld [tilespmem:s31+$0x6510]  }
0x22: {  	v9 =	vand.u32 $0xFFFFFFF8, v5;
	v29 =	vld [tilespmem:s31+$0x6430]  }
0x23: {  	v24 =	vand.u32 $0x4, v5;
	v25 =	vadd.s32 v0, v9;
	v26 =	vld [tilespmem:s31+$0x6420]  }
0x24: {  	v30 =	vadd.s32 v1, v9;
	v21 =	vor.u32 v24, v25;
	v22 =	vld [tilespmem:s31+$0x6400]  }
0x25: {  	v32 =	vadd.s32 v2, v9;
	v31 =	vor.u32 v24, v30;
	v27 =	vld [tilespmem:s31+$0x6410]  }
0x26: {  	v10 =	vor.u32 $0x3, v24;
	v33 =	vadd.s32 v3, v9;
	v34 =	vor.u32 v24, v32;
	v23 =	vld [tilespmem:s31+$0x64A0]  }
0x27: {  	v36 =	vor.u32 $0x1, v24;
	v9 =	vor.u32 v10, v25;
	v35 =	vor.u32 v24, v33;
	v28 =	vld [tilespmem:s31+$0x6480]  }
0x28: {  	v11 =	vor.u32 v10, v30;
	v14 =	vor.u32 v10, v32;
	v20 =	vor.u32 v36, v25;
	v19 =	vld [tilespmem:s31+$0x6530]  }
0x29: {  	v63 =	vor.u32 $0x2, v24;
	v10 =	vor.u32 v10, v33;
	v18 =	vld [tilespmem:s31+$0x65A0];
	[tilespmem:v21+s20+$0x0] =	vst.idx.msk $0xffff, v22;
	v21 =	vor.u32 v36, v30  }
0x2a: {  	v17 =	vor.u32 v36, v32;
	v24 =	vor.u32 v63, v25;
	[tilespmem:v31+s20+$0x0] =	vst.idx.msk $0xffff, v27  }
0x2b: {  	v25 =	vor.u32 v63, v30;
	v22 =	vor.u32 v36, v33;
	[tilespmem:v34+s20+$0x0] =	vst.idx.msk $0xffff, v26  }
0x2c: {  	s29 =	simm.s32 $0x800;
	v27 =	vor.u32 v63, v33;
	v26 =	vor.u32 v63, v32;
	[tilespmem:v35+s20+$0x0] =	vst.idx.msk $0xffff, v29  }
.LBB2_2:
0x2d: {  	p0 =	sne.s32 s29, $0xF800;
	[tilespmem:v20+s20+$0x0] =	vst.idx.msk $0xffff, v28;
	v5 =	vadd.s32 $0x4, v5;
	s0 =	smov.u32 s29;
	s29 =	sadd.s32 $0x800, s29  }
0x2e: {  	[tilespmem:v21+s20+$0x0] =	vst.idx.msk $0xffff, v12  }
0x2f: {  	[tilespmem:v17+s20+$0x0] =	vst.idx.msk $0xffff, v23  }
0x30: {  	[tilespmem:v22+s20+$0x0] =	vst.idx.msk $0xffff, v13  }
0x31: {  	[tilespmem:v24+s20+$0x0] =	vst.idx.msk $0xffff, v6  }
0x32: {  	[tilespmem:v25+s20+$0x0] =	vst.idx.msk $0xffff, v16  }
0x33: {  	[tilespmem:v26+s20+$0x0] =	vst.idx.msk $0xffff, v15  }
0x34: {  	[tilespmem:v27+s20+$0x0] =	vst.idx.msk $0xffff, v19  }
0x35: {  	[tilespmem:v9+s20+$0x0] =	vst.idx.msk $0xffff, v8  }
0x36: {  	[tilespmem:v11+s20+$0x0] =	vst.idx.msk $0xffff, v7  }
0x37: {  	v19 =	vand.u32 $0x4, v5;
	v7 =	vand.u32 $0xFFFFFFF8, v5;
	[tilespmem:v14+s20+$0x0] =	vst.idx.msk $0xffff, v18  }
0x38: {  	s0 =	sshra.s32 s0, $0x2;
	v8 =	vor.u32 $0x3, v19;
	v18 =	vadd.s32 v0, v7;
	v23 =	vadd.s32 v1, v7;
	[tilespmem:v10+s20+$0x0] =	vst.idx.msk $0xffff, v4  }
0x39: {  	v27 =	vadd.s32 v3, v7;
	v29 =	vor.u32 v19, v18;
	v9 =	vor.u32 v8, v18;
	v4 =	vld [tilespmem:s0+$0x65B0]  }
0x3a: {  	v26 =	vadd.s32 v2, v7;
	v30 =	vor.u32 v19, v23;
	v11 =	vor.u32 v8, v23;
	v6 =	vld [tilespmem:s0+$0x6500]  }
0x3b: {  	v31 =	vor.u32 v19, v26;
	v14 =	vor.u32 v8, v26;
	v10 =	vor.u32 v8, v27;
	v12 =	vld [tilespmem:s0+$0x6490]  }
0x3c: {  	v22 =	vor.u32 $0x1, v19;
	v32 =	vor.u32 v19, v27;
	v13 =	vld [tilespmem:s0+$0x64B0]  }
0x3d: {  	v20 =	vor.u32 v22, v18;
	v17 =	vor.u32 v22, v26;
	v7 =	vld [tilespmem:s0+$0x6590]  }
0x3e: {  	v21 =	vor.u32 v22, v23;
	v8 =	vld [tilespmem:s0+$0x6580]  }
0x3f: {  	v15 =	vld [tilespmem:s0+$0x6520]  }
0x40: {  	v22 =	vor.u32 v22, v27;
	v19 =	vor.u32 $0x2, v19;
	v16 =	vld [tilespmem:s0+$0x6510]  }
0x41: {  	v24 =	vor.u32 v19, v18;
	v33 =	vld [tilespmem:s0+$0x6430]  }
0x42: {  	v25 =	vor.u32 v19, v23;
	v34 =	vld [tilespmem:s0+$0x6420]  }
0x43: {  	v26 =	vor.u32 v19, v26;
	v35 =	vld [tilespmem:s0+$0x6410]  }
0x44: {  	v27 =	vor.u32 v19, v27;
	v36 =	vld [tilespmem:s0+$0x6400]  }
0x45: {  	v23 =	vld [tilespmem:s0+$0x64A0]  }
0x46: {  	v28 =	vld [tilespmem:s0+$0x6480]  }
0x47: {  	v19 =	vld [tilespmem:s0+$0x6530]  }
.Ltmp0:
0x48: {  	v18 =	vld [tilespmem:s0+$0x65A0];
	(pc) =	sbr.rel @p0 .LBB2_2-.Ltmp0, $4  }
0x49: {  	[tilespmem:v29+s20+$0x0] =	vst.idx.msk $0xffff, v36  }
0x4a: {  	[tilespmem:v30+s20+$0x0] =	vst.idx.msk $0xffff, v35  }
0x4b: {  	[tilespmem:v31+s20+$0x0] =	vst.idx.msk $0xffff, v34  }
0x4c: {  	[tilespmem:v32+s20+$0x0] =	vst.idx.msk $0xffff, v33  }
0x4d: {  	_ =	sdelay $0x3  }
0x4e: {  	[tilespmem:v20+s20+$0x0] =	vst.idx.msk $0xffff, v28  }
0x4f: {  	[tilespmem:v21+s20+$0x0] =	vst.idx.msk $0xffff, v12  }
0x50: {  	[tilespmem:v17+s20+$0x0] =	vst.idx.msk $0xffff, v23  }
0x51: {  	[tilespmem:v22+s20+$0x0] =	vst.idx.msk $0xffff, v13  }
0x52: {  	[tilespmem:v24+s20+$0x0] =	vst.idx.msk $0xffff, v6  }
0x53: {  	[tilespmem:v25+s20+$0x0] =	vst.idx.msk $0xffff, v16  }
0x54: {  	[tilespmem:v26+s20+$0x0] =	vst.idx.msk $0xffff, v15  }
0x55: {  	[tilespmem:v27+s20+$0x0] =	vst.idx.msk $0xffff, v19  }
0x56: {  	[tilespmem:v9+s20+$0x0] =	vst.idx.msk $0xffff, v8  }
0x57: {  	[tilespmem:v11+s20+$0x0] =	vst.idx.msk $0xffff, v7  }
0x58: {  	[tilespmem:v14+s20+$0x0] =	vst.idx.msk $0xffff, v18  }
0x59: {  	s0 =	simm.s32 $0xE400;
	[tilespmem:v10+s20+$0x0] =	vst.idx.msk $0xffff, v4  }
0x5a: {  	[hbm4b:s6+s3] =	stream.linear.scatter [tilespmem:s0], [sflag:$0x3], $0x80, $0x38;
	[tilespmem:$0x12800] =	vst v63  }
0x5b: {  	s14 =	simm.s32 $0xE488;
	s1 =	sadd.s32 $0x10, s6  }
0x5c: {  	[hbm4b:s1+s3] =	stream.linear.scatter [tilespmem:s14], [sflag:$0x3], $0x80, $0x38;
	[tilespmem:$0x12800] =	vst v63  }
0x5d: {  	s21 =	simm.s32 $0xE510;
	s31 =	sadd.s32 $0x20, s6;
	s13 =	simm.s32 $0xE598  }
0x5e: {  	[hbm4b:s31+s3] =	stream.linear.scatter [tilespmem:s21], [sflag:$0x3], $0x80, $0x38;
	[tilespmem:$0x12800] =	vst v63  }
0x5f: {  	s30 =	simm.s32 $0x2200;
	s29 =	sadd.s32 $0x1000, s6;
	s14 =	sadd.s32 $0x30, s6  }
0x60: {  	[hbm4b:s14+s3] =	stream.linear.scatter [tilespmem:s13], [sflag:$0x3], $0x80, $0x38;
	[tilespmem:$0x12800] =	vst v63  }
0x61: {  	s0 =	simm.s32 $0x440;
	s21 =	simm.s32 $0xE620;
	s31 =	sadd.s32 $0x40, s6  }
0x62: {  	[hbm4b:s31+s3] =	stream.linear.scatter [tilespmem:s21], [sflag:$0x3], $0x80, $0x38;
	[tilespmem:$0x12800] =	vst v63  }
0x63: {  	s1 =	simm.s32 $0xE7B8;
	s13 =	simm.s32 $0xE6A8;
	s14 =	sadd.s32 $0x50, s6  }
0x64: {  	[hbm4b:s14+s3] =	stream.linear.scatter [tilespmem:s13], [sflag:$0x3], $0x80, $0x38;
	[tilespmem:$0x12800] =	vst v63  }
0x65: {  	s21 =	simm.s32 $0xE730;
	s31 =	sadd.s32 $0x60, s6;
	s13 =	sadd.s32 $0x70, s6  }
0x66: {  	[hbm4b:s31+s3] =	stream.linear.scatter [tilespmem:s21], [sflag:$0x3], $0x80, $0x38;
	[tilespmem:$0x12800] =	vst v63  }
.LBB2_4:
0x67: {  	[hbm4b:s13+s3] =	stream.linear.scatter [tilespmem:s1], [sflag:$0x3], $0x80, $0x38;
	[tilespmem:$0x12800] =	vst v63  }
0x68: {  	s1 =	smov.u32 s0;
	s0 =	smov.u32 s30  }
0x69: {  	s14 =	sadd.s32 $0x1100, s30;
	s0 =	sshra.s32 s0, $0x2;
	s13 =	sadd.s32 $0xE400, s1  }
0x6a: {  	[hbm4b:s29+s3] =	stream.linear.scatter [tilespmem:s13], [sflag:$0x3], $0x80, $0x38;
	[tilespmem:$0x12800] =	vst v63  }
0x6b: {  	p0 =	sne.s32 s30, $0x7700;
	s30 =	sadd.s32 $0x10, s29;
	s13 =	sadd.s32 $0xE488, s1  }
0x6c: {  	[hbm4b:s30+s3] =	stream.linear.scatter [tilespmem:s13], [sflag:$0x3], $0x80, $0x38;
	[tilespmem:$0x12800] =	vst v63  }
0x6d: {  	s13 =	sadd.s32 $0xE510, s1;
	s30 =	sadd.s32 $0x20, s29  }
0x6e: {  	[hbm4b:s30+s3] =	stream.linear.scatter [tilespmem:s13], [sflag:$0x3], $0x80, $0x38;
	[tilespmem:$0x12800] =	vst v63  }
0x6f: {  	s13 =	sadd.s32 $0xE598, s1;
	s30 =	sadd.s32 $0x30, s29  }
0x70: {  	[hbm4b:s30+s3] =	stream.linear.scatter [tilespmem:s13], [sflag:$0x3], $0x80, $0x38;
	[tilespmem:$0x12800] =	vst v63  }
0x71: {  	s13 =	sadd.s32 $0xE620, s1;
	s30 =	sadd.s32 $0x40, s29  }
0x72: {  	[hbm4b:s30+s3] =	stream.linear.scatter [tilespmem:s13], [sflag:$0x3], $0x80, $0x38;
	[tilespmem:$0x12800] =	vst v63  }
.Ltmp1:
0x73: {  	s13 =	sadd.s32 $0xE6A8, s1;
	s30 =	sadd.s32 $0x50, s29;
	(pc) =	sbr.rel @p0 .LBB2_4-.Ltmp1, $4  }
0x74: {  	[hbm4b:s30+s3] =	stream.linear.scatter [tilespmem:s13], [sflag:$0x3], $0x80, $0x38;
	[tilespmem:$0x12800] =	vst v63  }
0x75: {  	s13 =	sadd.s32 $0xE730, s1;
	s30 =	sadd.s32 $0x60, s29;
	s1 =	sadd.s32 $0xE7B8, s1  }
0x76: {  	[hbm4b:s30+s3] =	stream.linear.scatter [tilespmem:s13], [sflag:$0x3], $0x80, $0x38;
	[tilespmem:$0x12800] =	vst v63  }
0x77: {  	s13 =	sadd.s32 $0x70, s29;
	s29 =	sadd.s32 $0x1000, s29;
	s30 =	smov.u32 s14  }
0x78: {  	[hbm4b:s13+s3] =	stream.linear.scatter [tilespmem:s1], [sflag:$0x3], $0x80, $0x38;
	[tilespmem:$0x12800] =	vst v63  }
0x79: {  	s13 =	sadd.s32 $0xE400, s0  }
0x7a: {  	[hbm4b:s29+s3] =	stream.linear.scatter [tilespmem:s13], [sflag:$0x3], $0x80, $0x38;
	[tilespmem:$0x12800] =	vst v63  }
0x7b: {  	s14 =	sadd.s32 $0xE488, s0;
	s21 =	sadd.s32 $0x10, s29  }
0x7c: {  	[hbm4b:s21+s3] =	stream.linear.scatter [tilespmem:s14], [sflag:$0x3], $0x80, $0x38;
	[tilespmem:$0x12800] =	vst v63  }
0x7d: {  	s30 =	sadd.s32 $0xE510, s0;
	s31 =	sadd.s32 $0x20, s29  }
0x7e: {  	[hbm4b:s31+s3] =	stream.linear.scatter [tilespmem:s30], [sflag:$0x3], $0x80, $0x38;
	[tilespmem:$0x12800] =	vst v63  }
0x7f: {  	s14 =	sadd.s32 $0xE598, s0;
	s21 =	sadd.s32 $0x30, s29  }
0x80: {  	[hbm4b:s21+s3] =	stream.linear.scatter [tilespmem:s14], [sflag:$0x3], $0x80, $0x38;
	[tilespmem:$0x12800] =	vst v63  }
0x81: {  	s30 =	sadd.s32 $0xE620, s0;
	s31 =	sadd.s32 $0x40, s29  }
0x82: {  	[hbm4b:s31+s3] =	stream.linear.scatter [tilespmem:s30], [sflag:$0x3], $0x80, $0x38;
	[tilespmem:$0x12800] =	vst v63  }
0x83: {  	s14 =	sadd.s32 $0xE6A8, s0;
	s21 =	sadd.s32 $0x50, s29  }
0x84: {  	[hbm4b:s21+s3] =	stream.linear.scatter [tilespmem:s14], [sflag:$0x3], $0x80, $0x38;
	[tilespmem:$0x12800] =	vst v63  }
0x85: {  	s30 =	sadd.s32 $0xE730, s0;
	s31 =	sadd.s32 $0x60, s29  }
0x86: {  	[hbm4b:s31+s3] =	stream.linear.scatter [tilespmem:s30], [sflag:$0x3], $0x80, $0x38;
	[tilespmem:$0x12800] =	vst v63  }
0x87: {  	s14 =	sadd.s32 $0xE7B8, s0;
	s21 =	sadd.s32 $0x70, s29  }
0x88: {  	[hbm4b:s21+s3] =	stream.linear.scatter [tilespmem:s14], [sflag:$0x3], $0x80, $0x38;
	[tilespmem:$0x12800] =	vst v63  }
0x89: {  	s30 =	simm.s32 $0x100  }
0x8a: {  	[tilespmem:s17], [sflag:$0x1] =	stream.indirect.gather [hbm4b:s4+s16], $0x80, s30, s16, $0xb8;
	[tilespmem:$0x12800] =	vst v63  }
0x8b: {  	_ =	swait.ge [sflag:s22], $0x4000  }
0x8c: {  	[sflag:s22] =	ssyncset.done $0x0  }
0x8d: {  	s31 =	simm.s32 $0x0;
	[sflag:s22] =	ssyncadd.s32 $0xFFFFC000  }
0x8e: {  	v4 =	vld [tilespmem:s31+$0xA5B0]  }
0x8f: {  	v6 =	vld [tilespmem:s31+$0xA500]  }
0x90: {  	v12 =	vld [tilespmem:s31+$0xA490]  }
0x91: {  	v13 =	vld [tilespmem:s31+$0xA4B0]  }
0x92: {  	v7 =	vld [tilespmem:s31+$0xA590]  }
0x93: {  	v8 =	vld [tilespmem:s31+$0xA580]  }
0x94: {  	v15 =	vld [tilespmem:s31+$0xA520]  }
0x95: {  	v5 =	vimm.s32 $0x0;
	v16 =	vld [tilespmem:s31+$0xA510]  }
0x96: {  	v9 =	vand.u32 $0xFFFFFFF8, v5;
	v29 =	vld [tilespmem:s31+$0xA430]  }
0x97: {  	v24 =	vand.u32 $0x4, v5;
	v25 =	vadd.s32 v0, v9;
	v26 =	vld [tilespmem:s31+$0xA420]  }
0x98: {  	v30 =	vadd.s32 v1, v9;
	v21 =	vor.u32 v24, v25;
	v22 =	vld [tilespmem:s31+$0xA400]  }
0x99: {  	v32 =	vadd.s32 v2, v9;
	v31 =	vor.u32 v24, v30;
	v27 =	vld [tilespmem:s31+$0xA410]  }
0x9a: {  	v10 =	vor.u32 $0x3, v24;
	v33 =	vadd.s32 v3, v9;
	v34 =	vor.u32 v24, v32;
	v23 =	vld [tilespmem:s31+$0xA4A0]  }
0x9b: {  	v36 =	vor.u32 $0x1, v24;
	v9 =	vor.u32 v10, v25;
	v35 =	vor.u32 v24, v33;
	v28 =	vld [tilespmem:s31+$0xA480]  }
0x9c: {  	v11 =	vor.u32 v10, v30;
	v14 =	vor.u32 v10, v32;
	v20 =	vor.u32 v36, v25;
	v19 =	vld [tilespmem:s31+$0xA530]  }
0x9d: {  	v63 =	vor.u32 $0x2, v24;
	v10 =	vor.u32 v10, v33;
	v18 =	vld [tilespmem:s31+$0xA5A0];
	[tilespmem:v21+s23+$0x0] =	vst.idx.msk $0xffff, v22;
	v21 =	vor.u32 v36, v30  }
0x9e: {  	v17 =	vor.u32 v36, v32;
	v24 =	vor.u32 v63, v25;
	[tilespmem:v31+s23+$0x0] =	vst.idx.msk $0xffff, v27  }
0x9f: {  	v25 =	vor.u32 v63, v30;
	v22 =	vor.u32 v36, v33;
	[tilespmem:v34+s23+$0x0] =	vst.idx.msk $0xffff, v26  }
0xa0: {  	s29 =	simm.s32 $0x800;
	v27 =	vor.u32 v63, v33;
	v26 =	vor.u32 v63, v32;
	[tilespmem:v35+s23+$0x0] =	vst.idx.msk $0xffff, v29  }
.LBB2_6:
0xa1: {  	p0 =	sne.s32 s29, $0xF800;
	[tilespmem:v20+s23+$0x0] =	vst.idx.msk $0xffff, v28;
	v5 =	vadd.s32 $0x4, v5;
	s0 =	smov.u32 s29;
	s29 =	sadd.s32 $0x800, s29  }
0xa2: {  	[tilespmem:v21+s23+$0x0] =	vst.idx.msk $0xffff, v12  }
0xa3: {  	[tilespmem:v17+s23+$0x0] =	vst.idx.msk $0xffff, v23  }
0xa4: {  	[tilespmem:v22+s23+$0x0] =	vst.idx.msk $0xffff, v13  }
0xa5: {  	[tilespmem:v24+s23+$0x0] =	vst.idx.msk $0xffff, v6  }
0xa6: {  	[tilespmem:v25+s23+$0x0] =	vst.idx.msk $0xffff, v16  }
0xa7: {  	[tilespmem:v26+s23+$0x0] =	vst.idx.msk $0xffff, v15  }
0xa8: {  	[tilespmem:v27+s23+$0x0] =	vst.idx.msk $0xffff, v19  }
0xa9: {  	[tilespmem:v9+s23+$0x0] =	vst.idx.msk $0xffff, v8  }
0xaa: {  	[tilespmem:v11+s23+$0x0] =	vst.idx.msk $0xffff, v7  }
0xab: {  	v19 =	vand.u32 $0x4, v5;
	v7 =	vand.u32 $0xFFFFFFF8, v5;
	[tilespmem:v14+s23+$0x0] =	vst.idx.msk $0xffff, v18  }
0xac: {  	s0 =	sshra.s32 s0, $0x2;
	v8 =	vor.u32 $0x3, v19;
	v18 =	vadd.s32 v0, v7;
	v23 =	vadd.s32 v1, v7;
	[tilespmem:v10+s23+$0x0] =	vst.idx.msk $0xffff, v4  }
0xad: {  	v27 =	vadd.s32 v3, v7;
	v29 =	vor.u32 v19, v18;
	v9 =	vor.u32 v8, v18;
	v4 =	vld [tilespmem:s0+$0xA5B0]  }
0xae: {  	v26 =	vadd.s32 v2, v7;
	v30 =	vor.u32 v19, v23;
	v11 =	vor.u32 v8, v23;
	v6 =	vld [tilespmem:s0+$0xA500]  }
0xaf: {  	v31 =	vor.u32 v19, v26;
	v14 =	vor.u32 v8, v26;
	v10 =	vor.u32 v8, v27;
	v12 =	vld [tilespmem:s0+$0xA490]  }
0xb0: {  	v22 =	vor.u32 $0x1, v19;
	v32 =	vor.u32 v19, v27;
	v13 =	vld [tilespmem:s0+$0xA4B0]  }
0xb1: {  	v20 =	vor.u32 v22, v18;
	v17 =	vor.u32 v22, v26;
	v7 =	vld [tilespmem:s0+$0xA590]  }
0xb2: {  	v21 =	vor.u32 v22, v23;
	v8 =	vld [tilespmem:s0+$0xA580]  }
0xb3: {  	v15 =	vld [tilespmem:s0+$0xA520]  }
0xb4: {  	v22 =	vor.u32 v22, v27;
	v19 =	vor.u32 $0x2, v19;
	v16 =	vld [tilespmem:s0+$0xA510]  }
0xb5: {  	v24 =	vor.u32 v19, v18;
	v33 =	vld [tilespmem:s0+$0xA430]  }
0xb6: {  	v25 =	vor.u32 v19, v23;
	v34 =	vld [tilespmem:s0+$0xA420]  }
0xb7: {  	v26 =	vor.u32 v19, v26;
	v35 =	vld [tilespmem:s0+$0xA410]  }
0xb8: {  	v27 =	vor.u32 v19, v27;
	v36 =	vld [tilespmem:s0+$0xA400]  }
0xb9: {  	v23 =	vld [tilespmem:s0+$0xA4A0]  }
0xba: {  	v28 =	vld [tilespmem:s0+$0xA480]  }
0xbb: {  	v19 =	vld [tilespmem:s0+$0xA530]  }
.Ltmp2:
0xbc: {  	v18 =	vld [tilespmem:s0+$0xA5A0];
	(pc) =	sbr.rel @p0 .LBB2_6-.Ltmp2, $4  }
0xbd: {  	[tilespmem:v29+s23+$0x0] =	vst.idx.msk $0xffff, v36  }
0xbe: {  	[tilespmem:v30+s23+$0x0] =	vst.idx.msk $0xffff, v35  }
0xbf: {  	[tilespmem:v31+s23+$0x0] =	vst.idx.msk $0xffff, v34  }
0xc0: {  	[tilespmem:v32+s23+$0x0] =	vst.idx.msk $0xffff, v33  }
0xc1: {  	_ =	sdelay $0x3  }
0xc2: {  	[tilespmem:v20+s23+$0x0] =	vst.idx.msk $0xffff, v28  }
0xc3: {  	[tilespmem:v21+s23+$0x0] =	vst.idx.msk $0xffff, v12  }
0xc4: {  	[tilespmem:v17+s23+$0x0] =	vst.idx.msk $0xffff, v23  }
0xc5: {  	[tilespmem:v22+s23+$0x0] =	vst.idx.msk $0xffff, v13  }
0xc6: {  	[tilespmem:v24+s23+$0x0] =	vst.idx.msk $0xffff, v6  }
0xc7: {  	[tilespmem:v25+s23+$0x0] =	vst.idx.msk $0xffff, v16  }
0xc8: {  	[tilespmem:v26+s23+$0x0] =	vst.idx.msk $0xffff, v15  }
0xc9: {  	[tilespmem:v27+s23+$0x0] =	vst.idx.msk $0xffff, v19  }
0xca: {  	[tilespmem:v9+s23+$0x0] =	vst.idx.msk $0xffff, v8  }
0xcb: {  	[tilespmem:v11+s23+$0x0] =	vst.idx.msk $0xffff, v7  }
0xcc: {  	[tilespmem:v14+s23+$0x0] =	vst.idx.msk $0xffff, v18  }
0xcd: {  	s0 =	simm.s32 $0x10600;
	[tilespmem:v10+s23+$0x0] =	vst.idx.msk $0xffff, v4  }
0xce: {  	[hbm4b:s7+s3] =	stream.linear.scatter [tilespmem:s0], [sflag:$0x4], $0x80, $0x38;
	[tilespmem:$0x12800] =	vst v63  }
0xcf: {  	s14 =	simm.s32 $0x10688;
	s1 =	sadd.s32 $0x10, s7  }
0xd0: {  	[hbm4b:s1+s3] =	stream.linear.scatter [tilespmem:s14], [sflag:$0x4], $0x80, $0x38;
	[tilespmem:$0x12800] =	vst v63  }
0xd1: {  	s21 =	simm.s32 $0x10710;
	s31 =	sadd.s32 $0x20, s7;
	s13 =	simm.s32 $0x10798  }
0xd2: {  	[hbm4b:s31+s3] =	stream.linear.scatter [tilespmem:s21], [sflag:$0x4], $0x80, $0x38;
	[tilespmem:$0x12800] =	vst v63  }
0xd3: {  	s30 =	simm.s32 $0x2200;
	s29 =	sadd.s32 $0x1000, s7;
	s14 =	sadd.s32 $0x30, s7  }
0xd4: {  	[hbm4b:s14+s3] =	stream.linear.scatter [tilespmem:s13], [sflag:$0x4], $0x80, $0x38;
	[tilespmem:$0x12800] =	vst v63  }
0xd5: {  	s0 =	simm.s32 $0x440;
	s21 =	simm.s32 $0x10820;
	s31 =	sadd.s32 $0x40, s7  }
0xd6: {  	[hbm4b:s31+s3] =	stream.linear.scatter [tilespmem:s21], [sflag:$0x4], $0x80, $0x38;
	[tilespmem:$0x12800] =	vst v63  }
0xd7: {  	s1 =	simm.s32 $0x109B8;
	s13 =	simm.s32 $0x108A8;
	s14 =	sadd.s32 $0x50, s7  }
0xd8: {  	[hbm4b:s14+s3] =	stream.linear.scatter [tilespmem:s13], [sflag:$0x4], $0x80, $0x38;
	[tilespmem:$0x12800] =	vst v63  }
0xd9: {  	s21 =	simm.s32 $0x10930;
	s31 =	sadd.s32 $0x60, s7;
	s13 =	sadd.s32 $0x70, s7  }
0xda: {  	[hbm4b:s31+s3] =	stream.linear.scatter [tilespmem:s21], [sflag:$0x4], $0x80, $0x38;
	[tilespmem:$0x12800] =	vst v63  }
.LBB2_8:
0xdb: {  	[hbm4b:s13+s3] =	stream.linear.scatter [tilespmem:s1], [sflag:$0x4], $0x80, $0x38;
	[tilespmem:$0x12800] =	vst v63  }
0xdc: {  	s1 =	smov.u32 s0;
	s0 =	smov.u32 s30  }
0xdd: {  	s14 =	sadd.s32 $0x1100, s30;
	s0 =	sshra.s32 s0, $0x2;
	s13 =	sadd.s32 $0x10600, s1  }
0xde: {  	[hbm4b:s29+s3] =	stream.linear.scatter [tilespmem:s13], [sflag:$0x4], $0x80, $0x38;
	[tilespmem:$0x12800] =	vst v63  }
0xdf: {  	p0 =	sne.s32 s30, $0x7700;
	s30 =	sadd.s32 $0x10, s29;
	s13 =	sadd.s32 $0x10688, s1  }
0xe0: {  	[hbm4b:s30+s3] =	stream.linear.scatter [tilespmem:s13], [sflag:$0x4], $0x80, $0x38;
	[tilespmem:$0x12800] =	vst v63  }
0xe1: {  	s13 =	sadd.s32 $0x10710, s1;
	s30 =	sadd.s32 $0x20, s29  }
0xe2: {  	[hbm4b:s30+s3] =	stream.linear.scatter [tilespmem:s13], [sflag:$0x4], $0x80, $0x38;
	[tilespmem:$0x12800] =	vst v63  }
0xe3: {  	s13 =	sadd.s32 $0x10798, s1;
	s30 =	sadd.s32 $0x30, s29  }
0xe4: {  	[hbm4b:s30+s3] =	stream.linear.scatter [tilespmem:s13], [sflag:$0x4], $0x80, $0x38;
	[tilespmem:$0x12800] =	vst v63  }
0xe5: {  	s13 =	sadd.s32 $0x10820, s1;
	s30 =	sadd.s32 $0x40, s29  }
0xe6: {  	[hbm4b:s30+s3] =	stream.linear.scatter [tilespmem:s13], [sflag:$0x4], $0x80, $0x38;
	[tilespmem:$0x12800] =	vst v63  }
.Ltmp3:
0xe7: {  	s13 =	sadd.s32 $0x108A8, s1;
	s30 =	sadd.s32 $0x50, s29;
	(pc) =	sbr.rel @p0 .LBB2_8-.Ltmp3, $4  }
0xe8: {  	[hbm4b:s30+s3] =	stream.linear.scatter [tilespmem:s13], [sflag:$0x4], $0x80, $0x38;
	[tilespmem:$0x12800] =	vst v63  }
0xe9: {  	s13 =	sadd.s32 $0x10930, s1;
	s30 =	sadd.s32 $0x60, s29;
	s1 =	sadd.s32 $0x109B8, s1  }
0xea: {  	[hbm4b:s30+s3] =	stream.linear.scatter [tilespmem:s13], [sflag:$0x4], $0x80, $0x38;
	[tilespmem:$0x12800] =	vst v63  }
0xeb: {  	s13 =	sadd.s32 $0x70, s29;
	s29 =	sadd.s32 $0x1000, s29;
	s30 =	smov.u32 s14  }
0xec: {  	[hbm4b:s13+s3] =	stream.linear.scatter [tilespmem:s1], [sflag:$0x4], $0x80, $0x38;
	[tilespmem:$0x12800] =	vst v63  }
0xed: {  	s21 =	sadd.s32 $0x10600, s0  }
0xee: {  	[hbm4b:s29+s3] =	stream.linear.scatter [tilespmem:s21], [sflag:$0x4], $0x80, $0x38;
	[tilespmem:$0x12800] =	vst v63  }
0xef: {  	s30 =	sadd.s32 $0x10688, s0;
	s31 =	sadd.s32 $0x10, s29  }
0xf0: {  	[hbm4b:s31+s3] =	stream.linear.scatter [tilespmem:s30], [sflag:$0x4], $0x80, $0x38;
	[tilespmem:$0x12800] =	vst v63  }
0xf1: {  	s14 =	sadd.s32 $0x10710, s0;
	s21 =	sadd.s32 $0x20, s29  }
0xf2: {  	[hbm4b:s21+s3] =	stream.linear.scatter [tilespmem:s14], [sflag:$0x4], $0x80, $0x38;
	[tilespmem:$0x12800] =	vst v63  }
0xf3: {  	s30 =	sadd.s32 $0x10798, s0;
	s31 =	sadd.s32 $0x30, s29  }
0xf4: {  	[hbm4b:s31+s3] =	stream.linear.scatter [tilespmem:s30], [sflag:$0x4], $0x80, $0x38;
	[tilespmem:$0x12800] =	vst v63  }
0xf5: {  	s14 =	sadd.s32 $0x10820, s0;
	s21 =	sadd.s32 $0x40, s29  }
0xf6: {  	[hbm4b:s21+s3] =	stream.linear.scatter [tilespmem:s14], [sflag:$0x4], $0x80, $0x38;
	[tilespmem:$0x12800] =	vst v63  }
0xf7: {  	s30 =	sadd.s32 $0x108A8, s0;
	s31 =	sadd.s32 $0x50, s29  }
0xf8: {  	[hbm4b:s31+s3] =	stream.linear.scatter [tilespmem:s30], [sflag:$0x4], $0x80, $0x38;
	[tilespmem:$0x12800] =	vst v63  }
0xf9: {  	s14 =	sadd.s32 $0x10930, s0;
	s21 =	sadd.s32 $0x60, s29  }
0xfa: {  	[hbm4b:s21+s3] =	stream.linear.scatter [tilespmem:s14], [sflag:$0x4], $0x80, $0x38;
	[tilespmem:$0x12800] =	vst v63  }
0xfb: {  	s30 =	sadd.s32 $0x109B8, s0;
	s31 =	sadd.s32 $0x70, s29  }
0xfc: {  	[hbm4b:s31+s3] =	stream.linear.scatter [tilespmem:s30], [sflag:$0x4], $0x80, $0x38;
	[tilespmem:$0x12800] =	vst v63  }
0xfd: {  	s29 =	simm.s32 $0x0  }
0xfe: {  	[tilespmem:s18], [sflag:$0x2] =	stream.indirect.gather [hbm4b:s4+s16], $0x80, s24, s16, $0xb8;
	[tilespmem:$0x12800] =	vst v63  }
.LBB2_10:
0xff: {  	_ =	swait.ge [sflag:s19], $0x4000  }
0x100: {  	[sflag:s19] =	ssyncset.done $0x0  }
0x101: {  	[sflag:s19] =	ssyncadd.s32 $0xFFFFC000  }
0x102: {  	_ =	swait.ge [sflag:s25], $0x2000  }
0x103: {  	[sflag:s25] =	ssyncset.done $0x0  }
0x104: {  	s0 =	simm.s32 $0x0;
	[sflag:s25] =	ssyncadd.s32 $0xFFFFE000  }
0x105: {  	v4 =	vld [tilespmem:s0+$0x65B0]  }
0x106: {  	v6 =	vld [tilespmem:s0+$0x6500]  }
0x107: {  	v13 =	vld [tilespmem:s0+$0x6490]  }
0x108: {  	v14 =	vld [tilespmem:s0+$0x64B0]  }
0x109: {  	v7 =	vld [tilespmem:s0+$0x6590]  }
0x10a: {  	v9 =	vld [tilespmem:s0+$0x6580]  }
0x10b: {  	v15 =	vld [tilespmem:s0+$0x6520]  }
0x10c: {  	v5 =	vimm.s32 $0x0;
	v16 =	vld [tilespmem:s0+$0x6510]  }
0x10d: {  	v8 =	vand.u32 $0xFFFFFFF8, v5;
	v29 =	vld [tilespmem:s0+$0x6430]  }
0x10e: {  	v24 =	vand.u32 $0x4, v5;
	v25 =	vadd.s32 v0, v8;
	v26 =	vld [tilespmem:s0+$0x6420]  }
0x10f: {  	v30 =	vadd.s32 v1, v8;
	v21 =	vor.u32 v24, v25;
	v22 =	vld [tilespmem:s0+$0x6400]  }
0x110: {  	v32 =	vadd.s32 v2, v8;
	v31 =	vor.u32 v24, v30;
	v27 =	vld [tilespmem:s0+$0x6410]  }
0x111: {  	v17 =	vor.u32 $0x3, v24;
	v33 =	vadd.s32 v3, v8;
	v34 =	vor.u32 v24, v32;
	v23 =	vld [tilespmem:s0+$0x64A0]  }
0x112: {  	v36 =	vor.u32 $0x1, v24;
	v10 =	vor.u32 v17, v25;
	v35 =	vor.u32 v24, v33;
	v28 =	vld [tilespmem:s0+$0x6480]  }
0x113: {  	v11 =	vor.u32 v17, v30;
	v12 =	vor.u32 v17, v32;
	v20 =	vor.u32 v36, v25;
	v19 =	vld [tilespmem:s0+$0x6530]  }
0x114: {  	v63 =	vor.u32 $0x2, v24;
	v8 =	vor.u32 v17, v33;
	v17 =	vld [tilespmem:s0+$0x65A0];
	[tilespmem:v21+s20+$0x0] =	vst.idx.msk $0xffff, v22;
	v21 =	vor.u32 v36, v30  }
0x115: {  	v18 =	vor.u32 v36, v32;
	v24 =	vor.u32 v63, v25;
	[tilespmem:v31+s20+$0x0] =	vst.idx.msk $0xffff, v27  }
0x116: {  	v25 =	vor.u32 v63, v30;
	v22 =	vor.u32 v36, v33;
	[tilespmem:v34+s20+$0x0] =	vst.idx.msk $0xffff, v26  }
0x117: {  	s30 =	simm.s32 $0x800;
	v27 =	vor.u32 v63, v33;
	v26 =	vor.u32 v63, v32;
	[tilespmem:v35+s20+$0x0] =	vst.idx.msk $0xffff, v29  }
.LBB2_11:
0x118: {  	p0 =	sne.s32 s30, $0xF800;
	[tilespmem:v20+s20+$0x0] =	vst.idx.msk $0xffff, v28;
	v5 =	vadd.s32 $0x4, v5;
	s0 =	smov.u32 s30;
	s30 =	sadd.s32 $0x800, s30  }
0x119: {  	[tilespmem:v21+s20+$0x0] =	vst.idx.msk $0xffff, v13  }
0x11a: {  	[tilespmem:v18+s20+$0x0] =	vst.idx.msk $0xffff, v23  }
0x11b: {  	[tilespmem:v22+s20+$0x0] =	vst.idx.msk $0xffff, v14  }
0x11c: {  	[tilespmem:v24+s20+$0x0] =	vst.idx.msk $0xffff, v6  }
0x11d: {  	[tilespmem:v25+s20+$0x0] =	vst.idx.msk $0xffff, v16  }
0x11e: {  	[tilespmem:v26+s20+$0x0] =	vst.idx.msk $0xffff, v15  }
0x11f: {  	[tilespmem:v27+s20+$0x0] =	vst.idx.msk $0xffff, v19  }
0x120: {  	[tilespmem:v10+s20+$0x0] =	vst.idx.msk $0xffff, v9  }
0x121: {  	[tilespmem:v11+s20+$0x0] =	vst.idx.msk $0xffff, v7  }
0x122: {  	v19 =	vand.u32 $0x4, v5;
	v7 =	vand.u32 $0xFFFFFFF8, v5;
	[tilespmem:v12+s20+$0x0] =	vst.idx.msk $0xffff, v17  }
0x123: {  	s0 =	sshra.s32 s0, $0x2;
	v9 =	vor.u32 $0x3, v19;
	v17 =	vadd.s32 v0, v7;
	v23 =	vadd.s32 v1, v7;
	[tilespmem:v8+s20+$0x0] =	vst.idx.msk $0xffff, v4  }
0x124: {  	v27 =	vadd.s32 v3, v7;
	v29 =	vor.u32 v19, v17;
	v10 =	vor.u32 v9, v17;
	v4 =	vld [tilespmem:s0+$0x65B0]  }
0x125: {  	v26 =	vadd.s32 v2, v7;
	v30 =	vor.u32 v19, v23;
	v11 =	vor.u32 v9, v23;
	v6 =	vld [tilespmem:s0+$0x6500]  }
0x126: {  	v31 =	vor.u32 v19, v26;
	v12 =	vor.u32 v9, v26;
	v8 =	vor.u32 v9, v27;
	v13 =	vld [tilespmem:s0+$0x6490]  }
0x127: {  	v22 =	vor.u32 $0x1, v19;
	v32 =	vor.u32 v19, v27;
	v14 =	vld [tilespmem:s0+$0x64B0]  }
0x128: {  	v20 =	vor.u32 v22, v17;
	v18 =	vor.u32 v22, v26;
	v7 =	vld [tilespmem:s0+$0x6590]  }
0x129: {  	v21 =	vor.u32 v22, v23;
	v9 =	vld [tilespmem:s0+$0x6580]  }
0x12a: {  	v15 =	vld [tilespmem:s0+$0x6520]  }
0x12b: {  	v22 =	vor.u32 v22, v27;
	v19 =	vor.u32 $0x2, v19;
	v16 =	vld [tilespmem:s0+$0x6510]  }
0x12c: {  	v24 =	vor.u32 v19, v17;
	v33 =	vld [tilespmem:s0+$0x6430]  }
0x12d: {  	v25 =	vor.u32 v19, v23;
	v34 =	vld [tilespmem:s0+$0x6420]  }
0x12e: {  	v26 =	vor.u32 v19, v26;
	v35 =	vld [tilespmem:s0+$0x6410]  }
0x12f: {  	v27 =	vor.u32 v19, v27;
	v36 =	vld [tilespmem:s0+$0x6400]  }
0x130: {  	v23 =	vld [tilespmem:s0+$0x64A0]  }
0x131: {  	v28 =	vld [tilespmem:s0+$0x6480]  }
0x132: {  	v19 =	vld [tilespmem:s0+$0x6530]  }
.Ltmp4:
0x133: {  	v17 =	vld [tilespmem:s0+$0x65A0];
	(pc) =	sbr.rel @p0 .LBB2_11-.Ltmp4, $4  }
0x134: {  	[tilespmem:v29+s20+$0x0] =	vst.idx.msk $0xffff, v36  }
0x135: {  	[tilespmem:v30+s20+$0x0] =	vst.idx.msk $0xffff, v35  }
0x136: {  	[tilespmem:v31+s20+$0x0] =	vst.idx.msk $0xffff, v34  }
0x137: {  	[tilespmem:v32+s20+$0x0] =	vst.idx.msk $0xffff, v33  }
0x138: {  	_ =	sdelay $0x3  }
0x139: {  	[tilespmem:v20+s20+$0x0] =	vst.idx.msk $0xffff, v28  }
0x13a: {  	[tilespmem:v21+s20+$0x0] =	vst.idx.msk $0xffff, v13  }
0x13b: {  	[tilespmem:v18+s20+$0x0] =	vst.idx.msk $0xffff, v23  }
0x13c: {  	[tilespmem:v22+s20+$0x0] =	vst.idx.msk $0xffff, v14  }
0x13d: {  	[tilespmem:v24+s20+$0x0] =	vst.idx.msk $0xffff, v6  }
0x13e: {  	[tilespmem:v25+s20+$0x0] =	vst.idx.msk $0xffff, v16  }
0x13f: {  	[tilespmem:v26+s20+$0x0] =	vst.idx.msk $0xffff, v15  }
0x140: {  	[tilespmem:v27+s20+$0x0] =	vst.idx.msk $0xffff, v19  }
0x141: {  	s30 =	sshll.u32 s29, $0x13;
	[tilespmem:v10+s20+$0x0] =	vst.idx.msk $0xffff, v9  }
0x142: {  	s0 =	sadd.s32 s8, s30;
	[tilespmem:v11+s20+$0x0] =	vst.idx.msk $0xffff, v7  }
0x143: {  	s0 =	sshrl.u32 s0, $0x3;
	[tilespmem:v12+s20+$0x0] =	vst.idx.msk $0xffff, v17  }
0x144: {  	s1 =	simm.s32 $0xE400;
	s31 =	sadd.s32 s2, s0;
	[tilespmem:v8+s20+$0x0] =	vst.idx.msk $0xffff, v4  }
0x145: {  	[hbm4b:s31+s3] =	stream.linear.scatter [tilespmem:s1], [sflag:$0x3], $0x80, $0x38;
	[tilespmem:$0x12800] =	vst v63  }
0x146: {  	s13 =	simm.s32 $0xE488;
	s1 =	sadd.s32 $0x10, s31  }
0x147: {  	[hbm4b:s1+s3] =	stream.linear.scatter [tilespmem:s13], [sflag:$0x3], $0x80, $0x38;
	[tilespmem:$0x12800] =	vst v63  }
0x148: {  	s14 =	simm.s32 $0xE510;
	s21 =	sadd.s32 $0x20, s31  }
0x149: {  	[hbm4b:s21+s3] =	stream.linear.scatter [tilespmem:s14], [sflag:$0x3], $0x80, $0x38;
	[tilespmem:$0x12800] =	vst v63  }
0x14a: {  	s1 =	simm.s32 $0xE598;
	s13 =	sadd.s32 $0x30, s31  }
0x14b: {  	[hbm4b:s13+s3] =	stream.linear.scatter [tilespmem:s1], [sflag:$0x3], $0x80, $0x38;
	[tilespmem:$0x12800] =	vst v63  }
0x14c: {  	s14 =	simm.s32 $0xE620;
	s21 =	sadd.s32 $0x40, s31  }
0x14d: {  	[hbm4b:s21+s3] =	stream.linear.scatter [tilespmem:s14], [sflag:$0x3], $0x80, $0x38;
	[tilespmem:$0x12800] =	vst v63  }
0x14e: {  	s0 =	simm.s32 $0x440;
	s1 =	simm.s32 $0xE6A8;
	s13 =	sadd.s32 $0x50, s31  }
0x14f: {  	[hbm4b:s13+s3] =	stream.linear.scatter [tilespmem:s1], [sflag:$0x3], $0x80, $0x38;
	[tilespmem:$0x12800] =	vst v63  }
0x150: {  	s14 =	simm.s32 $0xE730;
	s21 =	sadd.s32 $0x60, s31;
	s1 =	simm.s32 $0x2200  }
0x151: {  	[hbm4b:s21+s3] =	stream.linear.scatter [tilespmem:s14], [sflag:$0x3], $0x80, $0x38;
	[tilespmem:$0x12800] =	vst v63  }
0x152: {  	s13 =	simm.s32 $0xE7B8;
	s14 =	sadd.s32 $0x70, s31;
	s31 =	sadd.s32 $0x1000, s31  }
.LBB2_13:
0x153: {  	[hbm4b:s14+s3] =	stream.linear.scatter [tilespmem:s13], [sflag:$0x3], $0x80, $0x38;
	[tilespmem:$0x12800] =	vst v63  }
0x154: {  	s13 =	smov.u32 s0;
	s0 =	smov.u32 s1  }
0x155: {  	s21 =	sadd.s32 $0x1100, s1;
	s0 =	sshra.s32 s0, $0x2;
	s14 =	sadd.s32 $0xE400, s13  }
0x156: {  	[hbm4b:s31+s3] =	stream.linear.scatter [tilespmem:s14], [sflag:$0x3], $0x80, $0x38;
	[tilespmem:$0x12800] =	vst v63  }
0x157: {  	p0 =	sne.s32 s1, $0x7700;
	s1 =	sadd.s32 $0xE488, s13;
	s14 =	sadd.s32 $0x10, s31  }
0x158: {  	[hbm4b:s14+s3] =	stream.linear.scatter [tilespmem:s1], [sflag:$0x3], $0x80, $0x38;
	[tilespmem:$0x12800] =	vst v63  }
0x159: {  	s1 =	sadd.s32 $0xE510, s13;
	s14 =	sadd.s32 $0x20, s31  }
0x15a: {  	[hbm4b:s14+s3] =	stream.linear.scatter [tilespmem:s1], [sflag:$0x3], $0x80, $0x38;
	[tilespmem:$0x12800] =	vst v63  }
0x15b: {  	s1 =	sadd.s32 $0xE598, s13;
	s14 =	sadd.s32 $0x30, s31  }
0x15c: {  	[hbm4b:s14+s3] =	stream.linear.scatter [tilespmem:s1], [sflag:$0x3], $0x80, $0x38;
	[tilespmem:$0x12800] =	vst v63  }
0x15d: {  	s1 =	sadd.s32 $0xE620, s13;
	s14 =	sadd.s32 $0x40, s31  }
0x15e: {  	[hbm4b:s14+s3] =	stream.linear.scatter [tilespmem:s1], [sflag:$0x3], $0x80, $0x38;
	[tilespmem:$0x12800] =	vst v63  }
.Ltmp5:
0x15f: {  	s1 =	sadd.s32 $0xE6A8, s13;
	s14 =	sadd.s32 $0x50, s31;
	(pc) =	sbr.rel @p0 .LBB2_13-.Ltmp5, $4  }
0x160: {  	[hbm4b:s14+s3] =	stream.linear.scatter [tilespmem:s1], [sflag:$0x3], $0x80, $0x38;
	[tilespmem:$0x12800] =	vst v63  }
0x161: {  	s1 =	sadd.s32 $0xE730, s13;
	s14 =	sadd.s32 $0x60, s31;
	s13 =	sadd.s32 $0xE7B8, s13  }
0x162: {  	[hbm4b:s14+s3] =	stream.linear.scatter [tilespmem:s1], [sflag:$0x3], $0x80, $0x38;
	[tilespmem:$0x12800] =	vst v63  }
0x163: {  	s14 =	sadd.s32 $0x70, s31;
	s31 =	sadd.s32 $0x1000, s31;
	s1 =	smov.u32 s21  }
0x164: {  	[hbm4b:s14+s3] =	stream.linear.scatter [tilespmem:s13], [sflag:$0x3], $0x80, $0x38;
	[tilespmem:$0x12800] =	vst v63  }
0x165: {  	s1 =	sadd.s32 $0xE400, s0  }
0x166: {  	[hbm4b:s31+s3] =	stream.linear.scatter [tilespmem:s1], [sflag:$0x3], $0x80, $0x38;
	[tilespmem:$0x12800] =	vst v63  }
0x167: {  	s14 =	sadd.s32 $0xE488, s0;
	s21 =	sadd.s32 $0x10, s31  }
0x168: {  	[hbm4b:s21+s3] =	stream.linear.scatter [tilespmem:s14], [sflag:$0x3], $0x80, $0x38;
	[tilespmem:$0x12800] =	vst v63  }
0x169: {  	s14 =	sadd.s32 $0xE510, s0;
	s21 =	sadd.s32 $0x20, s31  }
0x16a: {  	[hbm4b:s21+s3] =	stream.linear.scatter [tilespmem:s14], [sflag:$0x3], $0x80, $0x38;
	[tilespmem:$0x12800] =	vst v63  }
0x16b: {  	s14 =	sadd.s32 $0xE598, s0;
	s21 =	sadd.s32 $0x30, s31  }
0x16c: {  	[hbm4b:s21+s3] =	stream.linear.scatter [tilespmem:s14], [sflag:$0x3], $0x80, $0x38;
	[tilespmem:$0x12800] =	vst v63  }
0x16d: {  	s14 =	sadd.s32 $0xE620, s0;
	s21 =	sadd.s32 $0x40, s31  }
0x16e: {  	[hbm4b:s21+s3] =	stream.linear.scatter [tilespmem:s14], [sflag:$0x3], $0x80, $0x38;
	[tilespmem:$0x12800] =	vst v63  }
0x16f: {  	s14 =	sadd.s32 $0xE6A8, s0;
	s21 =	sadd.s32 $0x50, s31  }
0x170: {  	[hbm4b:s21+s3] =	stream.linear.scatter [tilespmem:s14], [sflag:$0x3], $0x80, $0x38;
	[tilespmem:$0x12800] =	vst v63  }
0x171: {  	s14 =	sadd.s32 $0xE730, s0;
	s21 =	sadd.s32 $0x60, s31  }
0x172: {  	[hbm4b:s21+s3] =	stream.linear.scatter [tilespmem:s14], [sflag:$0x3], $0x80, $0x38;
	[tilespmem:$0x12800] =	vst v63  }
0x173: {  	s14 =	sshll.u32 s29, $0x8  }
0x174: {  	s13 =	sadd.s32 $0x70, s31;
	s1 =	sadd.s32 $0xE7B8, s0;
	s0 =	sadd.s32 $0x200, s14  }
0x175: {  	[hbm4b:s13+s3] =	stream.linear.scatter [tilespmem:s1], [sflag:$0x3], $0x80, $0x38;
	[tilespmem:$0x12800] =	vst v63  }
0x176: {  	s0 =	sand.u32 $0xFF00, s0  }
0x177: {  	[tilespmem:s17], [sflag:$0x1] =	stream.indirect.gather [hbm4b:s4+s16], $0x80, s0, s16, $0xb8;
	[tilespmem:$0x12800] =	vst v63  }
0x178: {  	_ =	swait.ge [sflag:s22], $0x4000  }
0x179: {  	[sflag:s22] =	ssyncset.done $0x0  }
0x17a: {  	[sflag:s22] =	ssyncadd.s32 $0xFFFFC000  }
0x17b: {  	_ =	swait.ge [sflag:s26], $0x2000  }
0x17c: {  	[sflag:s26] =	ssyncset.done $0x0  }
0x17d: {  	s21 =	simm.s32 $0x0;
	[sflag:s26] =	ssyncadd.s32 $0xFFFFE000  }
0x17e: {  	v4 =	vld [tilespmem:s21+$0xA5B0]  }
0x17f: {  	v6 =	vld [tilespmem:s21+$0xA500]  }
0x180: {  	v13 =	vld [tilespmem:s21+$0xA490]  }
0x181: {  	v14 =	vld [tilespmem:s21+$0xA4B0]  }
0x182: {  	v7 =	vld [tilespmem:s21+$0xA590]  }
0x183: {  	v9 =	vld [tilespmem:s21+$0xA580]  }
0x184: {  	v15 =	vld [tilespmem:s21+$0xA520]  }
0x185: {  	v5 =	vimm.s32 $0x0;
	v16 =	vld [tilespmem:s21+$0xA510]  }
0x186: {  	v8 =	vand.u32 $0xFFFFFFF8, v5;
	v29 =	vld [tilespmem:s21+$0xA430]  }
0x187: {  	v24 =	vand.u32 $0x4, v5;
	v25 =	vadd.s32 v0, v8;
	v26 =	vld [tilespmem:s21+$0xA420]  }
0x188: {  	v30 =	vadd.s32 v1, v8;
	v21 =	vor.u32 v24, v25;
	v22 =	vld [tilespmem:s21+$0xA400]  }
0x189: {  	v32 =	vadd.s32 v2, v8;
	v31 =	vor.u32 v24, v30;
	v27 =	vld [tilespmem:s21+$0xA410]  }
0x18a: {  	v17 =	vor.u32 $0x3, v24;
	v33 =	vadd.s32 v3, v8;
	v34 =	vor.u32 v24, v32;
	v23 =	vld [tilespmem:s21+$0xA4A0]  }
0x18b: {  	v36 =	vor.u32 $0x1, v24;
	v10 =	vor.u32 v17, v25;
	v35 =	vor.u32 v24, v33;
	v28 =	vld [tilespmem:s21+$0xA480]  }
0x18c: {  	v11 =	vor.u32 v17, v30;
	v12 =	vor.u32 v17, v32;
	v20 =	vor.u32 v36, v25;
	v19 =	vld [tilespmem:s21+$0xA530]  }
0x18d: {  	v63 =	vor.u32 $0x2, v24;
	v8 =	vor.u32 v17, v33;
	v18 =	vld [tilespmem:s21+$0xA5A0];
	[tilespmem:v21+s23+$0x0] =	vst.idx.msk $0xffff, v22;
	v21 =	vor.u32 v36, v30  }
0x18e: {  	v17 =	vor.u32 v36, v32;
	v24 =	vor.u32 v63, v25;
	[tilespmem:v31+s23+$0x0] =	vst.idx.msk $0xffff, v27  }
0x18f: {  	v25 =	vor.u32 v63, v30;
	v22 =	vor.u32 v36, v33;
	[tilespmem:v34+s23+$0x0] =	vst.idx.msk $0xffff, v26  }
0x190: {  	s31 =	sshll.u32 s29, $0x1;
	s0 =	simm.s32 $0x800;
	v27 =	vor.u32 v63, v33;
	v26 =	vor.u32 v63, v32;
	[tilespmem:v35+s23+$0x0] =	vst.idx.msk $0xffff, v29  }
.LBB2_15:
0x191: {  	p0 =	sne.s32 s0, $0xF800;
	[tilespmem:v20+s23+$0x0] =	vst.idx.msk $0xffff, v28;
	v5 =	vadd.s32 $0x4, v5;
	s1 =	smov.u32 s0;
	s0 =	sadd.s32 $0x800, s0  }
0x192: {  	[tilespmem:v21+s23+$0x0] =	vst.idx.msk $0xffff, v13  }
0x193: {  	[tilespmem:v17+s23+$0x0] =	vst.idx.msk $0xffff, v23  }
0x194: {  	[tilespmem:v22+s23+$0x0] =	vst.idx.msk $0xffff, v14  }
0x195: {  	[tilespmem:v24+s23+$0x0] =	vst.idx.msk $0xffff, v6  }
0x196: {  	[tilespmem:v25+s23+$0x0] =	vst.idx.msk $0xffff, v16  }
0x197: {  	[tilespmem:v26+s23+$0x0] =	vst.idx.msk $0xffff, v15  }
0x198: {  	[tilespmem:v27+s23+$0x0] =	vst.idx.msk $0xffff, v19  }
0x199: {  	[tilespmem:v10+s23+$0x0] =	vst.idx.msk $0xffff, v9  }
0x19a: {  	[tilespmem:v11+s23+$0x0] =	vst.idx.msk $0xffff, v7  }
0x19b: {  	v19 =	vand.u32 $0x4, v5;
	v7 =	vand.u32 $0xFFFFFFF8, v5;
	[tilespmem:v12+s23+$0x0] =	vst.idx.msk $0xffff, v18  }
0x19c: {  	s1 =	sshra.s32 s1, $0x2;
	v9 =	vor.u32 $0x3, v19;
	v18 =	vadd.s32 v0, v7;
	v23 =	vadd.s32 v1, v7;
	[tilespmem:v8+s23+$0x0] =	vst.idx.msk $0xffff, v4  }
0x19d: {  	v27 =	vadd.s32 v3, v7;
	v29 =	vor.u32 v19, v18;
	v10 =	vor.u32 v9, v18;
	v4 =	vld [tilespmem:s1+$0xA5B0]  }
0x19e: {  	v26 =	vadd.s32 v2, v7;
	v30 =	vor.u32 v19, v23;
	v11 =	vor.u32 v9, v23;
	v6 =	vld [tilespmem:s1+$0xA500]  }
0x19f: {  	v31 =	vor.u32 v19, v26;
	v12 =	vor.u32 v9, v26;
	v8 =	vor.u32 v9, v27;
	v13 =	vld [tilespmem:s1+$0xA490]  }
0x1a0: {  	v22 =	vor.u32 $0x1, v19;
	v32 =	vor.u32 v19, v27;
	v14 =	vld [tilespmem:s1+$0xA4B0]  }
0x1a1: {  	v20 =	vor.u32 v22, v18;
	v17 =	vor.u32 v22, v26;
	v7 =	vld [tilespmem:s1+$0xA590]  }
0x1a2: {  	v21 =	vor.u32 v22, v23;
	v9 =	vld [tilespmem:s1+$0xA580]  }
0x1a3: {  	v15 =	vld [tilespmem:s1+$0xA520]  }
0x1a4: {  	v22 =	vor.u32 v22, v27;
	v19 =	vor.u32 $0x2, v19;
	v16 =	vld [tilespmem:s1+$0xA510]  }
0x1a5: {  	v24 =	vor.u32 v19, v18;
	v33 =	vld [tilespmem:s1+$0xA430]  }
0x1a6: {  	v25 =	vor.u32 v19, v23;
	v34 =	vld [tilespmem:s1+$0xA420]  }
0x1a7: {  	v26 =	vor.u32 v19, v26;
	v35 =	vld [tilespmem:s1+$0xA410]  }
0x1a8: {  	v27 =	vor.u32 v19, v27;
	v36 =	vld [tilespmem:s1+$0xA400]  }
0x1a9: {  	v23 =	vld [tilespmem:s1+$0xA4A0]  }
0x1aa: {  	v28 =	vld [tilespmem:s1+$0xA480]  }
0x1ab: {  	v19 =	vld [tilespmem:s1+$0xA530]  }
.Ltmp6:
0x1ac: {  	v18 =	vld [tilespmem:s1+$0xA5A0];
	(pc) =	sbr.rel @p0 .LBB2_15-.Ltmp6, $4  }
0x1ad: {  	[tilespmem:v29+s23+$0x0] =	vst.idx.msk $0xffff, v36  }
0x1ae: {  	[tilespmem:v30+s23+$0x0] =	vst.idx.msk $0xffff, v35  }
0x1af: {  	[tilespmem:v31+s23+$0x0] =	vst.idx.msk $0xffff, v34  }
0x1b0: {  	[tilespmem:v32+s23+$0x0] =	vst.idx.msk $0xffff, v33  }
0x1b1: {  	_ =	sdelay $0x3  }
0x1b2: {  	[tilespmem:v20+s23+$0x0] =	vst.idx.msk $0xffff, v28  }
0x1b3: {  	[tilespmem:v21+s23+$0x0] =	vst.idx.msk $0xffff, v13  }
0x1b4: {  	[tilespmem:v17+s23+$0x0] =	vst.idx.msk $0xffff, v23  }
0x1b5: {  	[tilespmem:v22+s23+$0x0] =	vst.idx.msk $0xffff, v14  }
0x1b6: {  	[tilespmem:v24+s23+$0x0] =	vst.idx.msk $0xffff, v6  }
0x1b7: {  	[tilespmem:v25+s23+$0x0] =	vst.idx.msk $0xffff, v16  }
0x1b8: {  	[tilespmem:v26+s23+$0x0] =	vst.idx.msk $0xffff, v15  }
0x1b9: {  	[tilespmem:v27+s23+$0x0] =	vst.idx.msk $0xffff, v19  }
0x1ba: {  	[tilespmem:v10+s23+$0x0] =	vst.idx.msk $0xffff, v9  }
0x1bb: {  	s0 =	sadd.s32 s9, s30;
	[tilespmem:v11+s23+$0x0] =	vst.idx.msk $0xffff, v7  }
0x1bc: {  	s0 =	sshrl.u32 s0, $0x3;
	[tilespmem:v12+s23+$0x0] =	vst.idx.msk $0xffff, v18  }
0x1bd: {  	s13 =	simm.s32 $0x10600;
	s21 =	sadd.s32 s2, s0;
	[tilespmem:v8+s23+$0x0] =	vst.idx.msk $0xffff, v4  }
0x1be: {  	[hbm4b:s21+s3] =	stream.linear.scatter [tilespmem:s13], [sflag:$0x4], $0x80, $0x38;
	[tilespmem:$0x12800] =	vst v63  }
0x1bf: {  	s14 =	simm.s32 $0x10688;
	s1 =	sadd.s32 $0x10, s21  }
0x1c0: {  	[hbm4b:s1+s3] =	stream.linear.scatter [tilespmem:s14], [sflag:$0x4], $0x80, $0x38;
	[tilespmem:$0x12800] =	vst v63  }
0x1c1: {  	s13 =	simm.s32 $0x10710;
	s14 =	sadd.s32 $0x20, s21  }
0x1c2: {  	[hbm4b:s14+s3] =	stream.linear.scatter [tilespmem:s13], [sflag:$0x4], $0x80, $0x38;
	[tilespmem:$0x12800] =	vst v63  }
0x1c3: {  	s13 =	simm.s32 $0x10798;
	s14 =	sadd.s32 $0x30, s21  }
0x1c4: {  	[hbm4b:s14+s3] =	stream.linear.scatter [tilespmem:s13], [sflag:$0x4], $0x80, $0x38;
	[tilespmem:$0x12800] =	vst v63  }
0x1c5: {  	s13 =	simm.s32 $0x10820;
	s14 =	sadd.s32 $0x40, s21  }
0x1c6: {  	[hbm4b:s14+s3] =	stream.linear.scatter [tilespmem:s13], [sflag:$0x4], $0x80, $0x38;
	[tilespmem:$0x12800] =	vst v63  }
0x1c7: {  	s0 =	simm.s32 $0x440;
	s13 =	simm.s32 $0x108A8;
	s14 =	sadd.s32 $0x50, s21  }
0x1c8: {  	[hbm4b:s14+s3] =	stream.linear.scatter [tilespmem:s13], [sflag:$0x4], $0x80, $0x38;
	[tilespmem:$0x12800] =	vst v63  }
0x1c9: {  	s30 =	sadd.s32 $0x1000, s21;
	s13 =	simm.s32 $0x10930;
	s14 =	sadd.s32 $0x60, s21  }
0x1ca: {  	[hbm4b:s14+s3] =	stream.linear.scatter [tilespmem:s13], [sflag:$0x4], $0x80, $0x38;
	[tilespmem:$0x12800] =	vst v63  }
0x1cb: {  	s1 =	simm.s32 $0x2200;
	s13 =	simm.s32 $0x109B8;
	s14 =	sadd.s32 $0x70, s21  }
.LBB2_17:
0x1cc: {  	[hbm4b:s14+s3] =	stream.linear.scatter [tilespmem:s13], [sflag:$0x4], $0x80, $0x38;
	[tilespmem:$0x12800] =	vst v63  }
0x1cd: {  	s13 =	smov.u32 s0;
	s0 =	smov.u32 s1  }
0x1ce: {  	s21 =	sadd.s32 $0x1100, s1;
	s0 =	sshra.s32 s0, $0x2;
	s14 =	sadd.s32 $0x10600, s13  }
0x1cf: {  	[hbm4b:s30+s3] =	stream.linear.scatter [tilespmem:s14], [sflag:$0x4], $0x80, $0x38;
	[tilespmem:$0x12800] =	vst v63  }
0x1d0: {  	p0 =	sne.s32 s1, $0x7700;
	s1 =	sadd.s32 $0x10688, s13;
	s14 =	sadd.s32 $0x10, s30  }
0x1d1: {  	[hbm4b:s14+s3] =	stream.linear.scatter [tilespmem:s1], [sflag:$0x4], $0x80, $0x38;
	[tilespmem:$0x12800] =	vst v63  }
0x1d2: {  	s1 =	sadd.s32 $0x10710, s13;
	s14 =	sadd.s32 $0x20, s30  }
0x1d3: {  	[hbm4b:s14+s3] =	stream.linear.scatter [tilespmem:s1], [sflag:$0x4], $0x80, $0x38;
	[tilespmem:$0x12800] =	vst v63  }
0x1d4: {  	s1 =	sadd.s32 $0x10798, s13;
	s14 =	sadd.s32 $0x30, s30  }
0x1d5: {  	[hbm4b:s14+s3] =	stream.linear.scatter [tilespmem:s1], [sflag:$0x4], $0x80, $0x38;
	[tilespmem:$0x12800] =	vst v63  }
0x1d6: {  	s1 =	sadd.s32 $0x10820, s13;
	s14 =	sadd.s32 $0x40, s30  }
0x1d7: {  	[hbm4b:s14+s3] =	stream.linear.scatter [tilespmem:s1], [sflag:$0x4], $0x80, $0x38;
	[tilespmem:$0x12800] =	vst v63  }
.Ltmp7:
0x1d8: {  	s1 =	sadd.s32 $0x108A8, s13;
	s14 =	sadd.s32 $0x50, s30;
	(pc) =	sbr.rel @p0 .LBB2_17-.Ltmp7, $4  }
0x1d9: {  	[hbm4b:s14+s3] =	stream.linear.scatter [tilespmem:s1], [sflag:$0x4], $0x80, $0x38;
	[tilespmem:$0x12800] =	vst v63  }
0x1da: {  	s1 =	sadd.s32 $0x10930, s13;
	s14 =	sadd.s32 $0x60, s30;
	s13 =	sadd.s32 $0x109B8, s13  }
0x1db: {  	[hbm4b:s14+s3] =	stream.linear.scatter [tilespmem:s1], [sflag:$0x4], $0x80, $0x38;
	[tilespmem:$0x12800] =	vst v63  }
0x1dc: {  	s14 =	sadd.s32 $0x70, s30;
	s30 =	sadd.s32 $0x1000, s30;
	s1 =	smov.u32 s21  }
0x1dd: {  	[hbm4b:s14+s3] =	stream.linear.scatter [tilespmem:s13], [sflag:$0x4], $0x80, $0x38;
	[tilespmem:$0x12800] =	vst v63  }
0x1de: {  	s1 =	sadd.s32 $0x10600, s0  }
0x1df: {  	[hbm4b:s30+s3] =	stream.linear.scatter [tilespmem:s1], [sflag:$0x4], $0x80, $0x38;
	[tilespmem:$0x12800] =	vst v63  }
0x1e0: {  	s14 =	sadd.s32 $0x10688, s0;
	s21 =	sadd.s32 $0x10, s30  }
0x1e1: {  	[hbm4b:s21+s3] =	stream.linear.scatter [tilespmem:s14], [sflag:$0x4], $0x80, $0x38;
	[tilespmem:$0x12800] =	vst v63  }
0x1e2: {  	s14 =	sadd.s32 $0x10710, s0;
	s21 =	sadd.s32 $0x20, s30  }
0x1e3: {  	[hbm4b:s21+s3] =	stream.linear.scatter [tilespmem:s14], [sflag:$0x4], $0x80, $0x38;
	[tilespmem:$0x12800] =	vst v63  }
0x1e4: {  	s14 =	sadd.s32 $0x10798, s0;
	s21 =	sadd.s32 $0x30, s30  }
0x1e5: {  	[hbm4b:s21+s3] =	stream.linear.scatter [tilespmem:s14], [sflag:$0x4], $0x80, $0x38;
	[tilespmem:$0x12800] =	vst v63  }
0x1e6: {  	s14 =	sadd.s32 $0x10820, s0;
	s21 =	sadd.s32 $0x40, s30  }
0x1e7: {  	[hbm4b:s21+s3] =	stream.linear.scatter [tilespmem:s14], [sflag:$0x4], $0x80, $0x38;
	[tilespmem:$0x12800] =	vst v63  }
0x1e8: {  	s29 =	sadd.s32 $0x1, s29;
	s14 =	sadd.s32 $0x108A8, s0;
	s21 =	sadd.s32 $0x50, s30  }
0x1e9: {  	[hbm4b:s21+s3] =	stream.linear.scatter [tilespmem:s14], [sflag:$0x4], $0x80, $0x38;
	[tilespmem:$0x12800] =	vst v63  }
0x1ea: {  	s13 =	sadd.s32 $0x10930, s0;
	p0 =	sne.s32 s29, $0x62;
	s14 =	sadd.s32 $0x60, s30  }
0x1eb: {  	[hbm4b:s14+s3] =	stream.linear.scatter [tilespmem:s13], [sflag:$0x4], $0x80, $0x38;
	[tilespmem:$0x12800] =	vst v63  }
.Ltmp8:
0x1ec: {  	s31 =	sshll.u32 s31, $0x7;
	(pc) =	sbr.rel @p0 .LBB2_10-.Ltmp8, $4  }
0x1ed: {  	s21 =	sadd.s32 $0x109B8, s0;
	s30 =	sadd.s32 $0x70, s30;
	s0 =	sadd.s32 $0x280, s31  }
0x1ee: {  	[hbm4b:s30+s3] =	stream.linear.scatter [tilespmem:s21], [sflag:$0x4], $0x80, $0x38;
	[tilespmem:$0x12800] =	vst v63  }
0x1ef: {  	s0 =	sand.u32 $0xFF80, s0  }
0x1f0: {  	[tilespmem:s18], [sflag:$0x2] =	stream.indirect.gather [hbm4b:s4+s16], $0x80, s0, s16, $0xb8;
	[tilespmem:$0x12800] =	vst v63  }
0x1f1: {  	_ =	swait.ge [sflag:s19], $0x4000  }
0x1f2: {  	[sflag:s19] =	ssyncset.done $0x0  }
0x1f3: {  	[sflag:s19] =	ssyncadd.s32 $0xFFFFC000  }
0x1f4: {  	_ =	swait.ge [sflag:s25], $0x2000  }
0x1f5: {  	[sflag:s25] =	ssyncset.done $0x0  }
0x1f6: {  	s0 =	simm.s32 $0x0;
	[sflag:s25] =	ssyncadd.s32 $0xFFFFE000  }
0x1f7: {  	v4 =	vld [tilespmem:s0+$0x65B0]  }
0x1f8: {  	v6 =	vld [tilespmem:s0+$0x6500]  }
0x1f9: {  	v12 =	vld [tilespmem:s0+$0x6490]  }
0x1fa: {  	v13 =	vld [tilespmem:s0+$0x64B0]  }
0x1fb: {  	v7 =	vld [tilespmem:s0+$0x6590]  }
0x1fc: {  	v8 =	vld [tilespmem:s0+$0x6580]  }
0x1fd: {  	v15 =	vld [tilespmem:s0+$0x6520]  }
0x1fe: {  	v5 =	vimm.s32 $0x0;
	v16 =	vld [tilespmem:s0+$0x6510]  }
0x1ff: {  	v9 =	vand.u32 $0xFFFFFFF8, v5;
	v29 =	vld [tilespmem:s0+$0x6430]  }
0x200: {  	v24 =	vand.u32 $0x4, v5;
	v25 =	vadd.s32 v0, v9;
	v26 =	vld [tilespmem:s0+$0x6420]  }
0x201: {  	v30 =	vadd.s32 v1, v9;
	v21 =	vor.u32 v24, v25;
	v22 =	vld [tilespmem:s0+$0x6400]  }
0x202: {  	v32 =	vadd.s32 v2, v9;
	v31 =	vor.u32 v24, v30;
	v27 =	vld [tilespmem:s0+$0x6410]  }
0x203: {  	v10 =	vor.u32 $0x3, v24;
	v33 =	vadd.s32 v3, v9;
	v34 =	vor.u32 v24, v32;
	v23 =	vld [tilespmem:s0+$0x64A0]  }
0x204: {  	v36 =	vor.u32 $0x1, v24;
	v9 =	vor.u32 v10, v25;
	v35 =	vor.u32 v24, v33;
	v28 =	vld [tilespmem:s0+$0x6480]  }
0x205: {  	v11 =	vor.u32 v10, v30;
	v14 =	vor.u32 v10, v32;
	v20 =	vor.u32 v36, v25;
	v19 =	vld [tilespmem:s0+$0x6530]  }
0x206: {  	v63 =	vor.u32 $0x2, v24;
	v10 =	vor.u32 v10, v33;
	v18 =	vld [tilespmem:s0+$0x65A0];
	[tilespmem:v21+s20+$0x0] =	vst.idx.msk $0xffff, v22;
	v21 =	vor.u32 v36, v30  }
0x207: {  	v17 =	vor.u32 v36, v32;
	v24 =	vor.u32 v63, v25;
	[tilespmem:v31+s20+$0x0] =	vst.idx.msk $0xffff, v27  }
0x208: {  	v25 =	vor.u32 v63, v30;
	v22 =	vor.u32 v36, v33;
	[tilespmem:v34+s20+$0x0] =	vst.idx.msk $0xffff, v26  }
0x209: {  	s0 =	simm.s32 $0x800;
	v27 =	vor.u32 v63, v33;
	v26 =	vor.u32 v63, v32;
	[tilespmem:v35+s20+$0x0] =	vst.idx.msk $0xffff, v29  }
.LBB2_20:
0x20a: {  	p0 =	sne.s32 s0, $0xF800;
	[tilespmem:v20+s20+$0x0] =	vst.idx.msk $0xffff, v28;
	v5 =	vadd.s32 $0x4, v5;
	s1 =	smov.u32 s0;
	s0 =	sadd.s32 $0x800, s0  }
0x20b: {  	[tilespmem:v21+s20+$0x0] =	vst.idx.msk $0xffff, v12  }
0x20c: {  	[tilespmem:v17+s20+$0x0] =	vst.idx.msk $0xffff, v23  }
0x20d: {  	[tilespmem:v22+s20+$0x0] =	vst.idx.msk $0xffff, v13  }
0x20e: {  	[tilespmem:v24+s20+$0x0] =	vst.idx.msk $0xffff, v6  }
0x20f: {  	[tilespmem:v25+s20+$0x0] =	vst.idx.msk $0xffff, v16  }
0x210: {  	[tilespmem:v26+s20+$0x0] =	vst.idx.msk $0xffff, v15  }
0x211: {  	[tilespmem:v27+s20+$0x0] =	vst.idx.msk $0xffff, v19  }
0x212: {  	[tilespmem:v9+s20+$0x0] =	vst.idx.msk $0xffff, v8  }
0x213: {  	[tilespmem:v11+s20+$0x0] =	vst.idx.msk $0xffff, v7  }
0x214: {  	v19 =	vand.u32 $0x4, v5;
	v7 =	vand.u32 $0xFFFFFFF8, v5;
	[tilespmem:v14+s20+$0x0] =	vst.idx.msk $0xffff, v18  }
0x215: {  	s1 =	sshra.s32 s1, $0x2;
	v8 =	vor.u32 $0x3, v19;
	v18 =	vadd.s32 v0, v7;
	v23 =	vadd.s32 v1, v7;
	[tilespmem:v10+s20+$0x0] =	vst.idx.msk $0xffff, v4  }
0x216: {  	v27 =	vadd.s32 v3, v7;
	v29 =	vor.u32 v19, v18;
	v9 =	vor.u32 v8, v18;
	v4 =	vld [tilespmem:s1+$0x65B0]  }
0x217: {  	v26 =	vadd.s32 v2, v7;
	v30 =	vor.u32 v19, v23;
	v11 =	vor.u32 v8, v23;
	v6 =	vld [tilespmem:s1+$0x6500]  }
0x218: {  	v31 =	vor.u32 v19, v26;
	v14 =	vor.u32 v8, v26;
	v10 =	vor.u32 v8, v27;
	v12 =	vld [tilespmem:s1+$0x6490]  }
0x219: {  	v22 =	vor.u32 $0x1, v19;
	v32 =	vor.u32 v19, v27;
	v13 =	vld [tilespmem:s1+$0x64B0]  }
0x21a: {  	v20 =	vor.u32 v22, v18;
	v17 =	vor.u32 v22, v26;
	v7 =	vld [tilespmem:s1+$0x6590]  }
0x21b: {  	v21 =	vor.u32 v22, v23;
	v8 =	vld [tilespmem:s1+$0x6580]  }
0x21c: {  	v15 =	vld [tilespmem:s1+$0x6520]  }
0x21d: {  	v22 =	vor.u32 v22, v27;
	v19 =	vor.u32 $0x2, v19;
	v16 =	vld [tilespmem:s1+$0x6510]  }
0x21e: {  	v24 =	vor.u32 v19, v18;
	v33 =	vld [tilespmem:s1+$0x6430]  }
0x21f: {  	v25 =	vor.u32 v19, v23;
	v34 =	vld [tilespmem:s1+$0x6420]  }
0x220: {  	v26 =	vor.u32 v19, v26;
	v35 =	vld [tilespmem:s1+$0x6410]  }
0x221: {  	v27 =	vor.u32 v19, v27;
	v36 =	vld [tilespmem:s1+$0x6400]  }
0x222: {  	v23 =	vld [tilespmem:s1+$0x64A0]  }
0x223: {  	v28 =	vld [tilespmem:s1+$0x6480]  }
0x224: {  	v19 =	vld [tilespmem:s1+$0x6530]  }
.Ltmp9:
0x225: {  	v18 =	vld [tilespmem:s1+$0x65A0];
	(pc) =	sbr.rel @p0 .LBB2_20-.Ltmp9, $4  }
0x226: {  	[tilespmem:v29+s20+$0x0] =	vst.idx.msk $0xffff, v36  }
0x227: {  	[tilespmem:v30+s20+$0x0] =	vst.idx.msk $0xffff, v35  }
0x228: {  	[tilespmem:v31+s20+$0x0] =	vst.idx.msk $0xffff, v34  }
0x229: {  	[tilespmem:v32+s20+$0x0] =	vst.idx.msk $0xffff, v33  }
0x22a: {  	_ =	sdelay $0x3  }
0x22b: {  	[tilespmem:v20+s20+$0x0] =	vst.idx.msk $0xffff, v28  }
0x22c: {  	[tilespmem:v21+s20+$0x0] =	vst.idx.msk $0xffff, v12  }
0x22d: {  	[tilespmem:v17+s20+$0x0] =	vst.idx.msk $0xffff, v23  }
0x22e: {  	[tilespmem:v22+s20+$0x0] =	vst.idx.msk $0xffff, v13  }
0x22f: {  	[tilespmem:v24+s20+$0x0] =	vst.idx.msk $0xffff, v6  }
0x230: {  	[tilespmem:v25+s20+$0x0] =	vst.idx.msk $0xffff, v16  }
0x231: {  	[tilespmem:v26+s20+$0x0] =	vst.idx.msk $0xffff, v15  }
0x232: {  	[tilespmem:v27+s20+$0x0] =	vst.idx.msk $0xffff, v19  }
0x233: {  	[tilespmem:v9+s20+$0x0] =	vst.idx.msk $0xffff, v8  }
0x234: {  	[tilespmem:v11+s20+$0x0] =	vst.idx.msk $0xffff, v7  }
0x235: {  	[tilespmem:v14+s20+$0x0] =	vst.idx.msk $0xffff, v18  }
0x236: {  	s0 =	simm.s32 $0xE400;
	[tilespmem:v10+s20+$0x0] =	vst.idx.msk $0xffff, v4  }
0x237: {  	[hbm4b:s10+s3] =	stream.linear.scatter [tilespmem:s0], [sflag:$0x3], $0x80, $0x38;
	[tilespmem:$0x12800] =	vst v63  }
0x238: {  	s13 =	simm.s32 $0xE488;
	s1 =	sadd.s32 $0x10, s10  }
0x239: {  	[hbm4b:s1+s3] =	stream.linear.scatter [tilespmem:s13], [sflag:$0x3], $0x80, $0x38;
	[tilespmem:$0x12800] =	vst v63  }
0x23a: {  	s14 =	simm.s32 $0xE510;
	s21 =	sadd.s32 $0x20, s10;
	s30 =	simm.s32 $0xE598  }
0x23b: {  	[hbm4b:s21+s3] =	stream.linear.scatter [tilespmem:s14], [sflag:$0x3], $0x80, $0x38;
	[tilespmem:$0x12800] =	vst v63  }
0x23c: {  	s31 =	sadd.s32 $0x30, s10;
	s29 =	sadd.s32 $0x1000, s10;
	s0 =	simm.s32 $0x440  }
0x23d: {  	[hbm4b:s31+s3] =	stream.linear.scatter [tilespmem:s30], [sflag:$0x3], $0x80, $0x38;
	[tilespmem:$0x12800] =	vst v63  }
0x23e: {  	s1 =	simm.s32 $0xE620;
	s13 =	sadd.s32 $0x40, s10;
	s14 =	simm.s32 $0xE6A8  }
0x23f: {  	[hbm4b:s13+s3] =	stream.linear.scatter [tilespmem:s1], [sflag:$0x3], $0x80, $0x38;
	[tilespmem:$0x12800] =	vst v63  }
0x240: {  	s21 =	sadd.s32 $0x50, s10;
	s30 =	simm.s32 $0xE730;
	s31 =	sadd.s32 $0x60, s10  }
0x241: {  	[hbm4b:s21+s3] =	stream.linear.scatter [tilespmem:s14], [sflag:$0x3], $0x80, $0x38;
	[tilespmem:$0x12800] =	vst v63  }
0x242: {  	s1 =	simm.s32 $0x2200;
	s13 =	simm.s32 $0xE7B8;
	s14 =	sadd.s32 $0x70, s10  }
0x243: {  	[hbm4b:s31+s3] =	stream.linear.scatter [tilespmem:s30], [sflag:$0x3], $0x80, $0x38;
	[tilespmem:$0x12800] =	vst v63  }
.LBB2_22:
0x244: {  	[hbm4b:s14+s3] =	stream.linear.scatter [tilespmem:s13], [sflag:$0x3], $0x80, $0x38;
	[tilespmem:$0x12800] =	vst v63  }
0x245: {  	s13 =	smov.u32 s0;
	s0 =	smov.u32 s1  }
0x246: {  	s21 =	sadd.s32 $0x1100, s1;
	s0 =	sshra.s32 s0, $0x2;
	s14 =	sadd.s32 $0xE400, s13  }
0x247: {  	[hbm4b:s29+s3] =	stream.linear.scatter [tilespmem:s14], [sflag:$0x3], $0x80, $0x38;
	[tilespmem:$0x12800] =	vst v63  }
0x248: {  	p0 =	sne.s32 s1, $0x7700;
	s1 =	sadd.s32 $0xE488, s13;
	s14 =	sadd.s32 $0x10, s29  }
0x249: {  	[hbm4b:s14+s3] =	stream.linear.scatter [tilespmem:s1], [sflag:$0x3], $0x80, $0x38;
	[tilespmem:$0x12800] =	vst v63  }
0x24a: {  	s1 =	sadd.s32 $0xE510, s13;
	s14 =	sadd.s32 $0x20, s29  }
0x24b: {  	[hbm4b:s14+s3] =	stream.linear.scatter [tilespmem:s1], [sflag:$0x3], $0x80, $0x38;
	[tilespmem:$0x12800] =	vst v63  }
0x24c: {  	s1 =	sadd.s32 $0xE598, s13;
	s14 =	sadd.s32 $0x30, s29  }
0x24d: {  	[hbm4b:s14+s3] =	stream.linear.scatter [tilespmem:s1], [sflag:$0x3], $0x80, $0x38;
	[tilespmem:$0x12800] =	vst v63  }
0x24e: {  	s1 =	sadd.s32 $0xE620, s13;
	s14 =	sadd.s32 $0x40, s29  }
0x24f: {  	[hbm4b:s14+s3] =	stream.linear.scatter [tilespmem:s1], [sflag:$0x3], $0x80, $0x38;
	[tilespmem:$0x12800] =	vst v63  }
.Ltmp10:
0x250: {  	s1 =	sadd.s32 $0xE6A8, s13;
	s14 =	sadd.s32 $0x50, s29;
	(pc) =	sbr.rel @p0 .LBB2_22-.Ltmp10, $4  }
0x251: {  	[hbm4b:s14+s3] =	stream.linear.scatter [tilespmem:s1], [sflag:$0x3], $0x80, $0x38;
	[tilespmem:$0x12800] =	vst v63  }
0x252: {  	s1 =	sadd.s32 $0xE730, s13;
	s14 =	sadd.s32 $0x60, s29;
	s13 =	sadd.s32 $0xE7B8, s13  }
0x253: {  	[hbm4b:s14+s3] =	stream.linear.scatter [tilespmem:s1], [sflag:$0x3], $0x80, $0x38;
	[tilespmem:$0x12800] =	vst v63  }
0x254: {  	s14 =	sadd.s32 $0x70, s29;
	s29 =	sadd.s32 $0x1000, s29;
	s1 =	smov.u32 s21  }
0x255: {  	[hbm4b:s14+s3] =	stream.linear.scatter [tilespmem:s13], [sflag:$0x3], $0x80, $0x38;
	[tilespmem:$0x12800] =	vst v63  }
0x256: {  	s1 =	sadd.s32 $0xE400, s0  }
0x257: {  	[hbm4b:s29+s3] =	stream.linear.scatter [tilespmem:s1], [sflag:$0x3], $0x80, $0x38;
	[tilespmem:$0x12800] =	vst v63  }
0x258: {  	s30 =	sadd.s32 $0xE488, s0;
	s31 =	sadd.s32 $0x10, s29  }
0x259: {  	[hbm4b:s31+s3] =	stream.linear.scatter [tilespmem:s30], [sflag:$0x3], $0x80, $0x38;
	[tilespmem:$0x12800] =	vst v63  }
0x25a: {  	s14 =	sadd.s32 $0xE510, s0;
	s21 =	sadd.s32 $0x20, s29  }
0x25b: {  	[hbm4b:s21+s3] =	stream.linear.scatter [tilespmem:s14], [sflag:$0x3], $0x80, $0x38;
	[tilespmem:$0x12800] =	vst v63  }
0x25c: {  	s30 =	sadd.s32 $0xE598, s0;
	s31 =	sadd.s32 $0x30, s29  }
0x25d: {  	[hbm4b:s31+s3] =	stream.linear.scatter [tilespmem:s30], [sflag:$0x3], $0x80, $0x38;
	[tilespmem:$0x12800] =	vst v63  }
0x25e: {  	s14 =	sadd.s32 $0xE620, s0;
	s21 =	sadd.s32 $0x40, s29  }
0x25f: {  	[hbm4b:s21+s3] =	stream.linear.scatter [tilespmem:s14], [sflag:$0x3], $0x80, $0x38;
	[tilespmem:$0x12800] =	vst v63  }
0x260: {  	s30 =	sadd.s32 $0xE6A8, s0;
	s31 =	sadd.s32 $0x50, s29  }
0x261: {  	[hbm4b:s31+s3] =	stream.linear.scatter [tilespmem:s30], [sflag:$0x3], $0x80, $0x38;
	[tilespmem:$0x12800] =	vst v63  }
0x262: {  	s13 =	sadd.s32 $0xE730, s0;
	s14 =	sadd.s32 $0x60, s29  }
0x263: {  	[hbm4b:s14+s3] =	stream.linear.scatter [tilespmem:s13], [sflag:$0x3], $0x80, $0x38;
	[tilespmem:$0x12800] =	vst v63  }
0x264: {  	s21 =	sadd.s32 $0xE7B8, s0;
	s30 =	sadd.s32 $0x70, s29  }
0x265: {  	[hbm4b:s30+s3] =	stream.linear.scatter [tilespmem:s21], [sflag:$0x3], $0x80, $0x38;
	[tilespmem:$0x12800] =	vst v63  }
0x266: {  	_ =	swait.ge [sflag:s22], $0x4000  }
0x267: {  	[sflag:s22] =	ssyncset.done $0x0  }
0x268: {  	[sflag:s22] =	ssyncadd.s32 $0xFFFFC000  }
0x269: {  	_ =	swait.ge [sflag:s26], $0x2000  }
0x26a: {  	[sflag:s26] =	ssyncset.done $0x0  }
0x26b: {  	s31 =	simm.s32 $0x0;
	[sflag:s26] =	ssyncadd.s32 $0xFFFFE000  }
0x26c: {  	v4 =	vld [tilespmem:s31+$0xA5B0]  }
0x26d: {  	v6 =	vld [tilespmem:s31+$0xA500]  }
0x26e: {  	v12 =	vld [tilespmem:s31+$0xA490]  }
0x26f: {  	v13 =	vld [tilespmem:s31+$0xA4B0]  }
0x270: {  	v7 =	vld [tilespmem:s31+$0xA590]  }
0x271: {  	v8 =	vld [tilespmem:s31+$0xA580]  }
0x272: {  	v15 =	vld [tilespmem:s31+$0xA520]  }
0x273: {  	v5 =	vimm.s32 $0x0;
	v16 =	vld [tilespmem:s31+$0xA510]  }
0x274: {  	v9 =	vand.u32 $0xFFFFFFF8, v5;
	v29 =	vld [tilespmem:s31+$0xA430]  }
0x275: {  	v24 =	vand.u32 $0x4, v5;
	v25 =	vadd.s32 v0, v9;
	v26 =	vld [tilespmem:s31+$0xA420]  }
0x276: {  	v30 =	vadd.s32 v1, v9;
	v21 =	vor.u32 v24, v25;
	v22 =	vld [tilespmem:s31+$0xA400]  }
0x277: {  	v32 =	vadd.s32 v2, v9;
	v31 =	vor.u32 v24, v30;
	v27 =	vld [tilespmem:s31+$0xA410]  }
0x278: {  	v10 =	vor.u32 $0x3, v24;
	v33 =	vadd.s32 v3, v9;
	v34 =	vor.u32 v24, v32;
	v23 =	vld [tilespmem:s31+$0xA4A0]  }
0x279: {  	v36 =	vor.u32 $0x1, v24;
	v9 =	vor.u32 v10, v25;
	v35 =	vor.u32 v24, v33;
	v28 =	vld [tilespmem:s31+$0xA480]  }
0x27a: {  	v11 =	vor.u32 v10, v30;
	v14 =	vor.u32 v10, v32;
	v20 =	vor.u32 v36, v25;
	v19 =	vld [tilespmem:s31+$0xA530]  }
0x27b: {  	v63 =	vor.u32 $0x2, v24;
	v10 =	vor.u32 v10, v33;
	v18 =	vld [tilespmem:s31+$0xA5A0];
	[tilespmem:v21+s23+$0x0] =	vst.idx.msk $0xffff, v22;
	v21 =	vor.u32 v36, v30  }
0x27c: {  	v17 =	vor.u32 v36, v32;
	v24 =	vor.u32 v63, v25;
	[tilespmem:v31+s23+$0x0] =	vst.idx.msk $0xffff, v27  }
0x27d: {  	v25 =	vor.u32 v63, v30;
	v22 =	vor.u32 v36, v33;
	[tilespmem:v34+s23+$0x0] =	vst.idx.msk $0xffff, v26  }
0x27e: {  	s0 =	simm.s32 $0x800;
	v27 =	vor.u32 v63, v33;
	v26 =	vor.u32 v63, v32;
	[tilespmem:v35+s23+$0x0] =	vst.idx.msk $0xffff, v29  }
.LBB2_24:
0x27f: {  	p0 =	sne.s32 s0, $0xF800;
	[tilespmem:v20+s23+$0x0] =	vst.idx.msk $0xffff, v28;
	v5 =	vadd.s32 $0x4, v5;
	s1 =	smov.u32 s0;
	s0 =	sadd.s32 $0x800, s0  }
0x280: {  	[tilespmem:v21+s23+$0x0] =	vst.idx.msk $0xffff, v12  }
0x281: {  	[tilespmem:v17+s23+$0x0] =	vst.idx.msk $0xffff, v23  }
0x282: {  	[tilespmem:v22+s23+$0x0] =	vst.idx.msk $0xffff, v13  }
0x283: {  	[tilespmem:v24+s23+$0x0] =	vst.idx.msk $0xffff, v6  }
0x284: {  	[tilespmem:v25+s23+$0x0] =	vst.idx.msk $0xffff, v16  }
0x285: {  	[tilespmem:v26+s23+$0x0] =	vst.idx.msk $0xffff, v15  }
0x286: {  	[tilespmem:v27+s23+$0x0] =	vst.idx.msk $0xffff, v19  }
0x287: {  	[tilespmem:v9+s23+$0x0] =	vst.idx.msk $0xffff, v8  }
0x288: {  	[tilespmem:v11+s23+$0x0] =	vst.idx.msk $0xffff, v7  }
0x289: {  	v19 =	vand.u32 $0x4, v5;
	v7 =	vand.u32 $0xFFFFFFF8, v5;
	[tilespmem:v14+s23+$0x0] =	vst.idx.msk $0xffff, v18  }
0x28a: {  	s1 =	sshra.s32 s1, $0x2;
	v8 =	vor.u32 $0x3, v19;
	v18 =	vadd.s32 v0, v7;
	v23 =	vadd.s32 v1, v7;
	[tilespmem:v10+s23+$0x0] =	vst.idx.msk $0xffff, v4  }
0x28b: {  	v27 =	vadd.s32 v3, v7;
	v29 =	vor.u32 v19, v18;
	v9 =	vor.u32 v8, v18;
	v4 =	vld [tilespmem:s1+$0xA5B0]  }
0x28c: {  	v26 =	vadd.s32 v2, v7;
	v30 =	vor.u32 v19, v23;
	v11 =	vor.u32 v8, v23;
	v6 =	vld [tilespmem:s1+$0xA500]  }
0x28d: {  	v31 =	vor.u32 v19, v26;
	v14 =	vor.u32 v8, v26;
	v10 =	vor.u32 v8, v27;
	v12 =	vld [tilespmem:s1+$0xA490]  }
0x28e: {  	v22 =	vor.u32 $0x1, v19;
	v32 =	vor.u32 v19, v27;
	v13 =	vld [tilespmem:s1+$0xA4B0]  }
0x28f: {  	v20 =	vor.u32 v22, v18;
	v17 =	vor.u32 v22, v26;
	v7 =	vld [tilespmem:s1+$0xA590]  }
0x290: {  	v21 =	vor.u32 v22, v23;
	v8 =	vld [tilespmem:s1+$0xA580]  }
0x291: {  	v15 =	vld [tilespmem:s1+$0xA520]  }
0x292: {  	v22 =	vor.u32 v22, v27;
	v19 =	vor.u32 $0x2, v19;
	v16 =	vld [tilespmem:s1+$0xA510]  }
0x293: {  	v24 =	vor.u32 v19, v18;
	v33 =	vld [tilespmem:s1+$0xA430]  }
0x294: {  	v25 =	vor.u32 v19, v23;
	v34 =	vld [tilespmem:s1+$0xA420]  }
0x295: {  	v26 =	vor.u32 v19, v26;
	v35 =	vld [tilespmem:s1+$0xA410]  }
0x296: {  	v27 =	vor.u32 v19, v27;
	v36 =	vld [tilespmem:s1+$0xA400]  }
0x297: {  	v23 =	vld [tilespmem:s1+$0xA4A0]  }
0x298: {  	v28 =	vld [tilespmem:s1+$0xA480]  }
0x299: {  	v19 =	vld [tilespmem:s1+$0xA530]  }
.Ltmp11:
0x29a: {  	v18 =	vld [tilespmem:s1+$0xA5A0];
	(pc) =	sbr.rel @p0 .LBB2_24-.Ltmp11, $4  }
0x29b: {  	[tilespmem:v29+s23+$0x0] =	vst.idx.msk $0xffff, v36  }
0x29c: {  	[tilespmem:v30+s23+$0x0] =	vst.idx.msk $0xffff, v35  }
0x29d: {  	[tilespmem:v31+s23+$0x0] =	vst.idx.msk $0xffff, v34  }
0x29e: {  	[tilespmem:v32+s23+$0x0] =	vst.idx.msk $0xffff, v33  }
0x29f: {  	_ =	sdelay $0x3  }
0x2a0: {  	[tilespmem:v20+s23+$0x0] =	vst.idx.msk $0xffff, v28  }
0x2a1: {  	[tilespmem:v21+s23+$0x0] =	vst.idx.msk $0xffff, v12  }
0x2a2: {  	[tilespmem:v17+s23+$0x0] =	vst.idx.msk $0xffff, v23  }
0x2a3: {  	[tilespmem:v22+s23+$0x0] =	vst.idx.msk $0xffff, v13  }
0x2a4: {  	[tilespmem:v24+s23+$0x0] =	vst.idx.msk $0xffff, v6  }
0x2a5: {  	[tilespmem:v25+s23+$0x0] =	vst.idx.msk $0xffff, v16  }
0x2a6: {  	[tilespmem:v26+s23+$0x0] =	vst.idx.msk $0xffff, v15  }
0x2a7: {  	[tilespmem:v27+s23+$0x0] =	vst.idx.msk $0xffff, v19  }
0x2a8: {  	[tilespmem:v9+s23+$0x0] =	vst.idx.msk $0xffff, v8  }
0x2a9: {  	[tilespmem:v11+s23+$0x0] =	vst.idx.msk $0xffff, v7  }
0x2aa: {  	[tilespmem:v14+s23+$0x0] =	vst.idx.msk $0xffff, v18  }
0x2ab: {  	s0 =	simm.s32 $0x10600;
	[tilespmem:v10+s23+$0x0] =	vst.idx.msk $0xffff, v4  }
0x2ac: {  	[hbm4b:s11+s3] =	stream.linear.scatter [tilespmem:s0], [sflag:$0x4], $0x80, $0x38;
	[tilespmem:$0x12800] =	vst v63  }
0x2ad: {  	s13 =	simm.s32 $0x10688;
	s1 =	sadd.s32 $0x10, s11  }
0x2ae: {  	[hbm4b:s1+s3] =	stream.linear.scatter [tilespmem:s13], [sflag:$0x4], $0x80, $0x38;
	[tilespmem:$0x12800] =	vst v63  }
0x2af: {  	s14 =	simm.s32 $0x10710;
	s21 =	sadd.s32 $0x20, s11;
	s30 =	simm.s32 $0x10798  }
0x2b0: {  	[hbm4b:s21+s3] =	stream.linear.scatter [tilespmem:s14], [sflag:$0x4], $0x80, $0x38;
	[tilespmem:$0x12800] =	vst v63  }
0x2b1: {  	s31 =	sadd.s32 $0x30, s11;
	s29 =	sadd.s32 $0x1000, s11;
	s0 =	simm.s32 $0x440  }
0x2b2: {  	[hbm4b:s31+s3] =	stream.linear.scatter [tilespmem:s30], [sflag:$0x4], $0x80, $0x38;
	[tilespmem:$0x12800] =	vst v63  }
0x2b3: {  	s1 =	simm.s32 $0x10820;
	s13 =	sadd.s32 $0x40, s11;
	s14 =	simm.s32 $0x108A8  }
0x2b4: {  	[hbm4b:s13+s3] =	stream.linear.scatter [tilespmem:s1], [sflag:$0x4], $0x80, $0x38;
	[tilespmem:$0x12800] =	vst v63  }
0x2b5: {  	s21 =	sadd.s32 $0x50, s11;
	s30 =	simm.s32 $0x10930;
	s31 =	sadd.s32 $0x60, s11  }
0x2b6: {  	[hbm4b:s21+s3] =	stream.linear.scatter [tilespmem:s14], [sflag:$0x4], $0x80, $0x38;
	[tilespmem:$0x12800] =	vst v63  }
0x2b7: {  	s1 =	simm.s32 $0x2200;
	s13 =	simm.s32 $0x109B8;
	s14 =	sadd.s32 $0x70, s11  }
0x2b8: {  	[hbm4b:s31+s3] =	stream.linear.scatter [tilespmem:s30], [sflag:$0x4], $0x80, $0x38;
	[tilespmem:$0x12800] =	vst v63  }
.LBB2_26:
0x2b9: {  	[hbm4b:s14+s3] =	stream.linear.scatter [tilespmem:s13], [sflag:$0x4], $0x80, $0x38;
	[tilespmem:$0x12800] =	vst v63  }
0x2ba: {  	s13 =	smov.u32 s0;
	s0 =	smov.u32 s1  }
0x2bb: {  	s21 =	sadd.s32 $0x1100, s1;
	s0 =	sshra.s32 s0, $0x2;
	s14 =	sadd.s32 $0x10600, s13  }
0x2bc: {  	[hbm4b:s29+s3] =	stream.linear.scatter [tilespmem:s14], [sflag:$0x4], $0x80, $0x38;
	[tilespmem:$0x12800] =	vst v63  }
0x2bd: {  	p0 =	sne.s32 s1, $0x7700;
	s1 =	sadd.s32 $0x10688, s13;
	s14 =	sadd.s32 $0x10, s29  }
0x2be: {  	[hbm4b:s14+s3] =	stream.linear.scatter [tilespmem:s1], [sflag:$0x4], $0x80, $0x38;
	[tilespmem:$0x12800] =	vst v63  }
0x2bf: {  	s1 =	sadd.s32 $0x10710, s13;
	s14 =	sadd.s32 $0x20, s29  }
0x2c0: {  	[hbm4b:s14+s3] =	stream.linear.scatter [tilespmem:s1], [sflag:$0x4], $0x80, $0x38;
	[tilespmem:$0x12800] =	vst v63  }
0x2c1: {  	s1 =	sadd.s32 $0x10798, s13;
	s14 =	sadd.s32 $0x30, s29  }
0x2c2: {  	[hbm4b:s14+s3] =	stream.linear.scatter [tilespmem:s1], [sflag:$0x4], $0x80, $0x38;
	[tilespmem:$0x12800] =	vst v63  }
0x2c3: {  	s1 =	sadd.s32 $0x10820, s13;
	s14 =	sadd.s32 $0x40, s29  }
0x2c4: {  	[hbm4b:s14+s3] =	stream.linear.scatter [tilespmem:s1], [sflag:$0x4], $0x80, $0x38;
	[tilespmem:$0x12800] =	vst v63  }
.Ltmp12:
0x2c5: {  	s1 =	sadd.s32 $0x108A8, s13;
	s14 =	sadd.s32 $0x50, s29;
	(pc) =	sbr.rel @p0 .LBB2_26-.Ltmp12, $4  }
0x2c6: {  	[hbm4b:s14+s3] =	stream.linear.scatter [tilespmem:s1], [sflag:$0x4], $0x80, $0x38;
	[tilespmem:$0x12800] =	vst v63  }
0x2c7: {  	s1 =	sadd.s32 $0x10930, s13;
	s14 =	sadd.s32 $0x60, s29;
	s13 =	sadd.s32 $0x109B8, s13  }
0x2c8: {  	[hbm4b:s14+s3] =	stream.linear.scatter [tilespmem:s1], [sflag:$0x4], $0x80, $0x38;
	[tilespmem:$0x12800] =	vst v63  }
0x2c9: {  	s14 =	sadd.s32 $0x70, s29;
	s29 =	sadd.s32 $0x1000, s29;
	s1 =	smov.u32 s21  }
0x2ca: {  	[hbm4b:s14+s3] =	stream.linear.scatter [tilespmem:s13], [sflag:$0x4], $0x80, $0x38;
	[tilespmem:$0x12800] =	vst v63  }
0x2cb: {  	s1 =	sadd.s32 $0x10600, s0  }
0x2cc: {  	[hbm4b:s29+s3] =	stream.linear.scatter [tilespmem:s1], [sflag:$0x4], $0x80, $0x38;
	[tilespmem:$0x12800] =	vst v63  }
0x2cd: {  	s30 =	sadd.s32 $0x10688, s0;
	s31 =	sadd.s32 $0x10, s29  }
0x2ce: {  	[hbm4b:s31+s3] =	stream.linear.scatter [tilespmem:s30], [sflag:$0x4], $0x80, $0x38;
	[tilespmem:$0x12800] =	vst v63  }
0x2cf: {  	s14 =	sadd.s32 $0x10710, s0;
	s21 =	sadd.s32 $0x20, s29  }
0x2d0: {  	[hbm4b:s21+s3] =	stream.linear.scatter [tilespmem:s14], [sflag:$0x4], $0x80, $0x38;
	[tilespmem:$0x12800] =	vst v63  }
0x2d1: {  	s30 =	sadd.s32 $0x10798, s0;
	s31 =	sadd.s32 $0x30, s29  }
0x2d2: {  	[hbm4b:s31+s3] =	stream.linear.scatter [tilespmem:s30], [sflag:$0x4], $0x80, $0x38;
	[tilespmem:$0x12800] =	vst v63  }
0x2d3: {  	s14 =	sadd.s32 $0x10820, s0;
	s21 =	sadd.s32 $0x40, s29  }
0x2d4: {  	[hbm4b:s21+s3] =	stream.linear.scatter [tilespmem:s14], [sflag:$0x4], $0x80, $0x38;
	[tilespmem:$0x12800] =	vst v63  }
0x2d5: {  	s30 =	sadd.s32 $0x108A8, s0;
	s31 =	sadd.s32 $0x50, s29  }
0x2d6: {  	[hbm4b:s31+s3] =	stream.linear.scatter [tilespmem:s30], [sflag:$0x4], $0x80, $0x38;
	[tilespmem:$0x12800] =	vst v63  }
0x2d7: {  	s14 =	sadd.s32 $0x10930, s0;
	s21 =	sadd.s32 $0x60, s29  }
0x2d8: {  	[hbm4b:s21+s3] =	stream.linear.scatter [tilespmem:s14], [sflag:$0x4], $0x80, $0x38;
	[tilespmem:$0x12800] =	vst v63  }
0x2d9: {  	s28 =	sadd.s32 $0x1, s28;
	s30 =	sadd.s32 $0x109B8, s0;
	s31 =	sadd.s32 $0x70, s29  }
0x2da: {  	[hbm4b:s31+s3] =	stream.linear.scatter [tilespmem:s30], [sflag:$0x4], $0x80, $0x38;
	[tilespmem:$0x12800] =	vst v63  }
0x2db: {  	p0 =	sne.s32 s28, s12;
	_ =	swait.ge [sflag:s25], $0x2000  }
.Ltmp13:
0x2dc: {  	[sflag:s25] =	ssyncset.done $0x0;
	(pc) =	sbr.rel @p0 .LBB2_1-.Ltmp13, $4  }
0x2dd: {  	[sflag:s25] =	ssyncadd.s32 $0xFFFFE000  }
0x2de: {  	_ =	swait.ge [sflag:s26], $0x2000  }
0x2df: {  	[sflag:s26] =	ssyncset.done $0x0  }
0x2e0: {  	[sflag:s26] =	ssyncadd.s32 $0xFFFFE000  }
0x2e1: {  	_ =	sfence.sel $0x180000  }
0x2e2: {  	[bflag:$0x0] =	sbarrier.arrive $0xFFFF  }
0x2e3: {  	_ =	strace $0x90000047  }
0x2e4: {  	s0 =	stileid.u32;
	[bflag:$0x2] =	sbarrier.arrive $0xFFFF  }
0x2e5: {  	p0 =	sne.s32 s0, $0x0;
	s0 =	rddreg [dreg:$0x3]  }
0x2e6: {  	s0 =	sadd.s32 @!p0 $0x100000, s0  }
0x2e7: {  	[sflag:s0] =	ssyncadd.tile.s32 @!p0 $0x1;
	_ =	shalt  }
.Lfunc_end2:
_tile_overlayer_lowered:
.L_overlay_start_2:
0x2e8: {  	(tag) =	ssettag $0x2  }
0x2e9: {  	s0 =	rddreg [dreg:$0x0];
	s2 =	stileid.u32  }
0x2ea: {  	s1 =	rddreg [dreg:$0x1];
	p0 =	sne.s32 s2, $0x0  }
0x2eb: {  	s3 =	rddreg [dreg:$0x2];
	[bflag:$0x3] =	sbarrier.arrive $0xFFFF;
	s2 =	simm.s32 @!p0 $0x1C05  }
0x2ec: {  	[timem:s3], [sflag:s2] =	dma.local @!p0 [hbm:s0], s1  }
0x2ed: {  	s0 =	simm.s32 @!p0 $0x5  }
0x2ee: {  	_ =	swait.ge @!p0 [sflag:s0], s1  }
0x2ef: {  	s1 =	ssub.s32 @!p0 $0x0, s1;
	[sflag:s0] =	ssyncset.done @!p0 $0x0  }
0x2f0: {  	[sflag:s0] =	ssyncadd.s32 @!p0 s1  }
0x2f1: {  	[bflag:$0x3] =	sbarrier.arrive $0xFFFF  }
0x2f2: {  	_ =	shalt  }

</sc_bundles>
